<compile_context>
chip_gen: v7x
topology: tpu7x:2x2x1
jax: 0.10.2.dev20260603
libtpu: 0.0.44.dev20260713+nightly
codegen_flags: <defaults>
</compile_context>

<pallas_src>
import functools

import jax
import jax.numpy as jnp
from jax import lax
from jax.experimental import pallas as pl
from jax.experimental.pallas import tpu as pltpu
from jax.experimental.pallas import tpu_sc as plsc

VOCAB = 100000
D = 128
S = 200
B = 4096
FLAT = B * S
NC, NS, L = 2, 16, 16
NW = NC * NS
PER_W = FLAT // NW
CHUNK = S
NCHUNK = PER_W // CHUNK
NBUF = 4
SCALE = float(D) ** 0.5


def _positional_encoding(seq_len, d_model):
    position = jnp.arange(0, seq_len, dtype=jnp.float32)[:, None]
    _2i = jnp.arange(0, d_model, 2, dtype=jnp.float32)
    angle = position / jnp.power(10000.0, _2i / d_model)
    enc = jnp.zeros((seq_len, d_model), dtype=jnp.float32)
    enc = enc.at[:, 0::2].set(jnp.sin(angle))
    enc = enc.at[:, 1::2].set(jnp.cos(angle))
    return enc


def _make_sc_kernel():
    mesh = plsc.VectorSubcoreMesh(core_axis_name="c", subcore_axis_name="s",
                                  num_cores=NC, num_subcores=NS)

    @functools.partial(
        pl.kernel,
        out_type=jax.ShapeDtypeStruct((FLAT, D), jnp.float32),
        mesh=mesh,
        scratch_types=[
            pltpu.VMEM((S, D), jnp.float32),
            tuple(pltpu.VMEM((CHUNK, D), jnp.float32) for _ in range(NBUF)),
            tuple(pltpu.VMEM((CHUNK,), jnp.int32) for _ in range(NBUF)),
            tuple(pltpu.SemaphoreType.DMA for _ in range(NBUF)),
            tuple(pltpu.SemaphoreType.DMA for _ in range(NBUF)),
            tuple(pltpu.SemaphoreType.DMA for _ in range(NBUF)),
        ],
    )
    def emb_kernel(table_hbm, idx_hbm, pe_hbm, out_hbm,
                   pe_v, bufs, idxs, gsems, psems, isems):
        wid = lax.axis_index("s") * NC + lax.axis_index("c")
        base = wid * PER_W

        pltpu.sync_copy(pe_hbm, pe_v)

        def start_idx(g, s):
            pltpu.async_copy(
                idx_hbm.at[pl.ds(base + g * CHUNK, CHUNK)], idxs[s], isems[s])

        def wait_idx(s):
            pltpu.make_async_copy(
                idx_hbm.at[pl.ds(base, CHUNK)], idxs[s], isems[s]).wait()

        def start_gather(g, s):
            pltpu.async_copy(table_hbm.at[idxs[s]], bufs[s], gsems[s])

        def wait_gather(s):
            pltpu.make_async_copy(
                table_hbm.at[idxs[s]], bufs[s], gsems[s]).wait()

        def start_put(g, s):
            pltpu.async_copy(
                bufs[s], out_hbm.at[pl.ds(base + g * CHUNK, CHUNK)], psems[s])

        def wait_put(s):
            pltpu.make_async_copy(
                bufs[s], out_hbm.at[pl.ds(base, CHUNK)], psems[s]).wait()

        def compute(s):
            buf = bufs[s]

            @pl.loop(0, CHUNK)
            def _(r):
                for j in range(D // L):
                    sl = pl.ds(j * L, L)
                    buf[r, sl] = buf[r, sl] * SCALE + pe_v[r, sl]

        def step(g, s, idx_g=None, gather_g=None, put_wait=True):
            wait_gather(s)
            compute(s)
            start_put(g, s)
            if idx_g is not None:
                start_idx(idx_g, s)
            if gather_g is not None:
                s2 = (s + 2) % NBUF
                if put_wait:
                    wait_put(s2)
                wait_idx(s2)
                start_gather(gather_g, s2)

        for b in range(NBUF):
            start_idx(b, b)
        for b in range(2):
            wait_idx(b)
            start_gather(b, b)
        step(0, 0, idx_g=4, gather_g=2, put_wait=False)
        step(1, 1, idx_g=5, gather_g=3, put_wait=False)
        step(2, 2, idx_g=6, gather_g=4, put_wait=True)
        step(3, 3, idx_g=7, gather_g=5, put_wait=True)

        @pl.loop(1, NCHUNK // NBUF - 1)
        def _(i):
            g0 = i * NBUF
            for b in range(NBUF):
                step(g0 + b, b, idx_g=g0 + b + NBUF, gather_g=g0 + b + 2)

        step(NCHUNK - 4, 0, gather_g=NCHUNK - 2)
        step(NCHUNK - 3, 1, gather_g=NCHUNK - 1)
        step(NCHUNK - 2, 2)
        step(NCHUNK - 1, 3)
        for b in range(NBUF):
            wait_put(b)

    return emb_kernel


_make_sc_kernel = functools.cache(_make_sc_kernel)


@jax.jit
def kernel(x, table):
    idx = x.reshape(-1).astype(jnp.int32)
    pe = _positional_encoding(S, D)
    out = _make_sc_kernel()(table, idx, pe)
    return out.reshape(B, S, D)

# --- scband reference (transcript-rebuilt; emitter-appended) ---
"""Pipeline reference for scband-embedding-77129022701896 (READ-ONLY COPY).

The authoritative reference and input builder live on the scoring server;
editing this copy changes nothing except your own understanding.
"""

import jax, jax.numpy as jnp
import numpy as np

VOCAB = 100000
D_MODEL = 128
MAX_SEQ_LEN = 256
BATCH = 4096
SEQ = 200


def make_positional_encoding(max_seq_len, d_model):
    position = jnp.arange(0, max_seq_len, dtype=jnp.float32)[:, None]
    _2i = jnp.arange(0, d_model, 2, dtype=jnp.float32)
    angle = position / jnp.power(10000.0, _2i / d_model)
    enc = jnp.zeros((max_seq_len, d_model), dtype=jnp.float32)
    enc = enc.at[:, 0::2].set(jnp.sin(angle))
    enc = enc.at[:, 1::2].set(jnp.cos(angle))
    return enc[None, :, :]  # [1, max_seq_len, d_model]


def setup_inputs(seed: int = 0) -> dict:
    key = jax.random.key(seed)
    k_idx, k_tab = jax.random.split(key)
    x = jax.random.randint(k_idx, (BATCH, SEQ), 0, VOCAB, dtype=jnp.int64 if jax.config.jax_enable_x64 else jnp.int32)
    table = jax.random.normal(k_tab, (VOCAB, D_MODEL), dtype=jnp.float32)
    return {"x": x, "table": table}


def reference(x, table):
    # TokenEmbedding: gather + scale by sqrt(d_model)
    emb = jnp.take(table, x, axis=0) * (D_MODEL ** 0.5)  # [B, S, D]
    # PositionalEncoding: add fixed sinusoidal encoding (non-learned buffer)
    pe = make_positional_encoding(MAX_SEQ_LEN, D_MODEL)
    out = emb + pe[:, : x.shape[1], :]
    # Dropout in eval mode = identity
    return out

if __name__ == "__main__":
    import jax
    _d = setup_inputs()
    print(jax.jit(kernel)(*tuple(_d.values())))

</pallas_src>

<mosaic_0001>
#map = affine_map<(d0, d1) -> (0, 0)>
#map1 = affine_map<(d0, d1) -> (0)>
module attributes {stable_mosaic.version = 14 : i64} {
  func.func @emb_kernel(%arg0: i32, %arg1: i32, %arg2: memref<100000x128xf32, #tpu.memory_space<hbm>>, %arg3: memref<819200xi32, #tpu.memory_space<hbm>>, %arg4: memref<200x128xf32, #tpu.memory_space<hbm>>, %arg5: memref<819200x128xf32, #tpu.memory_space<hbm>>, %arg6: memref<200x128xf32, #tpu.memory_space<vmem>>, %arg7: memref<200x128xf32, #tpu.memory_space<vmem>>, %arg8: memref<200x128xf32, #tpu.memory_space<vmem>>, %arg9: memref<200x128xf32, #tpu.memory_space<vmem>>, %arg10: memref<200x128xf32, #tpu.memory_space<vmem>>, %arg11: memref<200xi32, #tpu.memory_space<vmem>>, %arg12: memref<200xi32, #tpu.memory_space<vmem>>, %arg13: memref<200xi32, #tpu.memory_space<vmem>>, %arg14: memref<200xi32, #tpu.memory_space<vmem>>, %arg15: memref<!tpu.dma_semaphore, #tpu.memory_space<semaphore_mem>>, %arg16: memref<!tpu.dma_semaphore, #tpu.memory_space<semaphore_mem>>, %arg17: memref<!tpu.dma_semaphore, #tpu.memory_space<semaphore_mem>>, %arg18: memref<!tpu.dma_semaphore, #tpu.memory_space<semaphore_mem>>, %arg19: memref<!tpu.dma_semaphore, #tpu.memory_space<semaphore_mem>>, %arg20: memref<!tpu.dma_semaphore, #tpu.memory_space<semaphore_mem>>, %arg21: memref<!tpu.dma_semaphore, #tpu.memory_space<semaphore_mem>>, %arg22: memref<!tpu.dma_semaphore, #tpu.memory_space<semaphore_mem>>, %arg23: memref<!tpu.dma_semaphore, #tpu.memory_space<semaphore_mem>>, %arg24: memref<!tpu.dma_semaphore, #tpu.memory_space<semaphore_mem>>, %arg25: memref<!tpu.dma_semaphore, #tpu.memory_space<semaphore_mem>>, %arg26: memref<!tpu.dma_semaphore, #tpu.memory_space<semaphore_mem>>) attributes {dimension_semantics = [#tpu.dimension_semantics<core_parallel>, #tpu.dimension_semantics<subcore_parallel>], iteration_bounds = array<i64: 2, 16>, scalar_prefetch = 0 : i64, scratch_operands = 21 : i64, tpu.core_type = #tpu.core_type<sc_vector_subcore>, window_params = [{transform_indices = #map}, {transform_indices = #map1}, {transform_indices = #map}, {transform_indices = #map}]} {
    %mul3A = arith.constant 2 : i32
    %mul3A_0 = arith.muli %arg1, %mul3A : i32
    %add3A = arith.addi %mul3A_0, %arg0 : i32
    %mul3A_1 = arith.constant 25600 : i32
    %mul3A_2 = arith.muli %add3A, %mul3A_1 : i32
    "tpu.region"() ({
      %run_scoped3A = tpu.sem_alloc : memref<!tpu.dma_semaphore, #tpu.memory_space<semaphore_mem>>
      tpu.enqueue_dma source(%arg4 : memref<200x128xf32, #tpu.memory_space<hbm>>) target(%arg6 : memref<200x128xf32, #tpu.memory_space<vmem>>) target_semaphore(%run_scoped3A : memref<!tpu.dma_semaphore, #tpu.memory_space<semaphore_mem>>)
      tpu.wait_dma2 semaphore(%run_scoped3A : memref<!tpu.dma_semaphore, #tpu.memory_space<semaphore_mem>>) src(%arg4 : memref<200x128xf32, #tpu.memory_space<hbm>>) dst(%arg6 : memref<200x128xf32, #tpu.memory_space<vmem>>)
      tpu.yield
    }) : () -> ()
    %add3A_3 = arith.constant 0 : i32
    %add3A_4 = arith.addi %mul3A_2, %add3A_3 : i32
    %dma_start3A = tpu.memref_slice %arg3[%add3A_4] : memref<819200xi32, #tpu.memory_space<hbm>> -> memref<200xi32, #tpu.memory_space<hbm>>
    %dma_start3A_5 = tpu.memref_slice %arg3[%add3A_4] : memref<819200xi32, #tpu.memory_space<hbm>> -> memref<200xi32, #tpu.memory_space<hbm>>
    tpu.enqueue_dma source(%dma_start3A_5 : memref<200xi32, #tpu.memory_space<hbm>>) target(%arg11 : memref<200xi32, #tpu.memory_space<vmem>>) target_semaphore(%arg23 : memref<!tpu.dma_semaphore, #tpu.memory_space<semaphore_mem>>)
    %add3A_6 = arith.constant 200 : i32
    %add3A_7 = arith.addi %mul3A_2, %add3A_6 : i32
    %dma_start3A_8 = tpu.memref_slice %arg3[%add3A_7] : memref<819200xi32, #tpu.memory_space<hbm>> -> memref<200xi32, #tpu.memory_space<hbm>>
    %dma_start3A_9 = tpu.memref_slice %arg3[%add3A_7] : memref<819200xi32, #tpu.memory_space<hbm>> -> memref<200xi32, #tpu.memory_space<hbm>>
    tpu.enqueue_dma source(%dma_start3A_9 : memref<200xi32, #tpu.memory_space<hbm>>) target(%arg12 : memref<200xi32, #tpu.memory_space<vmem>>) target_semaphore(%arg24 : memref<!tpu.dma_semaphore, #tpu.memory_space<semaphore_mem>>)
    %add3A_10 = arith.constant 400 : i32
    %add3A_11 = arith.addi %mul3A_2, %add3A_10 : i32
    %dma_start3A_12 = tpu.memref_slice %arg3[%add3A_11] : memref<819200xi32, #tpu.memory_space<hbm>> -> memref<200xi32, #tpu.memory_space<hbm>>
    %dma_start3A_13 = tpu.memref_slice %arg3[%add3A_11] : memref<819200xi32, #tpu.memory_space<hbm>> -> memref<200xi32, #tpu.memory_space<hbm>>
    tpu.enqueue_dma source(%dma_start3A_13 : memref<200xi32, #tpu.memory_space<hbm>>) target(%arg13 : memref<200xi32, #tpu.memory_space<vmem>>) target_semaphore(%arg25 : memref<!tpu.dma_semaphore, #tpu.memory_space<semaphore_mem>>)
    %add3A_14 = arith.constant 600 : i32
    %add3A_15 = arith.addi %mul3A_2, %add3A_14 : i32
    %dma_start3A_16 = tpu.memref_slice %arg3[%add3A_15] : memref<819200xi32, #tpu.memory_space<hbm>> -> memref<200xi32, #tpu.memory_space<hbm>>
    %dma_start3A_17 = tpu.memref_slice %arg3[%add3A_15] : memref<819200xi32, #tpu.memory_space<hbm>> -> memref<200xi32, #tpu.memory_space<hbm>>
    tpu.enqueue_dma source(%dma_start3A_17 : memref<200xi32, #tpu.memory_space<hbm>>) target(%arg14 : memref<200xi32, #tpu.memory_space<vmem>>) target_semaphore(%arg26 : memref<!tpu.dma_semaphore, #tpu.memory_space<semaphore_mem>>)
    %dma_wait3A = tpu.memref_slice %arg3[%mul3A_2] : memref<819200xi32, #tpu.memory_space<hbm>> -> memref<200xi32, #tpu.memory_space<hbm>>
    %dma_wait3A_18 = tpu.memref_slice %arg3[%mul3A_2] : memref<819200xi32, #tpu.memory_space<hbm>> -> memref<200xi32, #tpu.memory_space<hbm>>
    tpu.wait_dma2 semaphore(%arg23 : memref<!tpu.dma_semaphore, #tpu.memory_space<semaphore_mem>>) src(%dma_wait3A_18 : memref<200xi32, #tpu.memory_space<hbm>>) dst(%arg11 : memref<200xi32, #tpu.memory_space<vmem>>)
    %dma_start3A_19 = arith.constant 0 : i32
    %dma_start3A_20 = arith.constant 0 : i32
    %dma_start3A_21 = tpu.memref_slice %arg2[%dma_start3A_19, %dma_start3A_20] : memref<100000x128xf32, #tpu.memory_space<hbm>> -> memref<100000x128xf32, #tpu.memory_space<hbm>>
    tpu.enqueue_indirect_dma source(%dma_start3A_21 : memref<100000x128xf32, #tpu.memory_space<hbm>>) target(%arg7 : memref<200x128xf32, #tpu.memory_space<vmem>>) offsets(%arg11 : memref<200xi32, #tpu.memory_space<vmem>>) semaphore(%arg15 : memref<!tpu.dma_semaphore, #tpu.memory_space<semaphore_mem>>)
    %dma_wait3A_22 = tpu.memref_slice %arg3[%mul3A_2] : memref<819200xi32, #tpu.memory_space<hbm>> -> memref<200xi32, #tpu.memory_space<hbm>>
    %dma_wait3A_23 = tpu.memref_slice %arg3[%mul3A_2] : memref<819200xi32, #tpu.memory_space<hbm>> -> memref<200xi32, #tpu.memory_space<hbm>>
    tpu.wait_dma2 semaphore(%arg24 : memref<!tpu.dma_semaphore, #tpu.memory_space<semaphore_mem>>) src(%dma_wait3A_23 : memref<200xi32, #tpu.memory_space<hbm>>) dst(%arg12 : memref<200xi32, #tpu.memory_space<vmem>>)
    %dma_start3A_24 = arith.constant 0 : i32
    %dma_start3A_25 = arith.constant 0 : i32
    %dma_start3A_26 = tpu.memref_slice %arg2[%dma_start3A_24, %dma_start3A_25] : memref<100000x128xf32, #tpu.memory_space<hbm>> -> memref<100000x128xf32, #tpu.memory_space<hbm>>
    tpu.enqueue_indirect_dma source(%dma_start3A_26 : memref<100000x128xf32, #tpu.memory_space<hbm>>) target(%arg8 : memref<200x128xf32, #tpu.memory_space<vmem>>) offsets(%arg12 : memref<200xi32, #tpu.memory_space<vmem>>) semaphore(%arg16 : memref<!tpu.dma_semaphore, #tpu.memory_space<semaphore_mem>>)
    %dma_wait3A_27 = arith.constant 0 : i32
    %dma_wait3A_28 = arith.constant 0 : i32
    %dma_wait3A_29 = tpu.memref_slice %arg2[%dma_wait3A_27, %dma_wait3A_28] : memref<100000x128xf32, #tpu.memory_space<hbm>> -> memref<100000x128xf32, #tpu.memory_space<hbm>>
    tpu.wait_indirect_dma semaphore(%arg15 : memref<!tpu.dma_semaphore, #tpu.memory_space<semaphore_mem>>) src(%dma_wait3A_29 : memref<100000x128xf32, #tpu.memory_space<hbm>>) dst(%arg7 : memref<200x128xf32, #tpu.memory_space<vmem>>)
    %scan3A = arith.constant 0 : i32
    %scan3A_30 = arith.constant 200 : i32
    %scan3A_31 = arith.addi %scan3A, %scan3A_30 : i32
    %scan3A_32 = arith.constant 1 : i32
    scf.for %scan3A_221 = %scan3A to %scan3A_31 step %scan3A_32  : i32 {
      %mul3A_222 = arith.constant 1 : i32
      %mul3A_223 = arith.muli %scan3A_221, %mul3A_222 : i32
      %add3A_224 = arith.constant 0 : i32
      %add3A_225 = arith.addi %add3A_224, %mul3A_223 : i32
      %get3A = arith.index_cast %add3A_225 : i32 to index
      %get3A_226 = arith.constant 0 : index
      %get3A_227 = tpu.vector_load %arg7[%get3A, %get3A_226] {strides = array<i32>} : memref<200x128xf32, #tpu.memory_space<vmem>>, vector<1x16xf32>,
      %get3A_228 = vector.shape_cast %get3A_227 : vector<1x16xf32> to vector<16xf32>
      %mul3A_229 = arith.constant 11.3137083 : f32
      %mul3A_230 = vector.broadcast %mul3A_229 : f32 to vector<16xf32>
      %mul3A_231 = arith.mulf %get3A_228, %mul3A_230 : vector<16xf32>
      %get3A_232 = arith.index_cast %add3A_225 : i32 to index
      %get3A_233 = arith.constant 0 : index
      %get3A_234 = tpu.vector_load %arg6[%get3A_232, %get3A_233] {strides = array<i32>} : memref<200x128xf32, #tpu.memory_space<vmem>>, vector<1x16xf32>,
      %get3A_235 = vector.shape_cast %get3A_234 : vector<1x16xf32> to vector<16xf32>
      %add3A_236 = arith.addf %mul3A_231, %get3A_235 : vector<16xf32>
      %swap3A = arith.index_cast %add3A_225 : i32 to index
      %swap3A_237 = arith.constant 0 : index
      %swap3A_238 = tpu.vector_load %arg7[%swap3A, %swap3A_237] {strides = array<i32>} : memref<200x128xf32, #tpu.memory_space<vmem>>, vector<1x16xf32>,
      %swap3A_239 = vector.shape_cast %swap3A_238 : vector<1x16xf32> to vector<16xf32>
      %swap3A_240 = vector.shape_cast %add3A_236 : vector<16xf32> to vector<1x16xf32>
      tpu.vector_store %arg7[%swap3A, %swap3A_237], %swap3A_240 {strides = array<i32>} : memref<200x128xf32, #tpu.memory_space<vmem>>, vector<1x16xf32>,
      %get3A_241 = arith.index_cast %add3A_225 : i32 to index
      %get3A_242 = arith.constant 16 : index
      %get3A_243 = tpu.vector_load %arg7[%get3A_241, %get3A_242] {strides = array<i32>} : memref<200x128xf32, #tpu.memory_space<vmem>>, vector<1x16xf32>,
      %get3A_244 = vector.shape_cast %get3A_243 : vector<1x16xf32> to vector<16xf32>
      %mul3A_245 = arith.constant 11.3137083 : f32
      %mul3A_246 = vector.broadcast %mul3A_245 : f32 to vector<16xf32>
      %mul3A_247 = arith.mulf %get3A_244, %mul3A_246 : vector<16xf32>
      %get3A_248 = arith.index_cast %add3A_225 : i32 to index
      %get3A_249 = arith.constant 16 : index
      %get3A_250 = tpu.vector_load %arg6[%get3A_248, %get3A_249] {strides = array<i32>} : memref<200x128xf32, #tpu.memory_space<vmem>>, vector<1x16xf32>,
      %get3A_251 = vector.shape_cast %get3A_250 : vector<1x16xf32> to vector<16xf32>
      %add3A_252 = arith.addf %mul3A_247, %get3A_251 : vector<16xf32>
      %swap3A_253 = arith.index_cast %add3A_225 : i32 to index
      %swap3A_254 = arith.constant 16 : index
      %swap3A_255 = tpu.vector_load %arg7[%swap3A_253, %swap3A_254] {strides = array<i32>} : memref<200x128xf32, #tpu.memory_space<vmem>>, vector<1x16xf32>,
      %swap3A_256 = vector.shape_cast %swap3A_255 : vector<1x16xf32> to vector<16xf32>
      %swap3A_257 = vector.shape_cast %add3A_252 : vector<16xf32> to vector<1x16xf32>
      tpu.vector_store %arg7[%swap3A_253, %swap3A_254], %swap3A_257 {strides = array<i32>} : memref<200x128xf32, #tpu.memory_space<vmem>>, vector<1x16xf32>,
      %get3A_258 = arith.index_cast %add3A_225 : i32 to index
      %get3A_259 = arith.constant 32 : index
      %get3A_260 = tpu.vector_load %arg7[%get3A_258, %get3A_259] {strides = array<i32>} : memref<200x128xf32, #tpu.memory_space<vmem>>, vector<1x16xf32>,
      %get3A_261 = vector.shape_cast %get3A_260 : vector<1x16xf32> to vector<16xf32>
      %mul3A_262 = arith.constant 11.3137083 : f32
      %mul3A_263 = vector.broadcast %mul3A_262 : f32 to vector<16xf32>
      %mul3A_264 = arith.mulf %get3A_261, %mul3A_263 : vector<16xf32>
      %get3A_265 = arith.index_cast %add3A_225 : i32 to index
      %get3A_266 = arith.constant 32 : index
      %get3A_267 = tpu.vector_load %arg6[%get3A_265, %get3A_266] {strides = array<i32>} : memref<200x128xf32, #tpu.memory_space<vmem>>, vector<1x16xf32>,
      %get3A_268 = vector.shape_cast %get3A_267 : vector<1x16xf32> to vector<16xf32>
      %add3A_269 = arith.addf %mul3A_264, %get3A_268 : vector<16xf32>
      %swap3A_270 = arith.index_cast %add3A_225 : i32 to index
      %swap3A_271 = arith.constant 32 : index
      %swap3A_272 = tpu.vector_load %arg7[%swap3A_270, %swap3A_271] {strides = array<i32>} : memref<200x128xf32, #tpu.memory_space<vmem>>, vector<1x16xf32>,
      %swap3A_273 = vector.shape_cast %swap3A_272 : vector<1x16xf32> to vector<16xf32>
      %swap3A_274 = vector.shape_cast %add3A_269 : vector<16xf32> to vector<1x16xf32>
      tpu.vector_store %arg7[%swap3A_270, %swap3A_271], %swap3A_274 {strides = array<i32>} : memref<200x128xf32, #tpu.memory_space<vmem>>, vector<1x16xf32>,
      %get3A_275 = arith.index_cast %add3A_225 : i32 to index
      %get3A_276 = arith.constant 48 : index
      %get3A_277 = tpu.vector_load %arg7[%get3A_275, %get3A_276] {strides = array<i32>} : memref<200x128xf32, #tpu.memory_space<vmem>>, vector<1x16xf32>,
      %get3A_278 = vector.shape_cast %get3A_277 : vector<1x16xf32> to vector<16xf32>
      %mul3A_279 = arith.constant 11.3137083 : f32
      %mul3A_280 = vector.broadcast %mul3A_279 : f32 to vector<16xf32>
      %mul3A_281 = arith.mulf %get3A_278, %mul3A_280 : vector<16xf32>
      %get3A_282 = arith.index_cast %add3A_225 : i32 to index
      %get3A_283 = arith.constant 48 : index
      %get3A_284 = tpu.vector_load %arg6[%get3A_282, %get3A_283] {strides = array<i32>} : memref<200x128xf32, #tpu.memory_space<vmem>>, vector<1x16xf32>,
      %get3A_285 = vector.shape_cast %get3A_284 : vector<1x16xf32> to vector<16xf32>
      %add3A_286 = arith.addf %mul3A_281, %get3A_285 : vector<16xf32>
      %swap3A_287 = arith.index_cast %add3A_225 : i32 to index
      %swap3A_288 = arith.constant 48 : index
      %swap3A_289 = tpu.vector_load %arg7[%swap3A_287, %swap3A_288] {strides = array<i32>} : memref<200x128xf32, #tpu.memory_space<vmem>>, vector<1x16xf32>,
      %swap3A_290 = vector.shape_cast %swap3A_289 : vector<1x16xf32> to vector<16xf32>
      %swap3A_291 = vector.shape_cast %add3A_286 : vector<16xf32> to vector<1x16xf32>
      tpu.vector_store %arg7[%swap3A_287, %swap3A_288], %swap3A_291 {strides = array<i32>} : memref<200x128xf32, #tpu.memory_space<vmem>>, vector<1x16xf32>,
      %get3A_292 = arith.index_cast %add3A_225 : i32 to index
      %get3A_293 = arith.constant 64 : index
      %get3A_294 = tpu.vector_load %arg7[%get3A_292, %get3A_293] {strides = array<i32>} : memref<200x128xf32, #tpu.memory_space<vmem>>, vector<1x16xf32>,
      %get3A_295 = vector.shape_cast %get3A_294 : vector<1x16xf32> to vector<16xf32>
      %mul3A_296 = arith.constant 11.3137083 : f32
      %mul3A_297 = vector.broadcast %mul3A_296 : f32 to vector<16xf32>
      %mul3A_298 = arith.mulf %get3A_295, %mul3A_297 : vector<16xf32>
      %get3A_299 = arith.index_cast %add3A_225 : i32 to index
      %get3A_300 = arith.constant 64 : index
      %get3A_301 = tpu.vector_load %arg6[%get3A_299, %get3A_300] {strides = array<i32>} : memref<200x128xf32, #tpu.memory_space<vmem>>, vector<1x16xf32>,
      %get3A_302 = vector.shape_cast %get3A_301 : vector<1x16xf32> to vector<16xf32>
      %add3A_303 = arith.addf %mul3A_298, %get3A_302 : vector<16xf32>
      %swap3A_304 = arith.index_cast %add3A_225 : i32 to index
      %swap3A_305 = arith.constant 64 : index
      %swap3A_306 = tpu.vector_load %arg7[%swap3A_304, %swap3A_305] {strides = array<i32>} : memref<200x128xf32, #tpu.memory_space<vmem>>, vector<1x16xf32>,
      %swap3A_307 = vector.shape_cast %swap3A_306 : vector<1x16xf32> to vector<16xf32>
      %swap3A_308 = vector.shape_cast %add3A_303 : vector<16xf32> to vector<1x16xf32>
      tpu.vector_store %arg7[%swap3A_304, %swap3A_305], %swap3A_308 {strides = array<i32>} : memref<200x128xf32, #tpu.memory_space<vmem>>, vector<1x16xf32>,
      %get3A_309 = arith.index_cast %add3A_225 : i32 to index
      %get3A_310 = arith.constant 80 : index
      %get3A_311 = tpu.vector_load %arg7[%get3A_309, %get3A_310] {strides = array<i32>} : memref<200x128xf32, #tpu.memory_space<vmem>>, vector<1x16xf32>,
      %get3A_312 = vector.shape_cast %get3A_311 : vector<1x16xf32> to vector<16xf32>
      %mul3A_313 = arith.constant 11.3137083 : f32
      %mul3A_314 = vector.broadcast %mul3A_313 : f32 to vector<16xf32>
      %mul3A_315 = arith.mulf %get3A_312, %mul3A_314 : vector<16xf32>
      %get3A_316 = arith.index_cast %add3A_225 : i32 to index
      %get3A_317 = arith.constant 80 : index
      %get3A_318 = tpu.vector_load %arg6[%get3A_316, %get3A_317] {strides = array<i32>} : memref<200x128xf32, #tpu.memory_space<vmem>>, vector<1x16xf32>,
      %get3A_319 = vector.shape_cast %get3A_318 : vector<1x16xf32> to vector<16xf32>
      %add3A_320 = arith.addf %mul3A_315, %get3A_319 : vector<16xf32>
      %swap3A_321 = arith.index_cast %add3A_225 : i32 to index
      %swap3A_322 = arith.constant 80 : index
      %swap3A_323 = tpu.vector_load %arg7[%swap3A_321, %swap3A_322] {strides = array<i32>} : memref<200x128xf32, #tpu.memory_space<vmem>>, vector<1x16xf32>,
      %swap3A_324 = vector.shape_cast %swap3A_323 : vector<1x16xf32> to vector<16xf32>
      %swap3A_325 = vector.shape_cast %add3A_320 : vector<16xf32> to vector<1x16xf32>
      tpu.vector_store %arg7[%swap3A_321, %swap3A_322], %swap3A_325 {strides = array<i32>} : memref<200x128xf32, #tpu.memory_space<vmem>>, vector<1x16xf32>,
      %get3A_326 = arith.index_cast %add3A_225 : i32 to index
      %get3A_327 = arith.constant 96 : index
      %get3A_328 = tpu.vector_load %arg7[%get3A_326, %get3A_327] {strides = array<i32>} : memref<200x128xf32, #tpu.memory_space<vmem>>, vector<1x16xf32>,
      %get3A_329 = vector.shape_cast %get3A_328 : vector<1x16xf32> to vector<16xf32>
      %mul3A_330 = arith.constant 11.3137083 : f32
      %mul3A_331 = vector.broadcast %mul3A_330 : f32 to vector<16xf32>
      %mul3A_332 = arith.mulf %get3A_329, %mul3A_331 : vector<16xf32>
      %get3A_333 = arith.index_cast %add3A_225 : i32 to index
      %get3A_334 = arith.constant 96 : index
      %get3A_335 = tpu.vector_load %arg6[%get3A_333, %get3A_334] {strides = array<i32>} : memref<200x128xf32, #tpu.memory_space<vmem>>, vector<1x16xf32>,
      %get3A_336 = vector.shape_cast %get3A_335 : vector<1x16xf32> to vector<16xf32>
      %add3A_337 = arith.addf %mul3A_332, %get3A_336 : vector<16xf32>
      %swap3A_338 = arith.index_cast %add3A_225 : i32 to index
      %swap3A_339 = arith.constant 96 : index
      %swap3A_340 = tpu.vector_load %arg7[%swap3A_338, %swap3A_339] {strides = array<i32>} : memref<200x128xf32, #tpu.memory_space<vmem>>, vector<1x16xf32>,
      %swap3A_341 = vector.shape_cast %swap3A_340 : vector<1x16xf32> to vector<16xf32>
      %swap3A_342 = vector.shape_cast %add3A_337 : vector<16xf32> to vector<1x16xf32>
      tpu.vector_store %arg7[%swap3A_338, %swap3A_339], %swap3A_342 {strides = array<i32>} : memref<200x128xf32, #tpu.memory_space<vmem>>, vector<1x16xf32>,
      %get3A_343 = arith.index_cast %add3A_225 : i32 to index
      %get3A_344 = arith.constant 112 : index
      %get3A_345 = tpu.vector_load %arg7[%get3A_343, %get3A_344] {strides = array<i32>} : memref<200x128xf32, #tpu.memory_space<vmem>>, vector<1x16xf32>,
      %get3A_346 = vector.shape_cast %get3A_345 : vector<1x16xf32> to vector<16xf32>
      %mul3A_347 = arith.constant 11.3137083 : f32
      %mul3A_348 = vector.broadcast %mul3A_347 : f32 to vector<16xf32>
      %mul3A_349 = arith.mulf %get3A_346, %mul3A_348 : vector<16xf32>
      %get3A_350 = arith.index_cast %add3A_225 : i32 to index
      %get3A_351 = arith.constant 112 : index
      %get3A_352 = tpu.vector_load %arg6[%get3A_350, %get3A_351] {strides = array<i32>} : memref<200x128xf32, #tpu.memory_space<vmem>>, vector<1x16xf32>,
      %get3A_353 = vector.shape_cast %get3A_352 : vector<1x16xf32> to vector<16xf32>
      %add3A_354 = arith.addf %mul3A_349, %get3A_353 : vector<16xf32>
      %swap3A_355 = arith.index_cast %add3A_225 : i32 to index
      %swap3A_356 = arith.constant 112 : index
      %swap3A_357 = tpu.vector_load %arg7[%swap3A_355, %swap3A_356] {strides = array<i32>} : memref<200x128xf32, #tpu.memory_space<vmem>>, vector<1x16xf32>,
      %swap3A_358 = vector.shape_cast %swap3A_357 : vector<1x16xf32> to vector<16xf32>
      %swap3A_359 = vector.shape_cast %add3A_354 : vector<16xf32> to vector<1x16xf32>
      tpu.vector_store %arg7[%swap3A_355, %swap3A_356], %swap3A_359 {strides = array<i32>} : memref<200x128xf32, #tpu.memory_space<vmem>>, vector<1x16xf32>,
    }
    %scan3A_33 = arith.constant 200 : i32
    %add3A_34 = arith.constant 0 : i32
    %add3A_35 = arith.addi %mul3A_2, %add3A_34 : i32
    %dma_start3A_36 = arith.constant 0 : i32
    %dma_start3A_37 = tpu.memref_slice %arg5[%add3A_35, %dma_start3A_36] : memref<819200x128xf32, #tpu.memory_space<hbm>> -> memref<200x128xf32, #tpu.memory_space<hbm>>
    %dma_start3A_38 = arith.constant 0 : i32
    %dma_start3A_39 = tpu.memref_slice %arg5[%add3A_35, %dma_start3A_38] : memref<819200x128xf32, #tpu.memory_space<hbm>> -> memref<200x128xf32, #tpu.memory_space<hbm>>
    tpu.enqueue_dma source(%arg7 : memref<200x128xf32, #tpu.memory_space<vmem>>) target(%dma_start3A_39 : memref<200x128xf32, #tpu.memory_space<hbm>>) target_semaphore(%arg19 : memref<!tpu.dma_semaphore, #tpu.memory_space<semaphore_mem>>)
    %add3A_40 = arith.constant 800 : i32
    %add3A_41 = arith.addi %mul3A_2, %add3A_40 : i32
    %dma_start3A_42 = tpu.memref_slice %arg3[%add3A_41] : memref<819200xi32, #tpu.memory_space<hbm>> -> memref<200xi32, #tpu.memory_space<hbm>>
    %dma_start3A_43 = tpu.memref_slice %arg3[%add3A_41] : memref<819200xi32, #tpu.memory_space<hbm>> -> memref<200xi32, #tpu.memory_space<hbm>>
    tpu.enqueue_dma source(%dma_start3A_43 : memref<200xi32, #tpu.memory_space<hbm>>) target(%arg11 : memref<200xi32, #tpu.memory_space<vmem>>) target_semaphore(%arg23 : memref<!tpu.dma_semaphore, #tpu.memory_space<semaphore_mem>>)
    %dma_wait3A_44 = tpu.memref_slice %arg3[%mul3A_2] : memref<819200xi32, #tpu.memory_space<hbm>> -> memref<200xi32, #tpu.memory_space<hbm>>
    %dma_wait3A_45 = tpu.memref_slice %arg3[%mul3A_2] : memref<819200xi32, #tpu.memory_space<hbm>> -> memref<200xi32, #tpu.memory_space<hbm>>
    tpu.wait_dma2 semaphore(%arg25 : memref<!tpu.dma_semaphore, #tpu.memory_space<semaphore_mem>>) src(%dma_wait3A_45 : memref<200xi32, #tpu.memory_space<hbm>>) dst(%arg13 : memref<200xi32, #tpu.memory_space<vmem>>)
    %dma_start3A_46 = arith.constant 0 : i32
    %dma_start3A_47 = arith.constant 0 : i32
    %dma_start3A_48 = tpu.memref_slice %arg2[%dma_start3A_46, %dma_start3A_47] : memref<100000x128xf32, #tpu.memory_space<hbm>> -> memref<100000x128xf32, #tpu.memory_space<hbm>>
    tpu.enqueue_indirect_dma source(%dma_start3A_48 : memref<100000x128xf32, #tpu.memory_space<hbm>>) target(%arg9 : memref<200x128xf32, #tpu.memory_space<vmem>>) offsets(%arg13 : memref<200xi32, #tpu.memory_space<vmem>>) semaphore(%arg17 : memref<!tpu.dma_semaphore, #tpu.memory_space<semaphore_mem>>)
    %dma_wait3A_49 = arith.constant 0 : i32
    %dma_wait3A_50 = arith.constant 0 : i32
    %dma_wait3A_51 = tpu.memref_slice %arg2[%dma_wait3A_49, %dma_wait3A_50] : memref<100000x128xf32, #tpu.memory_space<hbm>> -> memref<100000x128xf32, #tpu.memory_space<hbm>>
    tpu.wait_indirect_dma semaphore(%arg16 : memref<!tpu.dma_semaphore, #tpu.memory_space<semaphore_mem>>) src(%dma_wait3A_51 : memref<100000x128xf32, #tpu.memory_space<hbm>>) dst(%arg8 : memref<200x128xf32, #tpu.memory_space<vmem>>)
    %scan3A_52 = arith.constant 0 : i32
    %scan3A_53 = arith.constant 200 : i32
    %scan3A_54 = arith.addi %scan3A_52, %scan3A_53 : i32
    %scan3A_55 = arith.constant 1 : i32
    scf.for %scan3A_221 = %scan3A_52 to %scan3A_54 step %scan3A_55  : i32 {
      %mul3A_222 = arith.constant 1 : i32
      %mul3A_223 = arith.muli %scan3A_221, %mul3A_222 : i32
      %add3A_224 = arith.constant 0 : i32
      %add3A_225 = arith.addi %add3A_224, %mul3A_223 : i32
      %get3A = arith.index_cast %add3A_225 : i32 to index
      %get3A_226 = arith.constant 0 : index
      %get3A_227 = tpu.vector_load %arg8[%get3A, %get3A_226] {strides = array<i32>} : memref<200x128xf32, #tpu.memory_space<vmem>>, vector<1x16xf32>,
      %get3A_228 = vector.shape_cast %get3A_227 : vector<1x16xf32> to vector<16xf32>
      %mul3A_229 = arith.constant 11.3137083 : f32
      %mul3A_230 = vector.broadcast %mul3A_229 : f32 to vector<16xf32>
      %mul3A_231 = arith.mulf %get3A_228, %mul3A_230 : vector<16xf32>
      %get3A_232 = arith.index_cast %add3A_225 : i32 to index
      %get3A_233 = arith.constant 0 : index
      %get3A_234 = tpu.vector_load %arg6[%get3A_232, %get3A_233] {strides = array<i32>} : memref<200x128xf32, #tpu.memory_space<vmem>>, vector<1x16xf32>,
      %get3A_235 = vector.shape_cast %get3A_234 : vector<1x16xf32> to vector<16xf32>
      %add3A_236 = arith.addf %mul3A_231, %get3A_235 : vector<16xf32>
      %swap3A = arith.index_cast %add3A_225 : i32 to index
      %swap3A_237 = arith.constant 0 : index
      %swap3A_238 = tpu.vector_load %arg8[%swap3A, %swap3A_237] {strides = array<i32>} : memref<200x128xf32, #tpu.memory_space<vmem>>, vector<1x16xf32>,
      %swap3A_239 = vector.shape_cast %swap3A_238 : vector<1x16xf32> to vector<16xf32>
      %swap3A_240 = vector.shape_cast %add3A_236 : vector<16xf32> to vector<1x16xf32>
      tpu.vector_store %arg8[%swap3A, %swap3A_237], %swap3A_240 {strides = array<i32>} : memref<200x128xf32, #tpu.memory_space<vmem>>, vector<1x16xf32>,
      %get3A_241 = arith.index_cast %add3A_225 : i32 to index
      %get3A_242 = arith.constant 16 : index
      %get3A_243 = tpu.vector_load %arg8[%get3A_241, %get3A_242] {strides = array<i32>} : memref<200x128xf32, #tpu.memory_space<vmem>>, vector<1x16xf32>,
      %get3A_244 = vector.shape_cast %get3A_243 : vector<1x16xf32> to vector<16xf32>
      %mul3A_245 = arith.constant 11.3137083 : f32
      %mul3A_246 = vector.broadcast %mul3A_245 : f32 to vector<16xf32>
      %mul3A_247 = arith.mulf %get3A_244, %mul3A_246 : vector<16xf32>
      %get3A_248 = arith.index_cast %add3A_225 : i32 to index
      %get3A_249 = arith.constant 16 : index
      %get3A_250 = tpu.vector_load %arg6[%get3A_248, %get3A_249] {strides = array<i32>} : memref<200x128xf32, #tpu.memory_space<vmem>>, vector<1x16xf32>,
      %get3A_251 = vector.shape_cast %get3A_250 : vector<1x16xf32> to vector<16xf32>
      %add3A_252 = arith.addf %mul3A_247, %get3A_251 : vector<16xf32>
      %swap3A_253 = arith.index_cast %add3A_225 : i32 to index
      %swap3A_254 = arith.constant 16 : index
      %swap3A_255 = tpu.vector_load %arg8[%swap3A_253, %swap3A_254] {strides = array<i32>} : memref<200x128xf32, #tpu.memory_space<vmem>>, vector<1x16xf32>,
      %swap3A_256 = vector.shape_cast %swap3A_255 : vector<1x16xf32> to vector<16xf32>
      %swap3A_257 = vector.shape_cast %add3A_252 : vector<16xf32> to vector<1x16xf32>
      tpu.vector_store %arg8[%swap3A_253, %swap3A_254], %swap3A_257 {strides = array<i32>} : memref<200x128xf32, #tpu.memory_space<vmem>>, vector<1x16xf32>,
      %get3A_258 = arith.index_cast %add3A_225 : i32 to index
      %get3A_259 = arith.constant 32 : index
      %get3A_260 = tpu.vector_load %arg8[%get3A_258, %get3A_259] {strides = array<i32>} : memref<200x128xf32, #tpu.memory_space<vmem>>, vector<1x16xf32>,
      %get3A_261 = vector.shape_cast %get3A_260 : vector<1x16xf32> to vector<16xf32>
      %mul3A_262 = arith.constant 11.3137083 : f32
      %mul3A_263 = vector.broadcast %mul3A_262 : f32 to vector<16xf32>
      %mul3A_264 = arith.mulf %get3A_261, %mul3A_263 : vector<16xf32>
      %get3A_265 = arith.index_cast %add3A_225 : i32 to index
      %get3A_266 = arith.constant 32 : index
      %get3A_267 = tpu.vector_load %arg6[%get3A_265, %get3A_266] {strides = array<i32>} : memref<200x128xf32, #tpu.memory_space<vmem>>, vector<1x16xf32>,
      %get3A_268 = vector.shape_cast %get3A_267 : vector<1x16xf32> to vector<16xf32>
      %add3A_269 = arith.addf %mul3A_264, %get3A_268 : vector<16xf32>
      %swap3A_270 = arith.index_cast %add3A_225 : i32 to index
      %swap3A_271 = arith.constant 32 : index
      %swap3A_272 = tpu.vector_load %arg8[%swap3A_270, %swap3A_271] {strides = array<i32>} : memref<200x128xf32, #tpu.memory_space<vmem>>, vector<1x16xf32>,
      %swap3A_273 = vector.shape_cast %swap3A_272 : vector<1x16xf32> to vector<16xf32>
      %swap3A_274 = vector.shape_cast %add3A_269 : vector<16xf32> to vector<1x16xf32>
      tpu.vector_store %arg8[%swap3A_270, %swap3A_271], %swap3A_274 {strides = array<i32>} : memref<200x128xf32, #tpu.memory_space<vmem>>, vector<1x16xf32>,
      %get3A_275 = arith.index_cast %add3A_225 : i32 to index
      %get3A_276 = arith.constant 48 : index
      %get3A_277 = tpu.vector_load %arg8[%get3A_275, %get3A_276] {strides = array<i32>} : memref<200x128xf32, #tpu.memory_space<vmem>>, vector<1x16xf32>,
      %get3A_278 = vector.shape_cast %get3A_277 : vector<1x16xf32> to vector<16xf32>
      %mul3A_279 = arith.constant 11.3137083 : f32
      %mul3A_280 = vector.broadcast %mul3A_279 : f32 to vector<16xf32>
      %mul3A_281 = arith.mulf %get3A_278, %mul3A_280 : vector<16xf32>
      %get3A_282 = arith.index_cast %add3A_225 : i32 to index
      %get3A_283 = arith.constant 48 : index
      %get3A_284 = tpu.vector_load %arg6[%get3A_282, %get3A_283] {strides = array<i32>} : memref<200x128xf32, #tpu.memory_space<vmem>>, vector<1x16xf32>,
      %get3A_285 = vector.shape_cast %get3A_284 : vector<1x16xf32> to vector<16xf32>
      %add3A_286 = arith.addf %mul3A_281, %get3A_285 : vector<16xf32>
      %swap3A_287 = arith.index_cast %add3A_225 : i32 to index
      %swap3A_288 = arith.constant 48 : index
      %swap3A_289 = tpu.vector_load %arg8[%swap3A_287, %swap3A_288] {strides = array<i32>} : memref<200x128xf32, #tpu.memory_space<vmem>>, vector<1x16xf32>,
      %swap3A_290 = vector.shape_cast %swap3A_289 : vector<1x16xf32> to vector<16xf32>
      %swap3A_291 = vector.shape_cast %add3A_286 : vector<16xf32> to vector<1x16xf32>
      tpu.vector_store %arg8[%swap3A_287, %swap3A_288], %swap3A_291 {strides = array<i32>} : memref<200x128xf32, #tpu.memory_space<vmem>>, vector<1x16xf32>,
      %get3A_292 = arith.index_cast %add3A_225 : i32 to index
      %get3A_293 = arith.constant 64 : index
      %get3A_294 = tpu.vector_load %arg8[%get3A_292, %get3A_293] {strides = array<i32>} : memref<200x128xf32, #tpu.memory_space<vmem>>, vector<1x16xf32>,
      %get3A_295 = vector.shape_cast %get3A_294 : vector<1x16xf32> to vector<16xf32>
      %mul3A_296 = arith.constant 11.3137083 : f32
      %mul3A_297 = vector.broadcast %mul3A_296 : f32 to vector<16xf32>
      %mul3A_298 = arith.mulf %get3A_295, %mul3A_297 : vector<16xf32>
      %get3A_299 = arith.index_cast %add3A_225 : i32 to index
      %get3A_300 = arith.constant 64 : index
      %get3A_301 = tpu.vector_load %arg6[%get3A_299, %get3A_300] {strides = array<i32>} : memref<200x128xf32, #tpu.memory_space<vmem>>, vector<1x16xf32>,
      %get3A_302 = vector.shape_cast %get3A_301 : vector<1x16xf32> to vector<16xf32>
      %add3A_303 = arith.addf %mul3A_298, %get3A_302 : vector<16xf32>
      %swap3A_304 = arith.index_cast %add3A_225 : i32 to index
      %swap3A_305 = arith.constant 64 : index
      %swap3A_306 = tpu.vector_load %arg8[%swap3A_304, %swap3A_305] {strides = array<i32>} : memref<200x128xf32, #tpu.memory_space<vmem>>, vector<1x16xf32>,
      %swap3A_307 = vector.shape_cast %swap3A_306 : vector<1x16xf32> to vector<16xf32>
      %swap3A_308 = vector.shape_cast %add3A_303 : vector<16xf32> to vector<1x16xf32>
      tpu.vector_store %arg8[%swap3A_304, %swap3A_305], %swap3A_308 {strides = array<i32>} : memref<200x128xf32, #tpu.memory_space<vmem>>, vector<1x16xf32>,
      %get3A_309 = arith.index_cast %add3A_225 : i32 to index
      %get3A_310 = arith.constant 80 : index
      %get3A_311 = tpu.vector_load %arg8[%get3A_309, %get3A_310] {strides = array<i32>} : memref<200x128xf32, #tpu.memory_space<vmem>>, vector<1x16xf32>,
      %get3A_312 = vector.shape_cast %get3A_311 : vector<1x16xf32> to vector<16xf32>
      %mul3A_313 = arith.constant 11.3137083 : f32
      %mul3A_314 = vector.broadcast %mul3A_313 : f32 to vector<16xf32>
      %mul3A_315 = arith.mulf %get3A_312, %mul3A_314 : vector<16xf32>
      %get3A_316 = arith.index_cast %add3A_225 : i32 to index
      %get3A_317 = arith.constant 80 : index
      %get3A_318 = tpu.vector_load %arg6[%get3A_316, %get3A_317] {strides = array<i32>} : memref<200x128xf32, #tpu.memory_space<vmem>>, vector<1x16xf32>,
      %get3A_319 = vector.shape_cast %get3A_318 : vector<1x16xf32> to vector<16xf32>
      %add3A_320 = arith.addf %mul3A_315, %get3A_319 : vector<16xf32>
      %swap3A_321 = arith.index_cast %add3A_225 : i32 to index
      %swap3A_322 = arith.constant 80 : index
      %swap3A_323 = tpu.vector_load %arg8[%swap3A_321, %swap3A_322] {strides = array<i32>} : memref<200x128xf32, #tpu.memory_space<vmem>>, vector<1x16xf32>,
      %swap3A_324 = vector.shape_cast %swap3A_323 : vector<1x16xf32> to vector<16xf32>
      %swap3A_325 = vector.shape_cast %add3A_320 : vector<16xf32> to vector<1x16xf32>
      tpu.vector_store %arg8[%swap3A_321, %swap3A_322], %swap3A_325 {strides = array<i32>} : memref<200x128xf32, #tpu.memory_space<vmem>>, vector<1x16xf32>,
      %get3A_326 = arith.index_cast %add3A_225 : i32 to index
      %get3A_327 = arith.constant 96 : index
      %get3A_328 = tpu.vector_load %arg8[%get3A_326, %get3A_327] {strides = array<i32>} : memref<200x128xf32, #tpu.memory_space<vmem>>, vector<1x16xf32>,
      %get3A_329 = vector.shape_cast %get3A_328 : vector<1x16xf32> to vector<16xf32>
      %mul3A_330 = arith.constant 11.3137083 : f32
      %mul3A_331 = vector.broadcast %mul3A_330 : f32 to vector<16xf32>
      %mul3A_332 = arith.mulf %get3A_329, %mul3A_331 : vector<16xf32>
      %get3A_333 = arith.index_cast %add3A_225 : i32 to index
      %get3A_334 = arith.constant 96 : index
      %get3A_335 = tpu.vector_load %arg6[%get3A_333, %get3A_334] {strides = array<i32>} : memref<200x128xf32, #tpu.memory_space<vmem>>, vector<1x16xf32>,
      %get3A_336 = vector.shape_cast %get3A_335 : vector<1x16xf32> to vector<16xf32>
      %add3A_337 = arith.addf %mul3A_332, %get3A_336 : vector<16xf32>
      %swap3A_338 = arith.index_cast %add3A_225 : i32 to index
      %swap3A_339 = arith.constant 96 : index
      %swap3A_340 = tpu.vector_load %arg8[%swap3A_338, %swap3A_339] {strides = array<i32>} : memref<200x128xf32, #tpu.memory_space<vmem>>, vector<1x16xf32>,
      %swap3A_341 = vector.shape_cast %swap3A_340 : vector<1x16xf32> to vector<16xf32>
      %swap3A_342 = vector.shape_cast %add3A_337 : vector<16xf32> to vector<1x16xf32>
      tpu.vector_store %arg8[%swap3A_338, %swap3A_339], %swap3A_342 {strides = array<i32>} : memref<200x128xf32, #tpu.memory_space<vmem>>, vector<1x16xf32>,
      %get3A_343 = arith.index_cast %add3A_225 : i32 to index
      %get3A_344 = arith.constant 112 : index
      %get3A_345 = tpu.vector_load %arg8[%get3A_343, %get3A_344] {strides = array<i32>} : memref<200x128xf32, #tpu.memory_space<vmem>>, vector<1x16xf32>,
      %get3A_346 = vector.shape_cast %get3A_345 : vector<1x16xf32> to vector<16xf32>
      %mul3A_347 = arith.constant 11.3137083 : f32
      %mul3A_348 = vector.broadcast %mul3A_347 : f32 to vector<16xf32>
      %mul3A_349 = arith.mulf %get3A_346, %mul3A_348 : vector<16xf32>
      %get3A_350 = arith.index_cast %add3A_225 : i32 to index
      %get3A_351 = arith.constant 112 : index
      %get3A_352 = tpu.vector_load %arg6[%get3A_350, %get3A_351] {strides = array<i32>} : memref<200x128xf32, #tpu.memory_space<vmem>>, vector<1x16xf32>,
      %get3A_353 = vector.shape_cast %get3A_352 : vector<1x16xf32> to vector<16xf32>
      %add3A_354 = arith.addf %mul3A_349, %get3A_353 : vector<16xf32>
      %swap3A_355 = arith.index_cast %add3A_225 : i32 to index
      %swap3A_356 = arith.constant 112 : index
      %swap3A_357 = tpu.vector_load %arg8[%swap3A_355, %swap3A_356] {strides = array<i32>} : memref<200x128xf32, #tpu.memory_space<vmem>>, vector<1x16xf32>,
      %swap3A_358 = vector.shape_cast %swap3A_357 : vector<1x16xf32> to vector<16xf32>
      %swap3A_359 = vector.shape_cast %add3A_354 : vector<16xf32> to vector<1x16xf32>
      tpu.vector_store %arg8[%swap3A_355, %swap3A_356], %swap3A_359 {strides = array<i32>} : memref<200x128xf32, #tpu.memory_space<vmem>>, vector<1x16xf32>,
    }
    %scan3A_56 = arith.constant 200 : i32
    %add3A_57 = arith.constant 200 : i32
    %add3A_58 = arith.addi %mul3A_2, %add3A_57 : i32
    %dma_start3A_59 = arith.constant 0 : i32
    %dma_start3A_60 = tpu.memref_slice %arg5[%add3A_58, %dma_start3A_59] : memref<819200x128xf32, #tpu.memory_space<hbm>> -> memref<200x128xf32, #tpu.memory_space<hbm>>
    %dma_start3A_61 = arith.constant 0 : i32
    %dma_start3A_62 = tpu.memref_slice %arg5[%add3A_58, %dma_start3A_61] : memref<819200x128xf32, #tpu.memory_space<hbm>> -> memref<200x128xf32, #tpu.memory_space<hbm>>
    tpu.enqueue_dma source(%arg8 : memref<200x128xf32, #tpu.memory_space<vmem>>) target(%dma_start3A_62 : memref<200x128xf32, #tpu.memory_space<hbm>>) target_semaphore(%arg20 : memref<!tpu.dma_semaphore, #tpu.memory_space<semaphore_mem>>)
    %add3A_63 = arith.constant 1000 : i32
    %add3A_64 = arith.addi %mul3A_2, %add3A_63 : i32
    %dma_start3A_65 = tpu.memref_slice %arg3[%add3A_64] : memref<819200xi32, #tpu.memory_space<hbm>> -> memref<200xi32, #tpu.memory_space<hbm>>
    %dma_start3A_66 = tpu.memref_slice %arg3[%add3A_64] : memref<819200xi32, #tpu.memory_space<hbm>> -> memref<200xi32, #tpu.memory_space<hbm>>
    tpu.enqueue_dma source(%dma_start3A_66 : memref<200xi32, #tpu.memory_space<hbm>>) target(%arg12 : memref<200xi32, #tpu.memory_space<vmem>>) target_semaphore(%arg24 : memref<!tpu.dma_semaphore, #tpu.memory_space<semaphore_mem>>)
    %dma_wait3A_67 = tpu.memref_slice %arg3[%mul3A_2] : memref<819200xi32, #tpu.memory_space<hbm>> -> memref<200xi32, #tpu.memory_space<hbm>>
    %dma_wait3A_68 = tpu.memref_slice %arg3[%mul3A_2] : memref<819200xi32, #tpu.memory_space<hbm>> -> memref<200xi32, #tpu.memory_space<hbm>>
    tpu.wait_dma2 semaphore(%arg26 : memref<!tpu.dma_semaphore, #tpu.memory_space<semaphore_mem>>) src(%dma_wait3A_68 : memref<200xi32, #tpu.memory_space<hbm>>) dst(%arg14 : memref<200xi32, #tpu.memory_space<vmem>>)
    %dma_start3A_69 = arith.constant 0 : i32
    %dma_start3A_70 = arith.constant 0 : i32
    %dma_start3A_71 = tpu.memref_slice %arg2[%dma_start3A_69, %dma_start3A_70] : memref<100000x128xf32, #tpu.memory_space<hbm>> -> memref<100000x128xf32, #tpu.memory_space<hbm>>
    tpu.enqueue_indirect_dma source(%dma_start3A_71 : memref<100000x128xf32, #tpu.memory_space<hbm>>) target(%arg10 : memref<200x128xf32, #tpu.memory_space<vmem>>) offsets(%arg14 : memref<200xi32, #tpu.memory_space<vmem>>) semaphore(%arg18 : memref<!tpu.dma_semaphore, #tpu.memory_space<semaphore_mem>>)
    %dma_wait3A_72 = arith.constant 0 : i32
    %dma_wait3A_73 = arith.constant 0 : i32
    %dma_wait3A_74 = tpu.memref_slice %arg2[%dma_wait3A_72, %dma_wait3A_73] : memref<100000x128xf32, #tpu.memory_space<hbm>> -> memref<100000x128xf32, #tpu.memory_space<hbm>>
    tpu.wait_indirect_dma semaphore(%arg17 : memref<!tpu.dma_semaphore, #tpu.memory_space<semaphore_mem>>) src(%dma_wait3A_74 : memref<100000x128xf32, #tpu.memory_space<hbm>>) dst(%arg9 : memref<200x128xf32, #tpu.memory_space<vmem>>)
    %scan3A_75 = arith.constant 0 : i32
    %scan3A_76 = arith.constant 200 : i32
    %scan3A_77 = arith.addi %scan3A_75, %scan3A_76 : i32
    %scan3A_78 = arith.constant 1 : i32
    scf.for %scan3A_221 = %scan3A_75 to %scan3A_77 step %scan3A_78  : i32 {
      %mul3A_222 = arith.constant 1 : i32
      %mul3A_223 = arith.muli %scan3A_221, %mul3A_222 : i32
      %add3A_224 = arith.constant 0 : i32
      %add3A_225 = arith.addi %add3A_224, %mul3A_223 : i32
      %get3A = arith.index_cast %add3A_225 : i32 to index
      %get3A_226 = arith.constant 0 : index
      %get3A_227 = tpu.vector_load %arg9[%get3A, %get3A_226] {strides = array<i32>} : memref<200x128xf32, #tpu.memory_space<vmem>>, vector<1x16xf32>,
      %get3A_228 = vector.shape_cast %get3A_227 : vector<1x16xf32> to vector<16xf32>
      %mul3A_229 = arith.constant 11.3137083 : f32
      %mul3A_230 = vector.broadcast %mul3A_229 : f32 to vector<16xf32>
      %mul3A_231 = arith.mulf %get3A_228, %mul3A_230 : vector<16xf32>
      %get3A_232 = arith.index_cast %add3A_225 : i32 to index
      %get3A_233 = arith.constant 0 : index
      %get3A_234 = tpu.vector_load %arg6[%get3A_232, %get3A_233] {strides = array<i32>} : memref<200x128xf32, #tpu.memory_space<vmem>>, vector<1x16xf32>,
      %get3A_235 = vector.shape_cast %get3A_234 : vector<1x16xf32> to vector<16xf32>
      %add3A_236 = arith.addf %mul3A_231, %get3A_235 : vector<16xf32>
      %swap3A = arith.index_cast %add3A_225 : i32 to index
      %swap3A_237 = arith.constant 0 : index
      %swap3A_238 = tpu.vector_load %arg9[%swap3A, %swap3A_237] {strides = array<i32>} : memref<200x128xf32, #tpu.memory_space<vmem>>, vector<1x16xf32>,
      %swap3A_239 = vector.shape_cast %swap3A_238 : vector<1x16xf32> to vector<16xf32>
      %swap3A_240 = vector.shape_cast %add3A_236 : vector<16xf32> to vector<1x16xf32>
      tpu.vector_store %arg9[%swap3A, %swap3A_237], %swap3A_240 {strides = array<i32>} : memref<200x128xf32, #tpu.memory_space<vmem>>, vector<1x16xf32>,
      %get3A_241 = arith.index_cast %add3A_225 : i32 to index
      %get3A_242 = arith.constant 16 : index
      %get3A_243 = tpu.vector_load %arg9[%get3A_241, %get3A_242] {strides = array<i32>} : memref<200x128xf32, #tpu.memory_space<vmem>>, vector<1x16xf32>,
      %get3A_244 = vector.shape_cast %get3A_243 : vector<1x16xf32> to vector<16xf32>
      %mul3A_245 = arith.constant 11.3137083 : f32
      %mul3A_246 = vector.broadcast %mul3A_245 : f32 to vector<16xf32>
      %mul3A_247 = arith.mulf %get3A_244, %mul3A_246 : vector<16xf32>
      %get3A_248 = arith.index_cast %add3A_225 : i32 to index
      %get3A_249 = arith.constant 16 : index
      %get3A_250 = tpu.vector_load %arg6[%get3A_248, %get3A_249] {strides = array<i32>} : memref<200x128xf32, #tpu.memory_space<vmem>>, vector<1x16xf32>,
      %get3A_251 = vector.shape_cast %get3A_250 : vector<1x16xf32> to vector<16xf32>
      %add3A_252 = arith.addf %mul3A_247, %get3A_251 : vector<16xf32>
      %swap3A_253 = arith.index_cast %add3A_225 : i32 to index
      %swap3A_254 = arith.constant 16 : index
      %swap3A_255 = tpu.vector_load %arg9[%swap3A_253, %swap3A_254] {strides = array<i32>} : memref<200x128xf32, #tpu.memory_space<vmem>>, vector<1x16xf32>,
      %swap3A_256 = vector.shape_cast %swap3A_255 : vector<1x16xf32> to vector<16xf32>
      %swap3A_257 = vector.shape_cast %add3A_252 : vector<16xf32> to vector<1x16xf32>
      tpu.vector_store %arg9[%swap3A_253, %swap3A_254], %swap3A_257 {strides = array<i32>} : memref<200x128xf32, #tpu.memory_space<vmem>>, vector<1x16xf32>,
      %get3A_258 = arith.index_cast %add3A_225 : i32 to index
      %get3A_259 = arith.constant 32 : index
      %get3A_260 = tpu.vector_load %arg9[%get3A_258, %get3A_259] {strides = array<i32>} : memref<200x128xf32, #tpu.memory_space<vmem>>, vector<1x16xf32>,
      %get3A_261 = vector.shape_cast %get3A_260 : vector<1x16xf32> to vector<16xf32>
      %mul3A_262 = arith.constant 11.3137083 : f32
      %mul3A_263 = vector.broadcast %mul3A_262 : f32 to vector<16xf32>
      %mul3A_264 = arith.mulf %get3A_261, %mul3A_263 : vector<16xf32>
      %get3A_265 = arith.index_cast %add3A_225 : i32 to index
      %get3A_266 = arith.constant 32 : index
      %get3A_267 = tpu.vector_load %arg6[%get3A_265, %get3A_266] {strides = array<i32>} : memref<200x128xf32, #tpu.memory_space<vmem>>, vector<1x16xf32>,
      %get3A_268 = vector.shape_cast %get3A_267 : vector<1x16xf32> to vector<16xf32>
      %add3A_269 = arith.addf %mul3A_264, %get3A_268 : vector<16xf32>
      %swap3A_270 = arith.index_cast %add3A_225 : i32 to index
      %swap3A_271 = arith.constant 32 : index
      %swap3A_272 = tpu.vector_load %arg9[%swap3A_270, %swap3A_271] {strides = array<i32>} : memref<200x128xf32, #tpu.memory_space<vmem>>, vector<1x16xf32>,
      %swap3A_273 = vector.shape_cast %swap3A_272 : vector<1x16xf32> to vector<16xf32>
      %swap3A_274 = vector.shape_cast %add3A_269 : vector<16xf32> to vector<1x16xf32>
      tpu.vector_store %arg9[%swap3A_270, %swap3A_271], %swap3A_274 {strides = array<i32>} : memref<200x128xf32, #tpu.memory_space<vmem>>, vector<1x16xf32>,
      %get3A_275 = arith.index_cast %add3A_225 : i32 to index
      %get3A_276 = arith.constant 48 : index
      %get3A_277 = tpu.vector_load %arg9[%get3A_275, %get3A_276] {strides = array<i32>} : memref<200x128xf32, #tpu.memory_space<vmem>>, vector<1x16xf32>,
      %get3A_278 = vector.shape_cast %get3A_277 : vector<1x16xf32> to vector<16xf32>
      %mul3A_279 = arith.constant 11.3137083 : f32
      %mul3A_280 = vector.broadcast %mul3A_279 : f32 to vector<16xf32>
      %mul3A_281 = arith.mulf %get3A_278, %mul3A_280 : vector<16xf32>
      %get3A_282 = arith.index_cast %add3A_225 : i32 to index
      %get3A_283 = arith.constant 48 : index
      %get3A_284 = tpu.vector_load %arg6[%get3A_282, %get3A_283] {strides = array<i32>} : memref<200x128xf32, #tpu.memory_space<vmem>>, vector<1x16xf32>,
      %get3A_285 = vector.shape_cast %get3A_284 : vector<1x16xf32> to vector<16xf32>
      %add3A_286 = arith.addf %mul3A_281, %get3A_285 : vector<16xf32>
      %swap3A_287 = arith.index_cast %add3A_225 : i32 to index
      %swap3A_288 = arith.constant 48 : index
      %swap3A_289 = tpu.vector_load %arg9[%swap3A_287, %swap3A_288] {strides = array<i32>} : memref<200x128xf32, #tpu.memory_space<vmem>>, vector<1x16xf32>,
      %swap3A_290 = vector.shape_cast %swap3A_289 : vector<1x16xf32> to vector<16xf32>
      %swap3A_291 = vector.shape_cast %add3A_286 : vector<16xf32> to vector<1x16xf32>
      tpu.vector_store %arg9[%swap3A_287, %swap3A_288], %swap3A_291 {strides = array<i32>} : memref<200x128xf32, #tpu.memory_space<vmem>>, vector<1x16xf32>,
      %get3A_292 = arith.index_cast %add3A_225 : i32 to index
      %get3A_293 = arith.constant 64 : index
      %get3A_294 = tpu.vector_load %arg9[%get3A_292, %get3A_293] {strides = array<i32>} : memref<200x128xf32, #tpu.memory_space<vmem>>, vector<1x16xf32>,
      %get3A_295 = vector.shape_cast %get3A_294 : vector<1x16xf32> to vector<16xf32>
      %mul3A_296 = arith.constant 11.3137083 : f32
      %mul3A_297 = vector.broadcast %mul3A_296 : f32 to vector<16xf32>
      %mul3A_298 = arith.mulf %get3A_295, %mul3A_297 : vector<16xf32>
      %get3A_299 = arith.index_cast %add3A_225 : i32 to index
      %get3A_300 = arith.constant 64 : index
      %get3A_301 = tpu.vector_load %arg6[%get3A_299, %get3A_300] {strides = array<i32>} : memref<200x128xf32, #tpu.memory_space<vmem>>, vector<1x16xf32>,
      %get3A_302 = vector.shape_cast %get3A_301 : vector<1x16xf32> to vector<16xf32>
      %add3A_303 = arith.addf %mul3A_298, %get3A_302 : vector<16xf32>
      %swap3A_304 = arith.index_cast %add3A_225 : i32 to index
      %swap3A_305 = arith.constant 64 : index
      %swap3A_306 = tpu.vector_load %arg9[%swap3A_304, %swap3A_305] {strides = array<i32>} : memref<200x128xf32, #tpu.memory_space<vmem>>, vector<1x16xf32>,
      %swap3A_307 = vector.shape_cast %swap3A_306 : vector<1x16xf32> to vector<16xf32>
      %swap3A_308 = vector.shape_cast %add3A_303 : vector<16xf32> to vector<1x16xf32>
      tpu.vector_store %arg9[%swap3A_304, %swap3A_305], %swap3A_308 {strides = array<i32>} : memref<200x128xf32, #tpu.memory_space<vmem>>, vector<1x16xf32>,
      %get3A_309 = arith.index_cast %add3A_225 : i32 to index
      %get3A_310 = arith.constant 80 : index
      %get3A_311 = tpu.vector_load %arg9[%get3A_309, %get3A_310] {strides = array<i32>} : memref<200x128xf32, #tpu.memory_space<vmem>>, vector<1x16xf32>,
      %get3A_312 = vector.shape_cast %get3A_311 : vector<1x16xf32> to vector<16xf32>
      %mul3A_313 = arith.constant 11.3137083 : f32
      %mul3A_314 = vector.broadcast %mul3A_313 : f32 to vector<16xf32>
      %mul3A_315 = arith.mulf %get3A_312, %mul3A_314 : vector<16xf32>
      %get3A_316 = arith.index_cast %add3A_225 : i32 to index
      %get3A_317 = arith.constant 80 : index
      %get3A_318 = tpu.vector_load %arg6[%get3A_316, %get3A_317] {strides = array<i32>} : memref<200x128xf32, #tpu.memory_space<vmem>>, vector<1x16xf32>,
      %get3A_319 = vector.shape_cast %get3A_318 : vector<1x16xf32> to vector<16xf32>
      %add3A_320 = arith.addf %mul3A_315, %get3A_319 : vector<16xf32>
      %swap3A_321 = arith.index_cast %add3A_225 : i32 to index
      %swap3A_322 = arith.constant 80 : index
      %swap3A_323 = tpu.vector_load %arg9[%swap3A_321, %swap3A_322] {strides = array<i32>} : memref<200x128xf32, #tpu.memory_space<vmem>>, vector<1x16xf32>,
      %swap3A_324 = vector.shape_cast %swap3A_323 : vector<1x16xf32> to vector<16xf32>
      %swap3A_325 = vector.shape_cast %add3A_320 : vector<16xf32> to vector<1x16xf32>
      tpu.vector_store %arg9[%swap3A_321, %swap3A_322], %swap3A_325 {strides = array<i32>} : memref<200x128xf32, #tpu.memory_space<vmem>>, vector<1x16xf32>,
      %get3A_326 = arith.index_cast %add3A_225 : i32 to index
      %get3A_327 = arith.constant 96 : index
      %get3A_328 = tpu.vector_load %arg9[%get3A_326, %get3A_327] {strides = array<i32>} : memref<200x128xf32, #tpu.memory_space<vmem>>, vector<1x16xf32>,
      %get3A_329 = vector.shape_cast %get3A_328 : vector<1x16xf32> to vector<16xf32>
      %mul3A_330 = arith.constant 11.3137083 : f32
      %mul3A_331 = vector.broadcast %mul3A_330 : f32 to vector<16xf32>
      %mul3A_332 = arith.mulf %get3A_329, %mul3A_331 : vector<16xf32>
      %get3A_333 = arith.index_cast %add3A_225 : i32 to index
      %get3A_334 = arith.constant 96 : index
      %get3A_335 = tpu.vector_load %arg6[%get3A_333, %get3A_334] {strides = array<i32>} : memref<200x128xf32, #tpu.memory_space<vmem>>, vector<1x16xf32>,
      %get3A_336 = vector.shape_cast %get3A_335 : vector<1x16xf32> to vector<16xf32>
      %add3A_337 = arith.addf %mul3A_332, %get3A_336 : vector<16xf32>
      %swap3A_338 = arith.index_cast %add3A_225 : i32 to index
      %swap3A_339 = arith.constant 96 : index
      %swap3A_340 = tpu.vector_load %arg9[%swap3A_338, %swap3A_339] {strides = array<i32>} : memref<200x128xf32, #tpu.memory_space<vmem>>, vector<1x16xf32>,
      %swap3A_341 = vector.shape_cast %swap3A_340 : vector<1x16xf32> to vector<16xf32>
      %swap3A_342 = vector.shape_cast %add3A_337 : vector<16xf32> to vector<1x16xf32>
      tpu.vector_store %arg9[%swap3A_338, %swap3A_339], %swap3A_342 {strides = array<i32>} : memref<200x128xf32, #tpu.memory_space<vmem>>, vector<1x16xf32>,
      %get3A_343 = arith.index_cast %add3A_225 : i32 to index
      %get3A_344 = arith.constant 112 : index
      %get3A_345 = tpu.vector_load %arg9[%get3A_343, %get3A_344] {strides = array<i32>} : memref<200x128xf32, #tpu.memory_space<vmem>>, vector<1x16xf32>,
      %get3A_346 = vector.shape_cast %get3A_345 : vector<1x16xf32> to vector<16xf32>
      %mul3A_347 = arith.constant 11.3137083 : f32
      %mul3A_348 = vector.broadcast %mul3A_347 : f32 to vector<16xf32>
      %mul3A_349 = arith.mulf %get3A_346, %mul3A_348 : vector<16xf32>
      %get3A_350 = arith.index_cast %add3A_225 : i32 to index
      %get3A_351 = arith.constant 112 : index
      %get3A_352 = tpu.vector_load %arg6[%get3A_350, %get3A_351] {strides = array<i32>} : memref<200x128xf32, #tpu.memory_space<vmem>>, vector<1x16xf32>,
      %get3A_353 = vector.shape_cast %get3A_352 : vector<1x16xf32> to vector<16xf32>
      %add3A_354 = arith.addf %mul3A_349, %get3A_353 : vector<16xf32>
      %swap3A_355 = arith.index_cast %add3A_225 : i32 to index
      %swap3A_356 = arith.constant 112 : index
      %swap3A_357 = tpu.vector_load %arg9[%swap3A_355, %swap3A_356] {strides = array<i32>} : memref<200x128xf32, #tpu.memory_space<vmem>>, vector<1x16xf32>,
      %swap3A_358 = vector.shape_cast %swap3A_357 : vector<1x16xf32> to vector<16xf32>
      %swap3A_359 = vector.shape_cast %add3A_354 : vector<16xf32> to vector<1x16xf32>
      tpu.vector_store %arg9[%swap3A_355, %swap3A_356], %swap3A_359 {strides = array<i32>} : memref<200x128xf32, #tpu.memory_space<vmem>>, vector<1x16xf32>,
    }
    %scan3A_79 = arith.constant 200 : i32
    %add3A_80 = arith.constant 400 : i32
    %add3A_81 = arith.addi %mul3A_2, %add3A_80 : i32
    %dma_start3A_82 = arith.constant 0 : i32
    %dma_start3A_83 = tpu.memref_slice %arg5[%add3A_81, %dma_start3A_82] : memref<819200x128xf32, #tpu.memory_space<hbm>> -> memref<200x128xf32, #tpu.memory_space<hbm>>
    %dma_start3A_84 = arith.constant 0 : i32
    %dma_start3A_85 = tpu.memref_slice %arg5[%add3A_81, %dma_start3A_84] : memref<819200x128xf32, #tpu.memory_space<hbm>> -> memref<200x128xf32, #tpu.memory_space<hbm>>
    tpu.enqueue_dma source(%arg9 : memref<200x128xf32, #tpu.memory_space<vmem>>) target(%dma_start3A_85 : memref<200x128xf32, #tpu.memory_space<hbm>>) target_semaphore(%arg21 : memref<!tpu.dma_semaphore, #tpu.memory_space<semaphore_mem>>)
    %add3A_86 = arith.constant 1200 : i32
    %add3A_87 = arith.addi %mul3A_2, %add3A_86 : i32
    %dma_start3A_88 = tpu.memref_slice %arg3[%add3A_87] : memref<819200xi32, #tpu.memory_space<hbm>> -> memref<200xi32, #tpu.memory_space<hbm>>
    %dma_start3A_89 = tpu.memref_slice %arg3[%add3A_87] : memref<819200xi32, #tpu.memory_space<hbm>> -> memref<200xi32, #tpu.memory_space<hbm>>
    tpu.enqueue_dma source(%dma_start3A_89 : memref<200xi32, #tpu.memory_space<hbm>>) target(%arg13 : memref<200xi32, #tpu.memory_space<vmem>>) target_semaphore(%arg25 : memref<!tpu.dma_semaphore, #tpu.memory_space<semaphore_mem>>)
    %dma_wait3A_90 = arith.constant 0 : i32
    %dma_wait3A_91 = tpu.memref_slice %arg5[%mul3A_2, %dma_wait3A_90] : memref<819200x128xf32, #tpu.memory_space<hbm>> -> memref<200x128xf32, #tpu.memory_space<hbm>>
    %dma_wait3A_92 = arith.constant 0 : i32
    %dma_wait3A_93 = tpu.memref_slice %arg5[%mul3A_2, %dma_wait3A_92] : memref<819200x128xf32, #tpu.memory_space<hbm>> -> memref<200x128xf32, #tpu.memory_space<hbm>>
    tpu.wait_dma2 semaphore(%arg19 : memref<!tpu.dma_semaphore, #tpu.memory_space<semaphore_mem>>) src(%arg7 : memref<200x128xf32, #tpu.memory_space<vmem>>) dst(%dma_wait3A_93 : memref<200x128xf32, #tpu.memory_space<hbm>>)
    %dma_wait3A_94 = tpu.memref_slice %arg3[%mul3A_2] : memref<819200xi32, #tpu.memory_space<hbm>> -> memref<200xi32, #tpu.memory_space<hbm>>
    %dma_wait3A_95 = tpu.memref_slice %arg3[%mul3A_2] : memref<819200xi32, #tpu.memory_space<hbm>> -> memref<200xi32, #tpu.memory_space<hbm>>
    tpu.wait_dma2 semaphore(%arg23 : memref<!tpu.dma_semaphore, #tpu.memory_space<semaphore_mem>>) src(%dma_wait3A_95 : memref<200xi32, #tpu.memory_space<hbm>>) dst(%arg11 : memref<200xi32, #tpu.memory_space<vmem>>)
    %dma_start3A_96 = arith.constant 0 : i32
    %dma_start3A_97 = arith.constant 0 : i32
    %dma_start3A_98 = tpu.memref_slice %arg2[%dma_start3A_96, %dma_start3A_97] : memref<100000x128xf32, #tpu.memory_space<hbm>> -> memref<100000x128xf32, #tpu.memory_space<hbm>>
    tpu.enqueue_indirect_dma source(%dma_start3A_98 : memref<100000x128xf32, #tpu.memory_space<hbm>>) target(%arg7 : memref<200x128xf32, #tpu.memory_space<vmem>>) offsets(%arg11 : memref<200xi32, #tpu.memory_space<vmem>>) semaphore(%arg15 : memref<!tpu.dma_semaphore, #tpu.memory_space<semaphore_mem>>)
    %dma_wait3A_99 = arith.constant 0 : i32
    %dma_wait3A_100 = arith.constant 0 : i32
    %dma_wait3A_101 = tpu.memref_slice %arg2[%dma_wait3A_99, %dma_wait3A_100] : memref<100000x128xf32, #tpu.memory_space<hbm>> -> memref<100000x128xf32, #tpu.memory_space<hbm>>
    tpu.wait_indirect_dma semaphore(%arg18 : memref<!tpu.dma_semaphore, #tpu.memory_space<semaphore_mem>>) src(%dma_wait3A_101 : memref<100000x128xf32, #tpu.memory_space<hbm>>) dst(%arg10 : memref<200x128xf32, #tpu.memory_space<vmem>>)
    %scan3A_102 = arith.constant 0 : i32
    %scan3A_103 = arith.constant 200 : i32
    %scan3A_104 = arith.addi %scan3A_102, %scan3A_103 : i32
    %scan3A_105 = arith.constant 1 : i32
    scf.for %scan3A_221 = %scan3A_102 to %scan3A_104 step %scan3A_105  : i32 {
      %mul3A_222 = arith.constant 1 : i32
      %mul3A_223 = arith.muli %scan3A_221, %mul3A_222 : i32
      %add3A_224 = arith.constant 0 : i32
      %add3A_225 = arith.addi %add3A_224, %mul3A_223 : i32
      %get3A = arith.index_cast %add3A_225 : i32 to index
      %get3A_226 = arith.constant 0 : index
      %get3A_227 = tpu.vector_load %arg10[%get3A, %get3A_226] {strides = array<i32>} : memref<200x128xf32, #tpu.memory_space<vmem>>, vector<1x16xf32>,
      %get3A_228 = vector.shape_cast %get3A_227 : vector<1x16xf32> to vector<16xf32>
      %mul3A_229 = arith.constant 11.3137083 : f32
      %mul3A_230 = vector.broadcast %mul3A_229 : f32 to vector<16xf32>
      %mul3A_231 = arith.mulf %get3A_228, %mul3A_230 : vector<16xf32>
      %get3A_232 = arith.index_cast %add3A_225 : i32 to index
      %get3A_233 = arith.constant 0 : index
      %get3A_234 = tpu.vector_load %arg6[%get3A_232, %get3A_233] {strides = array<i32>} : memref<200x128xf32, #tpu.memory_space<vmem>>, vector<1x16xf32>,
      %get3A_235 = vector.shape_cast %get3A_234 : vector<1x16xf32> to vector<16xf32>
      %add3A_236 = arith.addf %mul3A_231, %get3A_235 : vector<16xf32>
      %swap3A = arith.index_cast %add3A_225 : i32 to index
      %swap3A_237 = arith.constant 0 : index
      %swap3A_238 = tpu.vector_load %arg10[%swap3A, %swap3A_237] {strides = array<i32>} : memref<200x128xf32, #tpu.memory_space<vmem>>, vector<1x16xf32>,
      %swap3A_239 = vector.shape_cast %swap3A_238 : vector<1x16xf32> to vector<16xf32>
      %swap3A_240 = vector.shape_cast %add3A_236 : vector<16xf32> to vector<1x16xf32>
      tpu.vector_store %arg10[%swap3A, %swap3A_237], %swap3A_240 {strides = array<i32>} : memref<200x128xf32, #tpu.memory_space<vmem>>, vector<1x16xf32>,
      %get3A_241 = arith.index_cast %add3A_225 : i32 to index
      %get3A_242 = arith.constant 16 : index
      %get3A_243 = tpu.vector_load %arg10[%get3A_241, %get3A_242] {strides = array<i32>} : memref<200x128xf32, #tpu.memory_space<vmem>>, vector<1x16xf32>,
      %get3A_244 = vector.shape_cast %get3A_243 : vector<1x16xf32> to vector<16xf32>
      %mul3A_245 = arith.constant 11.3137083 : f32
      %mul3A_246 = vector.broadcast %mul3A_245 : f32 to vector<16xf32>
      %mul3A_247 = arith.mulf %get3A_244, %mul3A_246 : vector<16xf32>
      %get3A_248 = arith.index_cast %add3A_225 : i32 to index
      %get3A_249 = arith.constant 16 : index
      %get3A_250 = tpu.vector_load %arg6[%get3A_248, %get3A_249] {strides = array<i32>} : memref<200x128xf32, #tpu.memory_space<vmem>>, vector<1x16xf32>,
      %get3A_251 = vector.shape_cast %get3A_250 : vector<1x16xf32> to vector<16xf32>
      %add3A_252 = arith.addf %mul3A_247, %get3A_251 : vector<16xf32>
      %swap3A_253 = arith.index_cast %add3A_225 : i32 to index
      %swap3A_254 = arith.constant 16 : index
      %swap3A_255 = tpu.vector_load %arg10[%swap3A_253, %swap3A_254] {strides = array<i32>} : memref<200x128xf32, #tpu.memory_space<vmem>>, vector<1x16xf32>,
      %swap3A_256 = vector.shape_cast %swap3A_255 : vector<1x16xf32> to vector<16xf32>
      %swap3A_257 = vector.shape_cast %add3A_252 : vector<16xf32> to vector<1x16xf32>
      tpu.vector_store %arg10[%swap3A_253, %swap3A_254], %swap3A_257 {strides = array<i32>} : memref<200x128xf32, #tpu.memory_space<vmem>>, vector<1x16xf32>,
      %get3A_258 = arith.index_cast %add3A_225 : i32 to index
      %get3A_259 = arith.constant 32 : index
      %get3A_260 = tpu.vector_load %arg10[%get3A_258, %get3A_259] {strides = array<i32>} : memref<200x128xf32, #tpu.memory_space<vmem>>, vector<1x16xf32>,
      %get3A_261 = vector.shape_cast %get3A_260 : vector<1x16xf32> to vector<16xf32>
      %mul3A_262 = arith.constant 11.3137083 : f32
      %mul3A_263 = vector.broadcast %mul3A_262 : f32 to vector<16xf32>
      %mul3A_264 = arith.mulf %get3A_261, %mul3A_263 : vector<16xf32>
      %get3A_265 = arith.index_cast %add3A_225 : i32 to index
      %get3A_266 = arith.constant 32 : index
      %get3A_267 = tpu.vector_load %arg6[%get3A_265, %get3A_266] {strides = array<i32>} : memref<200x128xf32, #tpu.memory_space<vmem>>, vector<1x16xf32>,
      %get3A_268 = vector.shape_cast %get3A_267 : vector<1x16xf32> to vector<16xf32>
      %add3A_269 = arith.addf %mul3A_264, %get3A_268 : vector<16xf32>
      %swap3A_270 = arith.index_cast %add3A_225 : i32 to index
      %swap3A_271 = arith.constant 32 : index
      %swap3A_272 = tpu.vector_load %arg10[%swap3A_270, %swap3A_271] {strides = array<i32>} : memref<200x128xf32, #tpu.memory_space<vmem>>, vector<1x16xf32>,
      %swap3A_273 = vector.shape_cast %swap3A_272 : vector<1x16xf32> to vector<16xf32>
      %swap3A_274 = vector.shape_cast %add3A_269 : vector<16xf32> to vector<1x16xf32>
      tpu.vector_store %arg10[%swap3A_270, %swap3A_271], %swap3A_274 {strides = array<i32>} : memref<200x128xf32, #tpu.memory_space<vmem>>, vector<1x16xf32>,
      %get3A_275 = arith.index_cast %add3A_225 : i32 to index
      %get3A_276 = arith.constant 48 : index
      %get3A_277 = tpu.vector_load %arg10[%get3A_275, %get3A_276] {strides = array<i32>} : memref<200x128xf32, #tpu.memory_space<vmem>>, vector<1x16xf32>,
      %get3A_278 = vector.shape_cast %get3A_277 : vector<1x16xf32> to vector<16xf32>
      %mul3A_279 = arith.constant 11.3137083 : f32
      %mul3A_280 = vector.broadcast %mul3A_279 : f32 to vector<16xf32>
      %mul3A_281 = arith.mulf %get3A_278, %mul3A_280 : vector<16xf32>
      %get3A_282 = arith.index_cast %add3A_225 : i32 to index
      %get3A_283 = arith.constant 48 : index
      %get3A_284 = tpu.vector_load %arg6[%get3A_282, %get3A_283] {strides = array<i32>} : memref<200x128xf32, #tpu.memory_space<vmem>>, vector<1x16xf32>,
      %get3A_285 = vector.shape_cast %get3A_284 : vector<1x16xf32> to vector<16xf32>
      %add3A_286 = arith.addf %mul3A_281, %get3A_285 : vector<16xf32>
      %swap3A_287 = arith.index_cast %add3A_225 : i32 to index
      %swap3A_288 = arith.constant 48 : index
      %swap3A_289 = tpu.vector_load %arg10[%swap3A_287, %swap3A_288] {strides = array<i32>} : memref<200x128xf32, #tpu.memory_space<vmem>>, vector<1x16xf32>,
      %swap3A_290 = vector.shape_cast %swap3A_289 : vector<1x16xf32> to vector<16xf32>
      %swap3A_291 = vector.shape_cast %add3A_286 : vector<16xf32> to vector<1x16xf32>
      tpu.vector_store %arg10[%swap3A_287, %swap3A_288], %swap3A_291 {strides = array<i32>} : memref<200x128xf32, #tpu.memory_space<vmem>>, vector<1x16xf32>,
      %get3A_292 = arith.index_cast %add3A_225 : i32 to index
      %get3A_293 = arith.constant 64 : index
      %get3A_294 = tpu.vector_load %arg10[%get3A_292, %get3A_293] {strides = array<i32>} : memref<200x128xf32, #tpu.memory_space<vmem>>, vector<1x16xf32>,
      %get3A_295 = vector.shape_cast %get3A_294 : vector<1x16xf32> to vector<16xf32>
      %mul3A_296 = arith.constant 11.3137083 : f32
      %mul3A_297 = vector.broadcast %mul3A_296 : f32 to vector<16xf32>
      %mul3A_298 = arith.mulf %get3A_295, %mul3A_297 : vector<16xf32>
      %get3A_299 = arith.index_cast %add3A_225 : i32 to index
      %get3A_300 = arith.constant 64 : index
      %get3A_301 = tpu.vector_load %arg6[%get3A_299, %get3A_300] {strides = array<i32>} : memref<200x128xf32, #tpu.memory_space<vmem>>, vector<1x16xf32>,
      %get3A_302 = vector.shape_cast %get3A_301 : vector<1x16xf32> to vector<16xf32>
      %add3A_303 = arith.addf %mul3A_298, %get3A_302 : vector<16xf32>
      %swap3A_304 = arith.index_cast %add3A_225 : i32 to index
      %swap3A_305 = arith.constant 64 : index
      %swap3A_306 = tpu.vector_load %arg10[%swap3A_304, %swap3A_305] {strides = array<i32>} : memref<200x128xf32, #tpu.memory_space<vmem>>, vector<1x16xf32>,
      %swap3A_307 = vector.shape_cast %swap3A_306 : vector<1x16xf32> to vector<16xf32>
      %swap3A_308 = vector.shape_cast %add3A_303 : vector<16xf32> to vector<1x16xf32>
      tpu.vector_store %arg10[%swap3A_304, %swap3A_305], %swap3A_308 {strides = array<i32>} : memref<200x128xf32, #tpu.memory_space<vmem>>, vector<1x16xf32>,
      %get3A_309 = arith.index_cast %add3A_225 : i32 to index
      %get3A_310 = arith.constant 80 : index
      %get3A_311 = tpu.vector_load %arg10[%get3A_309, %get3A_310] {strides = array<i32>} : memref<200x128xf32, #tpu.memory_space<vmem>>, vector<1x16xf32>,
      %get3A_312 = vector.shape_cast %get3A_311 : vector<1x16xf32> to vector<16xf32>
      %mul3A_313 = arith.constant 11.3137083 : f32
      %mul3A_314 = vector.broadcast %mul3A_313 : f32 to vector<16xf32>
      %mul3A_315 = arith.mulf %get3A_312, %mul3A_314 : vector<16xf32>
      %get3A_316 = arith.index_cast %add3A_225 : i32 to index
      %get3A_317 = arith.constant 80 : index
      %get3A_318 = tpu.vector_load %arg6[%get3A_316, %get3A_317] {strides = array<i32>} : memref<200x128xf32, #tpu.memory_space<vmem>>, vector<1x16xf32>,
      %get3A_319 = vector.shape_cast %get3A_318 : vector<1x16xf32> to vector<16xf32>
      %add3A_320 = arith.addf %mul3A_315, %get3A_319 : vector<16xf32>
      %swap3A_321 = arith.index_cast %add3A_225 : i32 to index
      %swap3A_322 = arith.constant 80 : index
      %swap3A_323 = tpu.vector_load %arg10[%swap3A_321, %swap3A_322] {strides = array<i32>} : memref<200x128xf32, #tpu.memory_space<vmem>>, vector<1x16xf32>,
      %swap3A_324 = vector.shape_cast %swap3A_323 : vector<1x16xf32> to vector<16xf32>
      %swap3A_325 = vector.shape_cast %add3A_320 : vector<16xf32> to vector<1x16xf32>
      tpu.vector_store %arg10[%swap3A_321, %swap3A_322], %swap3A_325 {strides = array<i32>} : memref<200x128xf32, #tpu.memory_space<vmem>>, vector<1x16xf32>,
      %get3A_326 = arith.index_cast %add3A_225 : i32 to index
      %get3A_327 = arith.constant 96 : index
      %get3A_328 = tpu.vector_load %arg10[%get3A_326, %get3A_327] {strides = array<i32>} : memref<200x128xf32, #tpu.memory_space<vmem>>, vector<1x16xf32>,
      %get3A_329 = vector.shape_cast %get3A_328 : vector<1x16xf32> to vector<16xf32>
      %mul3A_330 = arith.constant 11.3137083 : f32
      %mul3A_331 = vector.broadcast %mul3A_330 : f32 to vector<16xf32>
      %mul3A_332 = arith.mulf %get3A_329, %mul3A_331 : vector<16xf32>
      %get3A_333 = arith.index_cast %add3A_225 : i32 to index
      %get3A_334 = arith.constant 96 : index
      %get3A_335 = tpu.vector_load %arg6[%get3A_333, %get3A_334] {strides = array<i32>} : memref<200x128xf32, #tpu.memory_space<vmem>>, vector<1x16xf32>,
      %get3A_336 = vector.shape_cast %get3A_335 : vector<1x16xf32> to vector<16xf32>
      %add3A_337 = arith.addf %mul3A_332, %get3A_336 : vector<16xf32>
      %swap3A_338 = arith.index_cast %add3A_225 : i32 to index
      %swap3A_339 = arith.constant 96 : index
      %swap3A_340 = tpu.vector_load %arg10[%swap3A_338, %swap3A_339] {strides = array<i32>} : memref<200x128xf32, #tpu.memory_space<vmem>>, vector<1x16xf32>,
      %swap3A_341 = vector.shape_cast %swap3A_340 : vector<1x16xf32> to vector<16xf32>
      %swap3A_342 = vector.shape_cast %add3A_337 : vector<16xf32> to vector<1x16xf32>
      tpu.vector_store %arg10[%swap3A_338, %swap3A_339], %swap3A_342 {strides = array<i32>} : memref<200x128xf32, #tpu.memory_space<vmem>>, vector<1x16xf32>,
      %get3A_343 = arith.index_cast %add3A_225 : i32 to index
      %get3A_344 = arith.constant 112 : index
      %get3A_345 = tpu.vector_load %arg10[%get3A_343, %get3A_344] {strides = array<i32>} : memref<200x128xf32, #tpu.memory_space<vmem>>, vector<1x16xf32>,
      %get3A_346 = vector.shape_cast %get3A_345 : vector<1x16xf32> to vector<16xf32>
      %mul3A_347 = arith.constant 11.3137083 : f32
      %mul3A_348 = vector.broadcast %mul3A_347 : f32 to vector<16xf32>
      %mul3A_349 = arith.mulf %get3A_346, %mul3A_348 : vector<16xf32>
      %get3A_350 = arith.index_cast %add3A_225 : i32 to index
      %get3A_351 = arith.constant 112 : index
      %get3A_352 = tpu.vector_load %arg6[%get3A_350, %get3A_351] {strides = array<i32>} : memref<200x128xf32, #tpu.memory_space<vmem>>, vector<1x16xf32>,
      %get3A_353 = vector.shape_cast %get3A_352 : vector<1x16xf32> to vector<16xf32>
      %add3A_354 = arith.addf %mul3A_349, %get3A_353 : vector<16xf32>
      %swap3A_355 = arith.index_cast %add3A_225 : i32 to index
      %swap3A_356 = arith.constant 112 : index
      %swap3A_357 = tpu.vector_load %arg10[%swap3A_355, %swap3A_356] {strides = array<i32>} : memref<200x128xf32, #tpu.memory_space<vmem>>, vector<1x16xf32>,
      %swap3A_358 = vector.shape_cast %swap3A_357 : vector<1x16xf32> to vector<16xf32>
      %swap3A_359 = vector.shape_cast %add3A_354 : vector<16xf32> to vector<1x16xf32>
      tpu.vector_store %arg10[%swap3A_355, %swap3A_356], %swap3A_359 {strides = array<i32>} : memref<200x128xf32, #tpu.memory_space<vmem>>, vector<1x16xf32>,
    }
    %scan3A_106 = arith.constant 200 : i32
    %add3A_107 = arith.constant 600 : i32
    %add3A_108 = arith.addi %mul3A_2, %add3A_107 : i32
    %dma_start3A_109 = arith.constant 0 : i32
    %dma_start3A_110 = tpu.memref_slice %arg5[%add3A_108, %dma_start3A_109] : memref<819200x128xf32, #tpu.memory_space<hbm>> -> memref<200x128xf32, #tpu.memory_space<hbm>>
    %dma_start3A_111 = arith.constant 0 : i32
    %dma_start3A_112 = tpu.memref_slice %arg5[%add3A_108, %dma_start3A_111] : memref<819200x128xf32, #tpu.memory_space<hbm>> -> memref<200x128xf32, #tpu.memory_space<hbm>>
    tpu.enqueue_dma source(%arg10 : memref<200x128xf32, #tpu.memory_space<vmem>>) target(%dma_start3A_112 : memref<200x128xf32, #tpu.memory_space<hbm>>) target_semaphore(%arg22 : memref<!tpu.dma_semaphore, #tpu.memory_space<semaphore_mem>>)
    %add3A_113 = arith.constant 1400 : i32
    %add3A_114 = arith.addi %mul3A_2, %add3A_113 : i32
    %dma_start3A_115 = tpu.memref_slice %arg3[%add3A_114] : memref<819200xi32, #tpu.memory_space<hbm>> -> memref<200xi32, #tpu.memory_space<hbm>>
    %dma_start3A_116 = tpu.memref_slice %arg3[%add3A_114] : memref<819200xi32, #tpu.memory_space<hbm>> -> memref<200xi32, #tpu.memory_space<hbm>>
    tpu.enqueue_dma source(%dma_start3A_116 : memref<200xi32, #tpu.memory_space<hbm>>) target(%arg14 : memref<200xi32, #tpu.memory_space<vmem>>) target_semaphore(%arg26 : memref<!tpu.dma_semaphore, #tpu.memory_space<semaphore_mem>>)
    %dma_wait3A_117 = arith.constant 0 : i32
    %dma_wait3A_118 = tpu.memref_slice %arg5[%mul3A_2, %dma_wait3A_117] : memref<819200x128xf32, #tpu.memory_space<hbm>> -> memref<200x128xf32, #tpu.memory_space<hbm>>
    %dma_wait3A_119 = arith.constant 0 : i32
    %dma_wait3A_120 = tpu.memref_slice %arg5[%mul3A_2, %dma_wait3A_119] : memref<819200x128xf32, #tpu.memory_space<hbm>> -> memref<200x128xf32, #tpu.memory_space<hbm>>
    tpu.wait_dma2 semaphore(%arg20 : memref<!tpu.dma_semaphore, #tpu.memory_space<semaphore_mem>>) src(%arg8 : memref<200x128xf32, #tpu.memory_space<vmem>>) dst(%dma_wait3A_120 : memref<200x128xf32, #tpu.memory_space<hbm>>)
    %dma_wait3A_121 = tpu.memref_slice %arg3[%mul3A_2] : memref<819200xi32, #tpu.memory_space<hbm>> -> memref<200xi32, #tpu.memory_space<hbm>>
    %dma_wait3A_122 = tpu.memref_slice %arg3[%mul3A_2] : memref<819200xi32, #tpu.memory_space<hbm>> -> memref<200xi32, #tpu.memory_space<hbm>>
    tpu.wait_dma2 semaphore(%arg24 : memref<!tpu.dma_semaphore, #tpu.memory_space<semaphore_mem>>) src(%dma_wait3A_122 : memref<200xi32, #tpu.memory_space<hbm>>) dst(%arg12 : memref<200xi32, #tpu.memory_space<vmem>>)
    %dma_start3A_123 = arith.constant 0 : i32
    %dma_start3A_124 = arith.constant 0 : i32
    %dma_start3A_125 = tpu.memref_slice %arg2[%dma_start3A_123, %dma_start3A_124] : memref<100000x128xf32, #tpu.memory_space<hbm>> -> memref<100000x128xf32, #tpu.memory_space<hbm>>
    tpu.enqueue_indirect_dma source(%dma_start3A_125 : memref<100000x128xf32, #tpu.memory_space<hbm>>) target(%arg8 : memref<200x128xf32, #tpu.memory_space<vmem>>) offsets(%arg12 : memref<200xi32, #tpu.memory_space<vmem>>) semaphore(%arg16 : memref<!tpu.dma_semaphore, #tpu.memory_space<semaphore_mem>>)
    %scan3A_126 = arith.constant 0 : i32
    %scan3A_127 = arith.constant 30 : i32
    %scan3A_128 = arith.addi %scan3A_126, %scan3A_127 : i32
    %scan3A_129 = arith.constant 1 : i32
    scf.for %scan3A_221 = %scan3A_126 to %scan3A_128 step %scan3A_129  : i32 {
      %mul3A_222 = arith.constant 1 : i32
      %mul3A_223 = arith.muli %scan3A_221, %mul3A_222 : i32
      %add3A_224 = arith.constant 1 : i32
      %add3A_225 = arith.addi %add3A_224, %mul3A_223 : i32
      %mul3A_226 = arith.constant 4 : i32
      %mul3A_227 = arith.muli %add3A_225, %mul3A_226 : i32
      %add3A_228 = arith.constant 0 : i32
      %add3A_229 = arith.addi %mul3A_227, %add3A_228 : i32
      %add3A_230 = arith.constant 0 : i32
      %add3A_231 = arith.addi %mul3A_227, %add3A_230 : i32
      %add3A_232 = arith.constant 4 : i32
      %add3A_233 = arith.addi %add3A_231, %add3A_232 : i32
      %add3A_234 = arith.constant 0 : i32
      %add3A_235 = arith.addi %mul3A_227, %add3A_234 : i32
      %add3A_236 = arith.constant 2 : i32
      %add3A_237 = arith.addi %add3A_235, %add3A_236 : i32
      %dma_wait3A_238 = arith.constant 0 : i32
      %dma_wait3A_239 = arith.constant 0 : i32
      %dma_wait3A_240 = tpu.memref_slice %arg2[%dma_wait3A_238, %dma_wait3A_239] : memref<100000x128xf32, #tpu.memory_space<hbm>> -> memref<100000x128xf32, #tpu.memory_space<hbm>>
      tpu.wait_indirect_dma semaphore(%arg15 : memref<!tpu.dma_semaphore, #tpu.memory_space<semaphore_mem>>) src(%dma_wait3A_240 : memref<100000x128xf32, #tpu.memory_space<hbm>>) dst(%arg7 : memref<200x128xf32, #tpu.memory_space<vmem>>)
      %scan3A_241 = arith.constant 0 : i32
      %scan3A_242 = arith.constant 200 : i32
      %scan3A_243 = arith.addi %scan3A_241, %scan3A_242 : i32
      %scan3A_244 = arith.constant 1 : i32
      scf.for %scan3A_384 = %scan3A_241 to %scan3A_243 step %scan3A_244  : i32 {
        %mul3A_385 = arith.constant 1 : i32
        %mul3A_386 = arith.muli %scan3A_384, %mul3A_385 : i32
        %add3A_387 = arith.constant 0 : i32
        %add3A_388 = arith.addi %add3A_387, %mul3A_386 : i32
        %get3A = arith.index_cast %add3A_388 : i32 to index
        %get3A_389 = arith.constant 0 : index
        %get3A_390 = tpu.vector_load %arg7[%get3A, %get3A_389] {strides = array<i32>} : memref<200x128xf32, #tpu.memory_space<vmem>>, vector<1x16xf32>,
        %get3A_391 = vector.shape_cast %get3A_390 : vector<1x16xf32> to vector<16xf32>
        %mul3A_392 = arith.constant 11.3137083 : f32
        %mul3A_393 = vector.broadcast %mul3A_392 : f32 to vector<16xf32>
        %mul3A_394 = arith.mulf %get3A_391, %mul3A_393 : vector<16xf32>
        %get3A_395 = arith.index_cast %add3A_388 : i32 to index
        %get3A_396 = arith.constant 0 : index
        %get3A_397 = tpu.vector_load %arg6[%get3A_395, %get3A_396] {strides = array<i32>} : memref<200x128xf32, #tpu.memory_space<vmem>>, vector<1x16xf32>,
        %get3A_398 = vector.shape_cast %get3A_397 : vector<1x16xf32> to vector<16xf32>
        %add3A_399 = arith.addf %mul3A_394, %get3A_398 : vector<16xf32>
        %swap3A = arith.index_cast %add3A_388 : i32 to index
        %swap3A_400 = arith.constant 0 : index
        %swap3A_401 = tpu.vector_load %arg7[%swap3A, %swap3A_400] {strides = array<i32>} : memref<200x128xf32, #tpu.memory_space<vmem>>, vector<1x16xf32>,
        %swap3A_402 = vector.shape_cast %swap3A_401 : vector<1x16xf32> to vector<16xf32>
        %swap3A_403 = vector.shape_cast %add3A_399 : vector<16xf32> to vector<1x16xf32>
        tpu.vector_store %arg7[%swap3A, %swap3A_400], %swap3A_403 {strides = array<i32>} : memref<200x128xf32, #tpu.memory_space<vmem>>, vector<1x16xf32>,
        %get3A_404 = arith.index_cast %add3A_388 : i32 to index
        %get3A_405 = arith.constant 16 : index
        %get3A_406 = tpu.vector_load %arg7[%get3A_404, %get3A_405] {strides = array<i32>} : memref<200x128xf32, #tpu.memory_space<vmem>>, vector<1x16xf32>,
        %get3A_407 = vector.shape_cast %get3A_406 : vector<1x16xf32> to vector<16xf32>
        %mul3A_408 = arith.constant 11.3137083 : f32
        %mul3A_409 = vector.broadcast %mul3A_408 : f32 to vector<16xf32>
        %mul3A_410 = arith.mulf %get3A_407, %mul3A_409 : vector<16xf32>
        %get3A_411 = arith.index_cast %add3A_388 : i32 to index
        %get3A_412 = arith.constant 16 : index
        %get3A_413 = tpu.vector_load %arg6[%get3A_411, %get3A_412] {strides = array<i32>} : memref<200x128xf32, #tpu.memory_space<vmem>>, vector<1x16xf32>,
        %get3A_414 = vector.shape_cast %get3A_413 : vector<1x16xf32> to vector<16xf32>
        %add3A_415 = arith.addf %mul3A_410, %get3A_414 : vector<16xf32>
        %swap3A_416 = arith.index_cast %add3A_388 : i32 to index
        %swap3A_417 = arith.constant 16 : index
        %swap3A_418 = tpu.vector_load %arg7[%swap3A_416, %swap3A_417] {strides = array<i32>} : memref<200x128xf32, #tpu.memory_space<vmem>>, vector<1x16xf32>,
        %swap3A_419 = vector.shape_cast %swap3A_418 : vector<1x16xf32> to vector<16xf32>
        %swap3A_420 = vector.shape_cast %add3A_415 : vector<16xf32> to vector<1x16xf32>
        tpu.vector_store %arg7[%swap3A_416, %swap3A_417], %swap3A_420 {strides = array<i32>} : memref<200x128xf32, #tpu.memory_space<vmem>>, vector<1x16xf32>,
        %get3A_421 = arith.index_cast %add3A_388 : i32 to index
        %get3A_422 = arith.constant 32 : index
        %get3A_423 = tpu.vector_load %arg7[%get3A_421, %get3A_422] {strides = array<i32>} : memref<200x128xf32, #tpu.memory_space<vmem>>, vector<1x16xf32>,
        %get3A_424 = vector.shape_cast %get3A_423 : vector<1x16xf32> to vector<16xf32>
        %mul3A_425 = arith.constant 11.3137083 : f32
        %mul3A_426 = vector.broadcast %mul3A_425 : f32 to vector<16xf32>
        %mul3A_427 = arith.mulf %get3A_424, %mul3A_426 : vector<16xf32>
        %get3A_428 = arith.index_cast %add3A_388 : i32 to index
        %get3A_429 = arith.constant 32 : index
        %get3A_430 = tpu.vector_load %arg6[%get3A_428, %get3A_429] {strides = array<i32>} : memref<200x128xf32, #tpu.memory_space<vmem>>, vector<1x16xf32>,
        %get3A_431 = vector.shape_cast %get3A_430 : vector<1x16xf32> to vector<16xf32>
        %add3A_432 = arith.addf %mul3A_427, %get3A_431 : vector<16xf32>
        %swap3A_433 = arith.index_cast %add3A_388 : i32 to index
        %swap3A_434 = arith.constant 32 : index
        %swap3A_435 = tpu.vector_load %arg7[%swap3A_433, %swap3A_434] {strides = array<i32>} : memref<200x128xf32, #tpu.memory_space<vmem>>, vector<1x16xf32>,
        %swap3A_436 = vector.shape_cast %swap3A_435 : vector<1x16xf32> to vector<16xf32>
        %swap3A_437 = vector.shape_cast %add3A_432 : vector<16xf32> to vector<1x16xf32>
        tpu.vector_store %arg7[%swap3A_433, %swap3A_434], %swap3A_437 {strides = array<i32>} : memref<200x128xf32, #tpu.memory_space<vmem>>, vector<1x16xf32>,
        %get3A_438 = arith.index_cast %add3A_388 : i32 to index
        %get3A_439 = arith.constant 48 : index
        %get3A_440 = tpu.vector_load %arg7[%get3A_438, %get3A_439] {strides = array<i32>} : memref<200x128xf32, #tpu.memory_space<vmem>>, vector<1x16xf32>,
        %get3A_441 = vector.shape_cast %get3A_440 : vector<1x16xf32> to vector<16xf32>
        %mul3A_442 = arith.constant 11.3137083 : f32
        %mul3A_443 = vector.broadcast %mul3A_442 : f32 to vector<16xf32>
        %mul3A_444 = arith.mulf %get3A_441, %mul3A_443 : vector<16xf32>
        %get3A_445 = arith.index_cast %add3A_388 : i32 to index
        %get3A_446 = arith.constant 48 : index
        %get3A_447 = tpu.vector_load %arg6[%get3A_445, %get3A_446] {strides = array<i32>} : memref<200x128xf32, #tpu.memory_space<vmem>>, vector<1x16xf32>,
        %get3A_448 = vector.shape_cast %get3A_447 : vector<1x16xf32> to vector<16xf32>
        %add3A_449 = arith.addf %mul3A_444, %get3A_448 : vector<16xf32>
        %swap3A_450 = arith.index_cast %add3A_388 : i32 to index
        %swap3A_451 = arith.constant 48 : index
        %swap3A_452 = tpu.vector_load %arg7[%swap3A_450, %swap3A_451] {strides = array<i32>} : memref<200x128xf32, #tpu.memory_space<vmem>>, vector<1x16xf32>,
        %swap3A_453 = vector.shape_cast %swap3A_452 : vector<1x16xf32> to vector<16xf32>
        %swap3A_454 = vector.shape_cast %add3A_449 : vector<16xf32> to vector<1x16xf32>
        tpu.vector_store %arg7[%swap3A_450, %swap3A_451], %swap3A_454 {strides = array<i32>} : memref<200x128xf32, #tpu.memory_space<vmem>>, vector<1x16xf32>,
        %get3A_455 = arith.index_cast %add3A_388 : i32 to index
        %get3A_456 = arith.constant 64 : index
        %get3A_457 = tpu.vector_load %arg7[%get3A_455, %get3A_456] {strides = array<i32>} : memref<200x128xf32, #tpu.memory_space<vmem>>, vector<1x16xf32>,
        %get3A_458 = vector.shape_cast %get3A_457 : vector<1x16xf32> to vector<16xf32>
        %mul3A_459 = arith.constant 11.3137083 : f32
        %mul3A_460 = vector.broadcast %mul3A_459 : f32 to vector<16xf32>
        %mul3A_461 = arith.mulf %get3A_458, %mul3A_460 : vector<16xf32>
        %get3A_462 = arith.index_cast %add3A_388 : i32 to index
        %get3A_463 = arith.constant 64 : index
        %get3A_464 = tpu.vector_load %arg6[%get3A_462, %get3A_463] {strides = array<i32>} : memref<200x128xf32, #tpu.memory_space<vmem>>, vector<1x16xf32>,
        %get3A_465 = vector.shape_cast %get3A_464 : vector<1x16xf32> to vector<16xf32>
        %add3A_466 = arith.addf %mul3A_461, %get3A_465 : vector<16xf32>
        %swap3A_467 = arith.index_cast %add3A_388 : i32 to index
        %swap3A_468 = arith.constant 64 : index
        %swap3A_469 = tpu.vector_load %arg7[%swap3A_467, %swap3A_468] {strides = array<i32>} : memref<200x128xf32, #tpu.memory_space<vmem>>, vector<1x16xf32>,
        %swap3A_470 = vector.shape_cast %swap3A_469 : vector<1x16xf32> to vector<16xf32>
        %swap3A_471 = vector.shape_cast %add3A_466 : vector<16xf32> to vector<1x16xf32>
        tpu.vector_store %arg7[%swap3A_467, %swap3A_468], %swap3A_471 {strides = array<i32>} : memref<200x128xf32, #tpu.memory_space<vmem>>, vector<1x16xf32>,
        %get3A_472 = arith.index_cast %add3A_388 : i32 to index
        %get3A_473 = arith.constant 80 : index
        %get3A_474 = tpu.vector_load %arg7[%get3A_472, %get3A_473] {strides = array<i32>} : memref<200x128xf32, #tpu.memory_space<vmem>>, vector<1x16xf32>,
        %get3A_475 = vector.shape_cast %get3A_474 : vector<1x16xf32> to vector<16xf32>
        %mul3A_476 = arith.constant 11.3137083 : f32
        %mul3A_477 = vector.broadcast %mul3A_476 : f32 to vector<16xf32>
        %mul3A_478 = arith.mulf %get3A_475, %mul3A_477 : vector<16xf32>
        %get3A_479 = arith.index_cast %add3A_388 : i32 to index
        %get3A_480 = arith.constant 80 : index
        %get3A_481 = tpu.vector_load %arg6[%get3A_479, %get3A_480] {strides = array<i32>} : memref<200x128xf32, #tpu.memory_space<vmem>>, vector<1x16xf32>,
        %get3A_482 = vector.shape_cast %get3A_481 : vector<1x16xf32> to vector<16xf32>
        %add3A_483 = arith.addf %mul3A_478, %get3A_482 : vector<16xf32>
        %swap3A_484 = arith.index_cast %add3A_388 : i32 to index
        %swap3A_485 = arith.constant 80 : index
        %swap3A_486 = tpu.vector_load %arg7[%swap3A_484, %swap3A_485] {strides = array<i32>} : memref<200x128xf32, #tpu.memory_space<vmem>>, vector<1x16xf32>,
        %swap3A_487 = vector.shape_cast %swap3A_486 : vector<1x16xf32> to vector<16xf32>
        %swap3A_488 = vector.shape_cast %add3A_483 : vector<16xf32> to vector<1x16xf32>
        tpu.vector_store %arg7[%swap3A_484, %swap3A_485], %swap3A_488 {strides = array<i32>} : memref<200x128xf32, #tpu.memory_space<vmem>>, vector<1x16xf32>,
        %get3A_489 = arith.index_cast %add3A_388 : i32 to index
        %get3A_490 = arith.constant 96 : index
        %get3A_491 = tpu.vector_load %arg7[%get3A_489, %get3A_490] {strides = array<i32>} : memref<200x128xf32, #tpu.memory_space<vmem>>, vector<1x16xf32>,
        %get3A_492 = vector.shape_cast %get3A_491 : vector<1x16xf32> to vector<16xf32>
        %mul3A_493 = arith.constant 11.3137083 : f32
        %mul3A_494 = vector.broadcast %mul3A_493 : f32 to vector<16xf32>
        %mul3A_495 = arith.mulf %get3A_492, %mul3A_494 : vector<16xf32>
        %get3A_496 = arith.index_cast %add3A_388 : i32 to index
        %get3A_497 = arith.constant 96 : index
        %get3A_498 = tpu.vector_load %arg6[%get3A_496, %get3A_497] {strides = array<i32>} : memref<200x128xf32, #tpu.memory_space<vmem>>, vector<1x16xf32>,
        %get3A_499 = vector.shape_cast %get3A_498 : vector<1x16xf32> to vector<16xf32>
        %add3A_500 = arith.addf %mul3A_495, %get3A_499 : vector<16xf32>
        %swap3A_501 = arith.index_cast %add3A_388 : i32 to index
        %swap3A_502 = arith.constant 96 : index
        %swap3A_503 = tpu.vector_load %arg7[%swap3A_501, %swap3A_502] {strides = array<i32>} : memref<200x128xf32, #tpu.memory_space<vmem>>, vector<1x16xf32>,
        %swap3A_504 = vector.shape_cast %swap3A_503 : vector<1x16xf32> to vector<16xf32>
        %swap3A_505 = vector.shape_cast %add3A_500 : vector<16xf32> to vector<1x16xf32>
        tpu.vector_store %arg7[%swap3A_501, %swap3A_502], %swap3A_505 {strides = array<i32>} : memref<200x128xf32, #tpu.memory_space<vmem>>, vector<1x16xf32>,
        %get3A_506 = arith.index_cast %add3A_388 : i32 to index
        %get3A_507 = arith.constant 112 : index
        %get3A_508 = tpu.vector_load %arg7[%get3A_506, %get3A_507] {strides = array<i32>} : memref<200x128xf32, #tpu.memory_space<vmem>>, vector<1x16xf32>,
        %get3A_509 = vector.shape_cast %get3A_508 : vector<1x16xf32> to vector<16xf32>
        %mul3A_510 = arith.constant 11.3137083 : f32
        %mul3A_511 = vector.broadcast %mul3A_510 : f32 to vector<16xf32>
        %mul3A_512 = arith.mulf %get3A_509, %mul3A_511 : vector<16xf32>
        %get3A_513 = arith.index_cast %add3A_388 : i32 to index
        %get3A_514 = arith.constant 112 : index
        %get3A_515 = tpu.vector_load %arg6[%get3A_513, %get3A_514] {strides = array<i32>} : memref<200x128xf32, #tpu.memory_space<vmem>>, vector<1x16xf32>,
        %get3A_516 = vector.shape_cast %get3A_515 : vector<1x16xf32> to vector<16xf32>
        %add3A_517 = arith.addf %mul3A_512, %get3A_516 : vector<16xf32>
        %swap3A_518 = arith.index_cast %add3A_388 : i32 to index
        %swap3A_519 = arith.constant 112 : index
        %swap3A_520 = tpu.vector_load %arg7[%swap3A_518, %swap3A_519] {strides = array<i32>} : memref<200x128xf32, #tpu.memory_space<vmem>>, vector<1x16xf32>,
        %swap3A_521 = vector.shape_cast %swap3A_520 : vector<1x16xf32> to vector<16xf32>
        %swap3A_522 = vector.shape_cast %add3A_517 : vector<16xf32> to vector<1x16xf32>
        tpu.vector_store %arg7[%swap3A_518, %swap3A_519], %swap3A_522 {strides = array<i32>} : memref<200x128xf32, #tpu.memory_space<vmem>>, vector<1x16xf32>,
      }
      %scan3A_245 = arith.constant 200 : i32
      %mul3A_246 = arith.constant 200 : i32
      %mul3A_247 = arith.muli %add3A_229, %mul3A_246 : i32
      %add3A_248 = arith.addi %mul3A_2, %mul3A_247 : i32
      %dma_start3A_249 = arith.constant 0 : i32
      %dma_start3A_250 = tpu.memref_slice %arg5[%add3A_248, %dma_start3A_249] : memref<819200x128xf32, #tpu.memory_space<hbm>> -> memref<200x128xf32, #tpu.memory_space<hbm>>
      %dma_start3A_251 = arith.constant 0 : i32
      %dma_start3A_252 = tpu.memref_slice %arg5[%add3A_248, %dma_start3A_251] : memref<819200x128xf32, #tpu.memory_space<hbm>> -> memref<200x128xf32, #tpu.memory_space<hbm>>
      tpu.enqueue_dma source(%arg7 : memref<200x128xf32, #tpu.memory_space<vmem>>) target(%dma_start3A_252 : memref<200x128xf32, #tpu.memory_space<hbm>>) target_semaphore(%arg19 : memref<!tpu.dma_semaphore, #tpu.memory_space<semaphore_mem>>)
      %mul3A_253 = arith.constant 200 : i32
      %mul3A_254 = arith.muli %add3A_233, %mul3A_253 : i32
      %add3A_255 = arith.addi %mul3A_2, %mul3A_254 : i32
      %dma_start3A_256 = tpu.memref_slice %arg3[%add3A_255] : memref<819200xi32, #tpu.memory_space<hbm>> -> memref<200xi32, #tpu.memory_space<hbm>>
      %dma_start3A_257 = tpu.memref_slice %arg3[%add3A_255] : memref<819200xi32, #tpu.memory_space<hbm>> -> memref<200xi32, #tpu.memory_space<hbm>>
      tpu.enqueue_dma source(%dma_start3A_257 : memref<200xi32, #tpu.memory_space<hbm>>) target(%arg11 : memref<200xi32, #tpu.memory_space<vmem>>) target_semaphore(%arg23 : memref<!tpu.dma_semaphore, #tpu.memory_space<semaphore_mem>>)
      %dma_wait3A_258 = arith.constant 0 : i32
      %dma_wait3A_259 = tpu.memref_slice %arg5[%mul3A_2, %dma_wait3A_258] : memref<819200x128xf32, #tpu.memory_space<hbm>> -> memref<200x128xf32, #tpu.memory_space<hbm>>
      %dma_wait3A_260 = arith.constant 0 : i32
      %dma_wait3A_261 = tpu.memref_slice %arg5[%mul3A_2, %dma_wait3A_260] : memref<819200x128xf32, #tpu.memory_space<hbm>> -> memref<200x128xf32, #tpu.memory_space<hbm>>
      tpu.wait_dma2 semaphore(%arg21 : memref<!tpu.dma_semaphore, #tpu.memory_space<semaphore_mem>>) src(%arg9 : memref<200x128xf32, #tpu.memory_space<vmem>>) dst(%dma_wait3A_261 : memref<200x128xf32, #tpu.memory_space<hbm>>)
      %dma_wait3A_262 = tpu.memref_slice %arg3[%mul3A_2] : memref<819200xi32, #tpu.memory_space<hbm>> -> memref<200xi32, #tpu.memory_space<hbm>>
      %dma_wait3A_263 = tpu.memref_slice %arg3[%mul3A_2] : memref<819200xi32, #tpu.memory_space<hbm>> -> memref<200xi32, #tpu.memory_space<hbm>>
      tpu.wait_dma2 semaphore(%arg25 : memref<!tpu.dma_semaphore, #tpu.memory_space<semaphore_mem>>) src(%dma_wait3A_263 : memref<200xi32, #tpu.memory_space<hbm>>) dst(%arg13 : memref<200xi32, #tpu.memory_space<vmem>>)
      %dma_start3A_264 = arith.constant 0 : i32
      %dma_start3A_265 = arith.constant 0 : i32
      %dma_start3A_266 = tpu.memref_slice %arg2[%dma_start3A_264, %dma_start3A_265] : memref<100000x128xf32, #tpu.memory_space<hbm>> -> memref<100000x128xf32, #tpu.memory_space<hbm>>
      tpu.enqueue_indirect_dma source(%dma_start3A_266 : memref<100000x128xf32, #tpu.memory_space<hbm>>) target(%arg9 : memref<200x128xf32, #tpu.memory_space<vmem>>) offsets(%arg13 : memref<200xi32, #tpu.memory_space<vmem>>) semaphore(%arg17 : memref<!tpu.dma_semaphore, #tpu.memory_space<semaphore_mem>>)
      %add3A_267 = arith.constant 1 : i32
      %add3A_268 = arith.addi %mul3A_227, %add3A_267 : i32
      %add3A_269 = arith.constant 1 : i32
      %add3A_270 = arith.addi %mul3A_227, %add3A_269 : i32
      %add3A_271 = arith.constant 4 : i32
      %add3A_272 = arith.addi %add3A_270, %add3A_271 : i32
      %add3A_273 = arith.constant 1 : i32
      %add3A_274 = arith.addi %mul3A_227, %add3A_273 : i32
      %add3A_275 = arith.constant 2 : i32
      %add3A_276 = arith.addi %add3A_274, %add3A_275 : i32
      %dma_wait3A_277 = arith.constant 0 : i32
      %dma_wait3A_278 = arith.constant 0 : i32
      %dma_wait3A_279 = tpu.memref_slice %arg2[%dma_wait3A_277, %dma_wait3A_278] : memref<100000x128xf32, #tpu.memory_space<hbm>> -> memref<100000x128xf32, #tpu.memory_space<hbm>>
      tpu.wait_indirect_dma semaphore(%arg16 : memref<!tpu.dma_semaphore, #tpu.memory_space<semaphore_mem>>) src(%dma_wait3A_279 : memref<100000x128xf32, #tpu.memory_space<hbm>>) dst(%arg8 : memref<200x128xf32, #tpu.memory_space<vmem>>)
      %scan3A_280 = arith.constant 0 : i32
      %scan3A_281 = arith.constant 200 : i32
      %scan3A_282 = arith.addi %scan3A_280, %scan3A_281 : i32
      %scan3A_283 = arith.constant 1 : i32
      scf.for %scan3A_384 = %scan3A_280 to %scan3A_282 step %scan3A_283  : i32 {
        %mul3A_385 = arith.constant 1 : i32
        %mul3A_386 = arith.muli %scan3A_384, %mul3A_385 : i32
        %add3A_387 = arith.constant 0 : i32
        %add3A_388 = arith.addi %add3A_387, %mul3A_386 : i32
        %get3A = arith.index_cast %add3A_388 : i32 to index
        %get3A_389 = arith.constant 0 : index
        %get3A_390 = tpu.vector_load %arg8[%get3A, %get3A_389] {strides = array<i32>} : memref<200x128xf32, #tpu.memory_space<vmem>>, vector<1x16xf32>,
        %get3A_391 = vector.shape_cast %get3A_390 : vector<1x16xf32> to vector<16xf32>
        %mul3A_392 = arith.constant 11.3137083 : f32
        %mul3A_393 = vector.broadcast %mul3A_392 : f32 to vector<16xf32>
        %mul3A_394 = arith.mulf %get3A_391, %mul3A_393 : vector<16xf32>
        %get3A_395 = arith.index_cast %add3A_388 : i32 to index
        %get3A_396 = arith.constant 0 : index
        %get3A_397 = tpu.vector_load %arg6[%get3A_395, %get3A_396] {strides = array<i32>} : memref<200x128xf32, #tpu.memory_space<vmem>>, vector<1x16xf32>,
        %get3A_398 = vector.shape_cast %get3A_397 : vector<1x16xf32> to vector<16xf32>
        %add3A_399 = arith.addf %mul3A_394, %get3A_398 : vector<16xf32>
        %swap3A = arith.index_cast %add3A_388 : i32 to index
        %swap3A_400 = arith.constant 0 : index
        %swap3A_401 = tpu.vector_load %arg8[%swap3A, %swap3A_400] {strides = array<i32>} : memref<200x128xf32, #tpu.memory_space<vmem>>, vector<1x16xf32>,
        %swap3A_402 = vector.shape_cast %swap3A_401 : vector<1x16xf32> to vector<16xf32>
        %swap3A_403 = vector.shape_cast %add3A_399 : vector<16xf32> to vector<1x16xf32>
        tpu.vector_store %arg8[%swap3A, %swap3A_400], %swap3A_403 {strides = array<i32>} : memref<200x128xf32, #tpu.memory_space<vmem>>, vector<1x16xf32>,
        %get3A_404 = arith.index_cast %add3A_388 : i32 to index
        %get3A_405 = arith.constant 16 : index
        %get3A_406 = tpu.vector_load %arg8[%get3A_404, %get3A_405] {strides = array<i32>} : memref<200x128xf32, #tpu.memory_space<vmem>>, vector<1x16xf32>,
        %get3A_407 = vector.shape_cast %get3A_406 : vector<1x16xf32> to vector<16xf32>
        %mul3A_408 = arith.constant 11.3137083 : f32
        %mul3A_409 = vector.broadcast %mul3A_408 : f32 to vector<16xf32>
        %mul3A_410 = arith.mulf %get3A_407, %mul3A_409 : vector<16xf32>
        %get3A_411 = arith.index_cast %add3A_388 : i32 to index
        %get3A_412 = arith.constant 16 : index
        %get3A_413 = tpu.vector_load %arg6[%get3A_411, %get3A_412] {strides = array<i32>} : memref<200x128xf32, #tpu.memory_space<vmem>>, vector<1x16xf32>,
        %get3A_414 = vector.shape_cast %get3A_413 : vector<1x16xf32> to vector<16xf32>
        %add3A_415 = arith.addf %mul3A_410, %get3A_414 : vector<16xf32>
        %swap3A_416 = arith.index_cast %add3A_388 : i32 to index
        %swap3A_417 = arith.constant 16 : index
        %swap3A_418 = tpu.vector_load %arg8[%swap3A_416, %swap3A_417] {strides = array<i32>} : memref<200x128xf32, #tpu.memory_space<vmem>>, vector<1x16xf32>,
        %swap3A_419 = vector.shape_cast %swap3A_418 : vector<1x16xf32> to vector<16xf32>
        %swap3A_420 = vector.shape_cast %add3A_415 : vector<16xf32> to vector<1x16xf32>
        tpu.vector_store %arg8[%swap3A_416, %swap3A_417], %swap3A_420 {strides = array<i32>} : memref<200x128xf32, #tpu.memory_space<vmem>>, vector<1x16xf32>,
        %get3A_421 = arith.index_cast %add3A_388 : i32 to index
        %get3A_422 = arith.constant 32 : index
        %get3A_423 = tpu.vector_load %arg8[%get3A_421, %get3A_422] {strides = array<i32>} : memref<200x128xf32, #tpu.memory_space<vmem>>, vector<1x16xf32>,
        %get3A_424 = vector.shape_cast %get3A_423 : vector<1x16xf32> to vector<16xf32>
        %mul3A_425 = arith.constant 11.3137083 : f32
        %mul3A_426 = vector.broadcast %mul3A_425 : f32 to vector<16xf32>
        %mul3A_427 = arith.mulf %get3A_424, %mul3A_426 : vector<16xf32>
        %get3A_428 = arith.index_cast %add3A_388 : i32 to index
        %get3A_429 = arith.constant 32 : index
        %get3A_430 = tpu.vector_load %arg6[%get3A_428, %get3A_429] {strides = array<i32>} : memref<200x128xf32, #tpu.memory_space<vmem>>, vector<1x16xf32>,
        %get3A_431 = vector.shape_cast %get3A_430 : vector<1x16xf32> to vector<16xf32>
        %add3A_432 = arith.addf %mul3A_427, %get3A_431 : vector<16xf32>
        %swap3A_433 = arith.index_cast %add3A_388 : i32 to index
        %swap3A_434 = arith.constant 32 : index
        %swap3A_435 = tpu.vector_load %arg8[%swap3A_433, %swap3A_434] {strides = array<i32>} : memref<200x128xf32, #tpu.memory_space<vmem>>, vector<1x16xf32>,
        %swap3A_436 = vector.shape_cast %swap3A_435 : vector<1x16xf32> to vector<16xf32>
        %swap3A_437 = vector.shape_cast %add3A_432 : vector<16xf32> to vector<1x16xf32>
        tpu.vector_store %arg8[%swap3A_433, %swap3A_434], %swap3A_437 {strides = array<i32>} : memref<200x128xf32, #tpu.memory_space<vmem>>, vector<1x16xf32>,
        %get3A_438 = arith.index_cast %add3A_388 : i32 to index
        %get3A_439 = arith.constant 48 : index
        %get3A_440 = tpu.vector_load %arg8[%get3A_438, %get3A_439] {strides = array<i32>} : memref<200x128xf32, #tpu.memory_space<vmem>>, vector<1x16xf32>,
        %get3A_441 = vector.shape_cast %get3A_440 : vector<1x16xf32> to vector<16xf32>
        %mul3A_442 = arith.constant 11.3137083 : f32
        %mul3A_443 = vector.broadcast %mul3A_442 : f32 to vector<16xf32>
        %mul3A_444 = arith.mulf %get3A_441, %mul3A_443 : vector<16xf32>
        %get3A_445 = arith.index_cast %add3A_388 : i32 to index
        %get3A_446 = arith.constant 48 : index
        %get3A_447 = tpu.vector_load %arg6[%get3A_445, %get3A_446] {strides = array<i32>} : memref<200x128xf32, #tpu.memory_space<vmem>>, vector<1x16xf32>,
        %get3A_448 = vector.shape_cast %get3A_447 : vector<1x16xf32> to vector<16xf32>
        %add3A_449 = arith.addf %mul3A_444, %get3A_448 : vector<16xf32>
        %swap3A_450 = arith.index_cast %add3A_388 : i32 to index
        %swap3A_451 = arith.constant 48 : index
        %swap3A_452 = tpu.vector_load %arg8[%swap3A_450, %swap3A_451] {strides = array<i32>} : memref<200x128xf32, #tpu.memory_space<vmem>>, vector<1x16xf32>,
        %swap3A_453 = vector.shape_cast %swap3A_452 : vector<1x16xf32> to vector<16xf32>
        %swap3A_454 = vector.shape_cast %add3A_449 : vector<16xf32> to vector<1x16xf32>
        tpu.vector_store %arg8[%swap3A_450, %swap3A_451], %swap3A_454 {strides = array<i32>} : memref<200x128xf32, #tpu.memory_space<vmem>>, vector<1x16xf32>,
        %get3A_455 = arith.index_cast %add3A_388 : i32 to index
        %get3A_456 = arith.constant 64 : index
        %get3A_457 = tpu.vector_load %arg8[%get3A_455, %get3A_456] {strides = array<i32>} : memref<200x128xf32, #tpu.memory_space<vmem>>, vector<1x16xf32>,
        %get3A_458 = vector.shape_cast %get3A_457 : vector<1x16xf32> to vector<16xf32>
        %mul3A_459 = arith.constant 11.3137083 : f32
        %mul3A_460 = vector.broadcast %mul3A_459 : f32 to vector<16xf32>
        %mul3A_461 = arith.mulf %get3A_458, %mul3A_460 : vector<16xf32>
        %get3A_462 = arith.index_cast %add3A_388 : i32 to index
        %get3A_463 = arith.constant 64 : index
        %get3A_464 = tpu.vector_load %arg6[%get3A_462, %get3A_463] {strides = array<i32>} : memref<200x128xf32, #tpu.memory_space<vmem>>, vector<1x16xf32>,
        %get3A_465 = vector.shape_cast %get3A_464 : vector<1x16xf32> to vector<16xf32>
        %add3A_466 = arith.addf %mul3A_461, %get3A_465 : vector<16xf32>
        %swap3A_467 = arith.index_cast %add3A_388 : i32 to index
        %swap3A_468 = arith.constant 64 : index
        %swap3A_469 = tpu.vector_load %arg8[%swap3A_467, %swap3A_468] {strides = array<i32>} : memref<200x128xf32, #tpu.memory_space<vmem>>, vector<1x16xf32>,
        %swap3A_470 = vector.shape_cast %swap3A_469 : vector<1x16xf32> to vector<16xf32>
        %swap3A_471 = vector.shape_cast %add3A_466 : vector<16xf32> to vector<1x16xf32>
        tpu.vector_store %arg8[%swap3A_467, %swap3A_468], %swap3A_471 {strides = array<i32>} : memref<200x128xf32, #tpu.memory_space<vmem>>, vector<1x16xf32>,
        %get3A_472 = arith.index_cast %add3A_388 : i32 to index
        %get3A_473 = arith.constant 80 : index
        %get3A_474 = tpu.vector_load %arg8[%get3A_472, %get3A_473] {strides = array<i32>} : memref<200x128xf32, #tpu.memory_space<vmem>>, vector<1x16xf32>,
        %get3A_475 = vector.shape_cast %get3A_474 : vector<1x16xf32> to vector<16xf32>
        %mul3A_476 = arith.constant 11.3137083 : f32
        %mul3A_477 = vector.broadcast %mul3A_476 : f32 to vector<16xf32>
        %mul3A_478 = arith.mulf %get3A_475, %mul3A_477 : vector<16xf32>
        %get3A_479 = arith.index_cast %add3A_388 : i32 to index
        %get3A_480 = arith.constant 80 : index
        %get3A_481 = tpu.vector_load %arg6[%get3A_479, %get3A_480] {strides = array<i32>} : memref<200x128xf32, #tpu.memory_space<vmem>>, vector<1x16xf32>,
        %get3A_482 = vector.shape_cast %get3A_481 : vector<1x16xf32> to vector<16xf32>
        %add3A_483 = arith.addf %mul3A_478, %get3A_482 : vector<16xf32>
        %swap3A_484 = arith.index_cast %add3A_388 : i32 to index
        %swap3A_485 = arith.constant 80 : index
        %swap3A_486 = tpu.vector_load %arg8[%swap3A_484, %swap3A_485] {strides = array<i32>} : memref<200x128xf32, #tpu.memory_space<vmem>>, vector<1x16xf32>,
        %swap3A_487 = vector.shape_cast %swap3A_486 : vector<1x16xf32> to vector<16xf32>
        %swap3A_488 = vector.shape_cast %add3A_483 : vector<16xf32> to vector<1x16xf32>
        tpu.vector_store %arg8[%swap3A_484, %swap3A_485], %swap3A_488 {strides = array<i32>} : memref<200x128xf32, #tpu.memory_space<vmem>>, vector<1x16xf32>,
        %get3A_489 = arith.index_cast %add3A_388 : i32 to index
        %get3A_490 = arith.constant 96 : index
        %get3A_491 = tpu.vector_load %arg8[%get3A_489, %get3A_490] {strides = array<i32>} : memref<200x128xf32, #tpu.memory_space<vmem>>, vector<1x16xf32>,
        %get3A_492 = vector.shape_cast %get3A_491 : vector<1x16xf32> to vector<16xf32>
        %mul3A_493 = arith.constant 11.3137083 : f32
        %mul3A_494 = vector.broadcast %mul3A_493 : f32 to vector<16xf32>
        %mul3A_495 = arith.mulf %get3A_492, %mul3A_494 : vector<16xf32>
        %get3A_496 = arith.index_cast %add3A_388 : i32 to index
        %get3A_497 = arith.constant 96 : index
        %get3A_498 = tpu.vector_load %arg6[%get3A_496, %get3A_497] {strides = array<i32>} : memref<200x128xf32, #tpu.memory_space<vmem>>, vector<1x16xf32>,
        %get3A_499 = vector.shape_cast %get3A_498 : vector<1x16xf32> to vector<16xf32>
        %add3A_500 = arith.addf %mul3A_495, %get3A_499 : vector<16xf32>
        %swap3A_501 = arith.index_cast %add3A_388 : i32 to index
        %swap3A_502 = arith.constant 96 : index
        %swap3A_503 = tpu.vector_load %arg8[%swap3A_501, %swap3A_502] {strides = array<i32>} : memref<200x128xf32, #tpu.memory_space<vmem>>, vector<1x16xf32>,
        %swap3A_504 = vector.shape_cast %swap3A_503 : vector<1x16xf32> to vector<16xf32>
        %swap3A_505 = vector.shape_cast %add3A_500 : vector<16xf32> to vector<1x16xf32>
        tpu.vector_store %arg8[%swap3A_501, %swap3A_502], %swap3A_505 {strides = array<i32>} : memref<200x128xf32, #tpu.memory_space<vmem>>, vector<1x16xf32>,
        %get3A_506 = arith.index_cast %add3A_388 : i32 to index
        %get3A_507 = arith.constant 112 : index
        %get3A_508 = tpu.vector_load %arg8[%get3A_506, %get3A_507] {strides = array<i32>} : memref<200x128xf32, #tpu.memory_space<vmem>>, vector<1x16xf32>,
        %get3A_509 = vector.shape_cast %get3A_508 : vector<1x16xf32> to vector<16xf32>
        %mul3A_510 = arith.constant 11.3137083 : f32
        %mul3A_511 = vector.broadcast %mul3A_510 : f32 to vector<16xf32>
        %mul3A_512 = arith.mulf %get3A_509, %mul3A_511 : vector<16xf32>
        %get3A_513 = arith.index_cast %add3A_388 : i32 to index
        %get3A_514 = arith.constant 112 : index
        %get3A_515 = tpu.vector_load %arg6[%get3A_513, %get3A_514] {strides = array<i32>} : memref<200x128xf32, #tpu.memory_space<vmem>>, vector<1x16xf32>,
        %get3A_516 = vector.shape_cast %get3A_515 : vector<1x16xf32> to vector<16xf32>
        %add3A_517 = arith.addf %mul3A_512, %get3A_516 : vector<16xf32>
        %swap3A_518 = arith.index_cast %add3A_388 : i32 to index
        %swap3A_519 = arith.constant 112 : index
        %swap3A_520 = tpu.vector_load %arg8[%swap3A_518, %swap3A_519] {strides = array<i32>} : memref<200x128xf32, #tpu.memory_space<vmem>>, vector<1x16xf32>,
        %swap3A_521 = vector.shape_cast %swap3A_520 : vector<1x16xf32> to vector<16xf32>
        %swap3A_522 = vector.shape_cast %add3A_517 : vector<16xf32> to vector<1x16xf32>
        tpu.vector_store %arg8[%swap3A_518, %swap3A_519], %swap3A_522 {strides = array<i32>} : memref<200x128xf32, #tpu.memory_space<vmem>>, vector<1x16xf32>,
      }
      %scan3A_284 = arith.constant 200 : i32
      %mul3A_285 = arith.constant 200 : i32
      %mul3A_286 = arith.muli %add3A_268, %mul3A_285 : i32
      %add3A_287 = arith.addi %mul3A_2, %mul3A_286 : i32
      %dma_start3A_288 = arith.constant 0 : i32
      %dma_start3A_289 = tpu.memref_slice %arg5[%add3A_287, %dma_start3A_288] : memref<819200x128xf32, #tpu.memory_space<hbm>> -> memref<200x128xf32, #tpu.memory_space<hbm>>
      %dma_start3A_290 = arith.constant 0 : i32
      %dma_start3A_291 = tpu.memref_slice %arg5[%add3A_287, %dma_start3A_290] : memref<819200x128xf32, #tpu.memory_space<hbm>> -> memref<200x128xf32, #tpu.memory_space<hbm>>
      tpu.enqueue_dma source(%arg8 : memref<200x128xf32, #tpu.memory_space<vmem>>) target(%dma_start3A_291 : memref<200x128xf32, #tpu.memory_space<hbm>>) target_semaphore(%arg20 : memref<!tpu.dma_semaphore, #tpu.memory_space<semaphore_mem>>)
      %mul3A_292 = arith.constant 200 : i32
      %mul3A_293 = arith.muli %add3A_272, %mul3A_292 : i32
      %add3A_294 = arith.addi %mul3A_2, %mul3A_293 : i32
      %dma_start3A_295 = tpu.memref_slice %arg3[%add3A_294] : memref<819200xi32, #tpu.memory_space<hbm>> -> memref<200xi32, #tpu.memory_space<hbm>>
      %dma_start3A_296 = tpu.memref_slice %arg3[%add3A_294] : memref<819200xi32, #tpu.memory_space<hbm>> -> memref<200xi32, #tpu.memory_space<hbm>>
      tpu.enqueue_dma source(%dma_start3A_296 : memref<200xi32, #tpu.memory_space<hbm>>) target(%arg12 : memref<200xi32, #tpu.memory_space<vmem>>) target_semaphore(%arg24 : memref<!tpu.dma_semaphore, #tpu.memory_space<semaphore_mem>>)
      %dma_wait3A_297 = arith.constant 0 : i32
      %dma_wait3A_298 = tpu.memref_slice %arg5[%mul3A_2, %dma_wait3A_297] : memref<819200x128xf32, #tpu.memory_space<hbm>> -> memref<200x128xf32, #tpu.memory_space<hbm>>
      %dma_wait3A_299 = arith.constant 0 : i32
      %dma_wait3A_300 = tpu.memref_slice %arg5[%mul3A_2, %dma_wait3A_299] : memref<819200x128xf32, #tpu.memory_space<hbm>> -> memref<200x128xf32, #tpu.memory_space<hbm>>
      tpu.wait_dma2 semaphore(%arg22 : memref<!tpu.dma_semaphore, #tpu.memory_space<semaphore_mem>>) src(%arg10 : memref<200x128xf32, #tpu.memory_space<vmem>>) dst(%dma_wait3A_300 : memref<200x128xf32, #tpu.memory_space<hbm>>)
      %dma_wait3A_301 = tpu.memref_slice %arg3[%mul3A_2] : memref<819200xi32, #tpu.memory_space<hbm>> -> memref<200xi32, #tpu.memory_space<hbm>>
      %dma_wait3A_302 = tpu.memref_slice %arg3[%mul3A_2] : memref<819200xi32, #tpu.memory_space<hbm>> -> memref<200xi32, #tpu.memory_space<hbm>>
      tpu.wait_dma2 semaphore(%arg26 : memref<!tpu.dma_semaphore, #tpu.memory_space<semaphore_mem>>) src(%dma_wait3A_302 : memref<200xi32, #tpu.memory_space<hbm>>) dst(%arg14 : memref<200xi32, #tpu.memory_space<vmem>>)
      %dma_start3A_303 = arith.constant 0 : i32
      %dma_start3A_304 = arith.constant 0 : i32
      %dma_start3A_305 = tpu.memref_slice %arg2[%dma_start3A_303, %dma_start3A_304] : memref<100000x128xf32, #tpu.memory_space<hbm>> -> memref<100000x128xf32, #tpu.memory_space<hbm>>
      tpu.enqueue_indirect_dma source(%dma_start3A_305 : memref<100000x128xf32, #tpu.memory_space<hbm>>) target(%arg10 : memref<200x128xf32, #tpu.memory_space<vmem>>) offsets(%arg14 : memref<200xi32, #tpu.memory_space<vmem>>) semaphore(%arg18 : memref<!tpu.dma_semaphore, #tpu.memory_space<semaphore_mem>>)
      %add3A_306 = arith.constant 2 : i32
      %add3A_307 = arith.addi %mul3A_227, %add3A_306 : i32
      %add3A_308 = arith.constant 2 : i32
      %add3A_309 = arith.addi %mul3A_227, %add3A_308 : i32
      %add3A_310 = arith.constant 4 : i32
      %add3A_311 = arith.addi %add3A_309, %add3A_310 : i32
      %add3A_312 = arith.constant 2 : i32
      %add3A_313 = arith.addi %mul3A_227, %add3A_312 : i32
      %add3A_314 = arith.constant 2 : i32
      %add3A_315 = arith.addi %add3A_313, %add3A_314 : i32
      %dma_wait3A_316 = arith.constant 0 : i32
      %dma_wait3A_317 = arith.constant 0 : i32
      %dma_wait3A_318 = tpu.memref_slice %arg2[%dma_wait3A_316, %dma_wait3A_317] : memref<100000x128xf32, #tpu.memory_space<hbm>> -> memref<100000x128xf32, #tpu.memory_space<hbm>>
      tpu.wait_indirect_dma semaphore(%arg17 : memref<!tpu.dma_semaphore, #tpu.memory_space<semaphore_mem>>) src(%dma_wait3A_318 : memref<100000x128xf32, #tpu.memory_space<hbm>>) dst(%arg9 : memref<200x128xf32, #tpu.memory_space<vmem>>)
      %scan3A_319 = arith.constant 0 : i32
      %scan3A_320 = arith.constant 200 : i32
      %scan3A_321 = arith.addi %scan3A_319, %scan3A_320 : i32
      %scan3A_322 = arith.constant 1 : i32
      scf.for %scan3A_384 = %scan3A_319 to %scan3A_321 step %scan3A_322  : i32 {
        %mul3A_385 = arith.constant 1 : i32
        %mul3A_386 = arith.muli %scan3A_384, %mul3A_385 : i32
        %add3A_387 = arith.constant 0 : i32
        %add3A_388 = arith.addi %add3A_387, %mul3A_386 : i32
        %get3A = arith.index_cast %add3A_388 : i32 to index
        %get3A_389 = arith.constant 0 : index
        %get3A_390 = tpu.vector_load %arg9[%get3A, %get3A_389] {strides = array<i32>} : memref<200x128xf32, #tpu.memory_space<vmem>>, vector<1x16xf32>,
        %get3A_391 = vector.shape_cast %get3A_390 : vector<1x16xf32> to vector<16xf32>
        %mul3A_392 = arith.constant 11.3137083 : f32
        %mul3A_393 = vector.broadcast %mul3A_392 : f32 to vector<16xf32>
        %mul3A_394 = arith.mulf %get3A_391, %mul3A_393 : vector<16xf32>
        %get3A_395 = arith.index_cast %add3A_388 : i32 to index
        %get3A_396 = arith.constant 0 : index
        %get3A_397 = tpu.vector_load %arg6[%get3A_395, %get3A_396] {strides = array<i32>} : memref<200x128xf32, #tpu.memory_space<vmem>>, vector<1x16xf32>,
        %get3A_398 = vector.shape_cast %get3A_397 : vector<1x16xf32> to vector<16xf32>
        %add3A_399 = arith.addf %mul3A_394, %get3A_398 : vector<16xf32>
        %swap3A = arith.index_cast %add3A_388 : i32 to index
        %swap3A_400 = arith.constant 0 : index
        %swap3A_401 = tpu.vector_load %arg9[%swap3A, %swap3A_400] {strides = array<i32>} : memref<200x128xf32, #tpu.memory_space<vmem>>, vector<1x16xf32>,
        %swap3A_402 = vector.shape_cast %swap3A_401 : vector<1x16xf32> to vector<16xf32>
        %swap3A_403 = vector.shape_cast %add3A_399 : vector<16xf32> to vector<1x16xf32>
        tpu.vector_store %arg9[%swap3A, %swap3A_400], %swap3A_403 {strides = array<i32>} : memref<200x128xf32, #tpu.memory_space<vmem>>, vector<1x16xf32>,
        %get3A_404 = arith.index_cast %add3A_388 : i32 to index
        %get3A_405 = arith.constant 16 : index
        %get3A_406 = tpu.vector_load %arg9[%get3A_404, %get3A_405] {strides = array<i32>} : memref<200x128xf32, #tpu.memory_space<vmem>>, vector<1x16xf32>,
        %get3A_407 = vector.shape_cast %get3A_406 : vector<1x16xf32> to vector<16xf32>
        %mul3A_408 = arith.constant 11.3137083 : f32
        %mul3A_409 = vector.broadcast %mul3A_408 : f32 to vector<16xf32>
        %mul3A_410 = arith.mulf %get3A_407, %mul3A_409 : vector<16xf32>
        %get3A_411 = arith.index_cast %add3A_388 : i32 to index
        %get3A_412 = arith.constant 16 : index
        %get3A_413 = tpu.vector_load %arg6[%get3A_411, %get3A_412] {strides = array<i32>} : memref<200x128xf32, #tpu.memory_space<vmem>>, vector<1x16xf32>,
        %get3A_414 = vector.shape_cast %get3A_413 : vector<1x16xf32> to vector<16xf32>
        %add3A_415 = arith.addf %mul3A_410, %get3A_414 : vector<16xf32>
        %swap3A_416 = arith.index_cast %add3A_388 : i32 to index
        %swap3A_417 = arith.constant 16 : index
        %swap3A_418 = tpu.vector_load %arg9[%swap3A_416, %swap3A_417] {strides = array<i32>} : memref<200x128xf32, #tpu.memory_space<vmem>>, vector<1x16xf32>,
        %swap3A_419 = vector.shape_cast %swap3A_418 : vector<1x16xf32> to vector<16xf32>
        %swap3A_420 = vector.shape_cast %add3A_415 : vector<16xf32> to vector<1x16xf32>
        tpu.vector_store %arg9[%swap3A_416, %swap3A_417], %swap3A_420 {strides = array<i32>} : memref<200x128xf32, #tpu.memory_space<vmem>>, vector<1x16xf32>,
        %get3A_421 = arith.index_cast %add3A_388 : i32 to index
        %get3A_422 = arith.constant 32 : index
        %get3A_423 = tpu.vector_load %arg9[%get3A_421, %get3A_422] {strides = array<i32>} : memref<200x128xf32, #tpu.memory_space<vmem>>, vector<1x16xf32>,
        %get3A_424 = vector.shape_cast %get3A_423 : vector<1x16xf32> to vector<16xf32>
        %mul3A_425 = arith.constant 11.3137083 : f32
        %mul3A_426 = vector.broadcast %mul3A_425 : f32 to vector<16xf32>
        %mul3A_427 = arith.mulf %get3A_424, %mul3A_426 : vector<16xf32>
        %get3A_428 = arith.index_cast %add3A_388 : i32 to index
        %get3A_429 = arith.constant 32 : index
        %get3A_430 = tpu.vector_load %arg6[%get3A_428, %get3A_429] {strides = array<i32>} : memref<200x128xf32, #tpu.memory_space<vmem>>, vector<1x16xf32>,
        %get3A_431 = vector.shape_cast %get3A_430 : vector<1x16xf32> to vector<16xf32>
        %add3A_432 = arith.addf %mul3A_427, %get3A_431 : vector<16xf32>
        %swap3A_433 = arith.index_cast %add3A_388 : i32 to index
        %swap3A_434 = arith.constant 32 : index
        %swap3A_435 = tpu.vector_load %arg9[%swap3A_433, %swap3A_434] {strides = array<i32>} : memref<200x128xf32, #tpu.memory_space<vmem>>, vector<1x16xf32>,
        %swap3A_436 = vector.shape_cast %swap3A_435 : vector<1x16xf32> to vector<16xf32>
        %swap3A_437 = vector.shape_cast %add3A_432 : vector<16xf32> to vector<1x16xf32>
        tpu.vector_store %arg9[%swap3A_433, %swap3A_434], %swap3A_437 {strides = array<i32>} : memref<200x128xf32, #tpu.memory_space<vmem>>, vector<1x16xf32>,
        %get3A_438 = arith.index_cast %add3A_388 : i32 to index
        %get3A_439 = arith.constant 48 : index
        %get3A_440 = tpu.vector_load %arg9[%get3A_438, %get3A_439] {strides = array<i32>} : memref<200x128xf32, #tpu.memory_space<vmem>>, vector<1x16xf32>,
        %get3A_441 = vector.shape_cast %get3A_440 : vector<1x16xf32> to vector<16xf32>
        %mul3A_442 = arith.constant 11.3137083 : f32
        %mul3A_443 = vector.broadcast %mul3A_442 : f32 to vector<16xf32>
        %mul3A_444 = arith.mulf %get3A_441, %mul3A_443 : vector<16xf32>
        %get3A_445 = arith.index_cast %add3A_388 : i32 to index
        %get3A_446 = arith.constant 48 : index
        %get3A_447 = tpu.vector_load %arg6[%get3A_445, %get3A_446] {strides = array<i32>} : memref<200x128xf32, #tpu.memory_space<vmem>>, vector<1x16xf32>,
        %get3A_448 = vector.shape_cast %get3A_447 : vector<1x16xf32> to vector<16xf32>
        %add3A_449 = arith.addf %mul3A_444, %get3A_448 : vector<16xf32>
        %swap3A_450 = arith.index_cast %add3A_388 : i32 to index
        %swap3A_451 = arith.constant 48 : index
        %swap3A_452 = tpu.vector_load %arg9[%swap3A_450, %swap3A_451] {strides = array<i32>} : memref<200x128xf32, #tpu.memory_space<vmem>>, vector<1x16xf32>,
        %swap3A_453 = vector.shape_cast %swap3A_452 : vector<1x16xf32> to vector<16xf32>
        %swap3A_454 = vector.shape_cast %add3A_449 : vector<16xf32> to vector<1x16xf32>
        tpu.vector_store %arg9[%swap3A_450, %swap3A_451], %swap3A_454 {strides = array<i32>} : memref<200x128xf32, #tpu.memory_space<vmem>>, vector<1x16xf32>,
        %get3A_455 = arith.index_cast %add3A_388 : i32 to index
        %get3A_456 = arith.constant 64 : index
        %get3A_457 = tpu.vector_load %arg9[%get3A_455, %get3A_456] {strides = array<i32>} : memref<200x128xf32, #tpu.memory_space<vmem>>, vector<1x16xf32>,
        %get3A_458 = vector.shape_cast %get3A_457 : vector<1x16xf32> to vector<16xf32>
        %mul3A_459 = arith.constant 11.3137083 : f32
        %mul3A_460 = vector.broadcast %mul3A_459 : f32 to vector<16xf32>
        %mul3A_461 = arith.mulf %get3A_458, %mul3A_460 : vector<16xf32>
        %get3A_462 = arith.index_cast %add3A_388 : i32 to index
        %get3A_463 = arith.constant 64 : index
        %get3A_464 = tpu.vector_load %arg6[%get3A_462, %get3A_463] {strides = array<i32>} : memref<200x128xf32, #tpu.memory_space<vmem>>, vector<1x16xf32>,
        %get3A_465 = vector.shape_cast %get3A_464 : vector<1x16xf32> to vector<16xf32>
        %add3A_466 = arith.addf %mul3A_461, %get3A_465 : vector<16xf32>
        %swap3A_467 = arith.index_cast %add3A_388 : i32 to index
        %swap3A_468 = arith.constant 64 : index
        %swap3A_469 = tpu.vector_load %arg9[%swap3A_467, %swap3A_468] {strides = array<i32>} : memref<200x128xf32, #tpu.memory_space<vmem>>, vector<1x16xf32>,
        %swap3A_470 = vector.shape_cast %swap3A_469 : vector<1x16xf32> to vector<16xf32>
        %swap3A_471 = vector.shape_cast %add3A_466 : vector<16xf32> to vector<1x16xf32>
        tpu.vector_store %arg9[%swap3A_467, %swap3A_468], %swap3A_471 {strides = array<i32>} : memref<200x128xf32, #tpu.memory_space<vmem>>, vector<1x16xf32>,
        %get3A_472 = arith.index_cast %add3A_388 : i32 to index
        %get3A_473 = arith.constant 80 : index
        %get3A_474 = tpu.vector_load %arg9[%get3A_472, %get3A_473] {strides = array<i32>} : memref<200x128xf32, #tpu.memory_space<vmem>>, vector<1x16xf32>,
        %get3A_475 = vector.shape_cast %get3A_474 : vector<1x16xf32> to vector<16xf32>
        %mul3A_476 = arith.constant 11.3137083 : f32
        %mul3A_477 = vector.broadcast %mul3A_476 : f32 to vector<16xf32>
        %mul3A_478 = arith.mulf %get3A_475, %mul3A_477 : vector<16xf32>
        %get3A_479 = arith.index_cast %add3A_388 : i32 to index
        %get3A_480 = arith.constant 80 : index
        %get3A_481 = tpu.vector_load %arg6[%get3A_479, %get3A_480] {strides = array<i32>} : memref<200x128xf32, #tpu.memory_space<vmem>>, vector<1x16xf32>,
        %get3A_482 = vector.shape_cast %get3A_481 : vector<1x16xf32> to vector<16xf32>
        %add3A_483 = arith.addf %mul3A_478, %get3A_482 : vector<16xf32>
        %swap3A_484 = arith.index_cast %add3A_388 : i32 to index
        %swap3A_485 = arith.constant 80 : index
        %swap3A_486 = tpu.vector_load %arg9[%swap3A_484, %swap3A_485] {strides = array<i32>} : memref<200x128xf32, #tpu.memory_space<vmem>>, vector<1x16xf32>,
        %swap3A_487 = vector.shape_cast %swap3A_486 : vector<1x16xf32> to vector<16xf32>
        %swap3A_488 = vector.shape_cast %add3A_483 : vector<16xf32> to vector<1x16xf32>
        tpu.vector_store %arg9[%swap3A_484, %swap3A_485], %swap3A_488 {strides = array<i32>} : memref<200x128xf32, #tpu.memory_space<vmem>>, vector<1x16xf32>,
        %get3A_489 = arith.index_cast %add3A_388 : i32 to index
        %get3A_490 = arith.constant 96 : index
        %get3A_491 = tpu.vector_load %arg9[%get3A_489, %get3A_490] {strides = array<i32>} : memref<200x128xf32, #tpu.memory_space<vmem>>, vector<1x16xf32>,
        %get3A_492 = vector.shape_cast %get3A_491 : vector<1x16xf32> to vector<16xf32>
        %mul3A_493 = arith.constant 11.3137083 : f32
        %mul3A_494 = vector.broadcast %mul3A_493 : f32 to vector<16xf32>
        %mul3A_495 = arith.mulf %get3A_492, %mul3A_494 : vector<16xf32>
        %get3A_496 = arith.index_cast %add3A_388 : i32 to index
        %get3A_497 = arith.constant 96 : index
        %get3A_498 = tpu.vector_load %arg6[%get3A_496, %get3A_497] {strides = array<i32>} : memref<200x128xf32, #tpu.memory_space<vmem>>, vector<1x16xf32>,
        %get3A_499 = vector.shape_cast %get3A_498 : vector<1x16xf32> to vector<16xf32>
        %add3A_500 = arith.addf %mul3A_495, %get3A_499 : vector<16xf32>
        %swap3A_501 = arith.index_cast %add3A_388 : i32 to index
        %swap3A_502 = arith.constant 96 : index
        %swap3A_503 = tpu.vector_load %arg9[%swap3A_501, %swap3A_502] {strides = array<i32>} : memref<200x128xf32, #tpu.memory_space<vmem>>, vector<1x16xf32>,
        %swap3A_504 = vector.shape_cast %swap3A_503 : vector<1x16xf32> to vector<16xf32>
        %swap3A_505 = vector.shape_cast %add3A_500 : vector<16xf32> to vector<1x16xf32>
        tpu.vector_store %arg9[%swap3A_501, %swap3A_502], %swap3A_505 {strides = array<i32>} : memref<200x128xf32, #tpu.memory_space<vmem>>, vector<1x16xf32>,
        %get3A_506 = arith.index_cast %add3A_388 : i32 to index
        %get3A_507 = arith.constant 112 : index
        %get3A_508 = tpu.vector_load %arg9[%get3A_506, %get3A_507] {strides = array<i32>} : memref<200x128xf32, #tpu.memory_space<vmem>>, vector<1x16xf32>,
        %get3A_509 = vector.shape_cast %get3A_508 : vector<1x16xf32> to vector<16xf32>
        %mul3A_510 = arith.constant 11.3137083 : f32
        %mul3A_511 = vector.broadcast %mul3A_510 : f32 to vector<16xf32>
        %mul3A_512 = arith.mulf %get3A_509, %mul3A_511 : vector<16xf32>
        %get3A_513 = arith.index_cast %add3A_388 : i32 to index
        %get3A_514 = arith.constant 112 : index
        %get3A_515 = tpu.vector_load %arg6[%get3A_513, %get3A_514] {strides = array<i32>} : memref<200x128xf32, #tpu.memory_space<vmem>>, vector<1x16xf32>,
        %get3A_516 = vector.shape_cast %get3A_515 : vector<1x16xf32> to vector<16xf32>
        %add3A_517 = arith.addf %mul3A_512, %get3A_516 : vector<16xf32>
        %swap3A_518 = arith.index_cast %add3A_388 : i32 to index
        %swap3A_519 = arith.constant 112 : index
        %swap3A_520 = tpu.vector_load %arg9[%swap3A_518, %swap3A_519] {strides = array<i32>} : memref<200x128xf32, #tpu.memory_space<vmem>>, vector<1x16xf32>,
        %swap3A_521 = vector.shape_cast %swap3A_520 : vector<1x16xf32> to vector<16xf32>
        %swap3A_522 = vector.shape_cast %add3A_517 : vector<16xf32> to vector<1x16xf32>
        tpu.vector_store %arg9[%swap3A_518, %swap3A_519], %swap3A_522 {strides = array<i32>} : memref<200x128xf32, #tpu.memory_space<vmem>>, vector<1x16xf32>,
      }
      %scan3A_323 = arith.constant 200 : i32
      %mul3A_324 = arith.constant 200 : i32
      %mul3A_325 = arith.muli %add3A_307, %mul3A_324 : i32
      %add3A_326 = arith.addi %mul3A_2, %mul3A_325 : i32
      %dma_start3A_327 = arith.constant 0 : i32
      %dma_start3A_328 = tpu.memref_slice %arg5[%add3A_326, %dma_start3A_327] : memref<819200x128xf32, #tpu.memory_space<hbm>> -> memref<200x128xf32, #tpu.memory_space<hbm>>
      %dma_start3A_329 = arith.constant 0 : i32
      %dma_start3A_330 = tpu.memref_slice %arg5[%add3A_326, %dma_start3A_329] : memref<819200x128xf32, #tpu.memory_space<hbm>> -> memref<200x128xf32, #tpu.memory_space<hbm>>
      tpu.enqueue_dma source(%arg9 : memref<200x128xf32, #tpu.memory_space<vmem>>) target(%dma_start3A_330 : memref<200x128xf32, #tpu.memory_space<hbm>>) target_semaphore(%arg21 : memref<!tpu.dma_semaphore, #tpu.memory_space<semaphore_mem>>)
      %mul3A_331 = arith.constant 200 : i32
      %mul3A_332 = arith.muli %add3A_311, %mul3A_331 : i32
      %add3A_333 = arith.addi %mul3A_2, %mul3A_332 : i32
      %dma_start3A_334 = tpu.memref_slice %arg3[%add3A_333] : memref<819200xi32, #tpu.memory_space<hbm>> -> memref<200xi32, #tpu.memory_space<hbm>>
      %dma_start3A_335 = tpu.memref_slice %arg3[%add3A_333] : memref<819200xi32, #tpu.memory_space<hbm>> -> memref<200xi32, #tpu.memory_space<hbm>>
      tpu.enqueue_dma source(%dma_start3A_335 : memref<200xi32, #tpu.memory_space<hbm>>) target(%arg13 : memref<200xi32, #tpu.memory_space<vmem>>) target_semaphore(%arg25 : memref<!tpu.dma_semaphore, #tpu.memory_space<semaphore_mem>>)
      %dma_wait3A_336 = arith.constant 0 : i32
      %dma_wait3A_337 = tpu.memref_slice %arg5[%mul3A_2, %dma_wait3A_336] : memref<819200x128xf32, #tpu.memory_space<hbm>> -> memref<200x128xf32, #tpu.memory_space<hbm>>
      %dma_wait3A_338 = arith.constant 0 : i32
      %dma_wait3A_339 = tpu.memref_slice %arg5[%mul3A_2, %dma_wait3A_338] : memref<819200x128xf32, #tpu.memory_space<hbm>> -> memref<200x128xf32, #tpu.memory_space<hbm>>
      tpu.wait_dma2 semaphore(%arg19 : memref<!tpu.dma_semaphore, #tpu.memory_space<semaphore_mem>>) src(%arg7 : memref<200x128xf32, #tpu.memory_space<vmem>>) dst(%dma_wait3A_339 : memref<200x128xf32, #tpu.memory_space<hbm>>)
      %dma_wait3A_340 = tpu.memref_slice %arg3[%mul3A_2] : memref<819200xi32, #tpu.memory_space<hbm>> -> memref<200xi32, #tpu.memory_space<hbm>>
      %dma_wait3A_341 = tpu.memref_slice %arg3[%mul3A_2] : memref<819200xi32, #tpu.memory_space<hbm>> -> memref<200xi32, #tpu.memory_space<hbm>>
      tpu.wait_dma2 semaphore(%arg23 : memref<!tpu.dma_semaphore, #tpu.memory_space<semaphore_mem>>) src(%dma_wait3A_341 : memref<200xi32, #tpu.memory_space<hbm>>) dst(%arg11 : memref<200xi32, #tpu.memory_space<vmem>>)
      %dma_start3A_342 = arith.constant 0 : i32
      %dma_start3A_343 = arith.constant 0 : i32
      %dma_start3A_344 = tpu.memref_slice %arg2[%dma_start3A_342, %dma_start3A_343] : memref<100000x128xf32, #tpu.memory_space<hbm>> -> memref<100000x128xf32, #tpu.memory_space<hbm>>
      tpu.enqueue_indirect_dma source(%dma_start3A_344 : memref<100000x128xf32, #tpu.memory_space<hbm>>) target(%arg7 : memref<200x128xf32, #tpu.memory_space<vmem>>) offsets(%arg11 : memref<200xi32, #tpu.memory_space<vmem>>) semaphore(%arg15 : memref<!tpu.dma_semaphore, #tpu.memory_space<semaphore_mem>>)
      %add3A_345 = arith.constant 3 : i32
      %add3A_346 = arith.addi %mul3A_227, %add3A_345 : i32
      %add3A_347 = arith.constant 3 : i32
      %add3A_348 = arith.addi %mul3A_227, %add3A_347 : i32
      %add3A_349 = arith.constant 4 : i32
      %add3A_350 = arith.addi %add3A_348, %add3A_349 : i32
      %add3A_351 = arith.constant 3 : i32
      %add3A_352 = arith.addi %mul3A_227, %add3A_351 : i32
      %add3A_353 = arith.constant 2 : i32
      %add3A_354 = arith.addi %add3A_352, %add3A_353 : i32
      %dma_wait3A_355 = arith.constant 0 : i32
      %dma_wait3A_356 = arith.constant 0 : i32
      %dma_wait3A_357 = tpu.memref_slice %arg2[%dma_wait3A_355, %dma_wait3A_356] : memref<100000x128xf32, #tpu.memory_space<hbm>> -> memref<100000x128xf32, #tpu.memory_space<hbm>>
      tpu.wait_indirect_dma semaphore(%arg18 : memref<!tpu.dma_semaphore, #tpu.memory_space<semaphore_mem>>) src(%dma_wait3A_357 : memref<100000x128xf32, #tpu.memory_space<hbm>>) dst(%arg10 : memref<200x128xf32, #tpu.memory_space<vmem>>)
      %scan3A_358 = arith.constant 0 : i32
      %scan3A_359 = arith.constant 200 : i32
      %scan3A_360 = arith.addi %scan3A_358, %scan3A_359 : i32
      %scan3A_361 = arith.constant 1 : i32
      scf.for %scan3A_384 = %scan3A_358 to %scan3A_360 step %scan3A_361  : i32 {
        %mul3A_385 = arith.constant 1 : i32
        %mul3A_386 = arith.muli %scan3A_384, %mul3A_385 : i32
        %add3A_387 = arith.constant 0 : i32
        %add3A_388 = arith.addi %add3A_387, %mul3A_386 : i32
        %get3A = arith.index_cast %add3A_388 : i32 to index
        %get3A_389 = arith.constant 0 : index
        %get3A_390 = tpu.vector_load %arg10[%get3A, %get3A_389] {strides = array<i32>} : memref<200x128xf32, #tpu.memory_space<vmem>>, vector<1x16xf32>,
        %get3A_391 = vector.shape_cast %get3A_390 : vector<1x16xf32> to vector<16xf32>
        %mul3A_392 = arith.constant 11.3137083 : f32
        %mul3A_393 = vector.broadcast %mul3A_392 : f32 to vector<16xf32>
        %mul3A_394 = arith.mulf %get3A_391, %mul3A_393 : vector<16xf32>
        %get3A_395 = arith.index_cast %add3A_388 : i32 to index
        %get3A_396 = arith.constant 0 : index
        %get3A_397 = tpu.vector_load %arg6[%get3A_395, %get3A_396] {strides = array<i32>} : memref<200x128xf32, #tpu.memory_space<vmem>>, vector<1x16xf32>,
        %get3A_398 = vector.shape_cast %get3A_397 : vector<1x16xf32> to vector<16xf32>
        %add3A_399 = arith.addf %mul3A_394, %get3A_398 : vector<16xf32>
        %swap3A = arith.index_cast %add3A_388 : i32 to index
        %swap3A_400 = arith.constant 0 : index
        %swap3A_401 = tpu.vector_load %arg10[%swap3A, %swap3A_400] {strides = array<i32>} : memref<200x128xf32, #tpu.memory_space<vmem>>, vector<1x16xf32>,
        %swap3A_402 = vector.shape_cast %swap3A_401 : vector<1x16xf32> to vector<16xf32>
        %swap3A_403 = vector.shape_cast %add3A_399 : vector<16xf32> to vector<1x16xf32>
        tpu.vector_store %arg10[%swap3A, %swap3A_400], %swap3A_403 {strides = array<i32>} : memref<200x128xf32, #tpu.memory_space<vmem>>, vector<1x16xf32>,
        %get3A_404 = arith.index_cast %add3A_388 : i32 to index
        %get3A_405 = arith.constant 16 : index
        %get3A_406 = tpu.vector_load %arg10[%get3A_404, %get3A_405] {strides = array<i32>} : memref<200x128xf32, #tpu.memory_space<vmem>>, vector<1x16xf32>,
        %get3A_407 = vector.shape_cast %get3A_406 : vector<1x16xf32> to vector<16xf32>
        %mul3A_408 = arith.constant 11.3137083 : f32
        %mul3A_409 = vector.broadcast %mul3A_408 : f32 to vector<16xf32>
        %mul3A_410 = arith.mulf %get3A_407, %mul3A_409 : vector<16xf32>
        %get3A_411 = arith.index_cast %add3A_388 : i32 to index
        %get3A_412 = arith.constant 16 : index
        %get3A_413 = tpu.vector_load %arg6[%get3A_411, %get3A_412] {strides = array<i32>} : memref<200x128xf32, #tpu.memory_space<vmem>>, vector<1x16xf32>,
        %get3A_414 = vector.shape_cast %get3A_413 : vector<1x16xf32> to vector<16xf32>
        %add3A_415 = arith.addf %mul3A_410, %get3A_414 : vector<16xf32>
        %swap3A_416 = arith.index_cast %add3A_388 : i32 to index
        %swap3A_417 = arith.constant 16 : index
        %swap3A_418 = tpu.vector_load %arg10[%swap3A_416, %swap3A_417] {strides = array<i32>} : memref<200x128xf32, #tpu.memory_space<vmem>>, vector<1x16xf32>,
        %swap3A_419 = vector.shape_cast %swap3A_418 : vector<1x16xf32> to vector<16xf32>
        %swap3A_420 = vector.shape_cast %add3A_415 : vector<16xf32> to vector<1x16xf32>
        tpu.vector_store %arg10[%swap3A_416, %swap3A_417], %swap3A_420 {strides = array<i32>} : memref<200x128xf32, #tpu.memory_space<vmem>>, vector<1x16xf32>,
        %get3A_421 = arith.index_cast %add3A_388 : i32 to index
        %get3A_422 = arith.constant 32 : index
        %get3A_423 = tpu.vector_load %arg10[%get3A_421, %get3A_422] {strides = array<i32>} : memref<200x128xf32, #tpu.memory_space<vmem>>, vector<1x16xf32>,
        %get3A_424 = vector.shape_cast %get3A_423 : vector<1x16xf32> to vector<16xf32>
        %mul3A_425 = arith.constant 11.3137083 : f32
        %mul3A_426 = vector.broadcast %mul3A_425 : f32 to vector<16xf32>
        %mul3A_427 = arith.mulf %get3A_424, %mul3A_426 : vector<16xf32>
        %get3A_428 = arith.index_cast %add3A_388 : i32 to index
        %get3A_429 = arith.constant 32 : index
        %get3A_430 = tpu.vector_load %arg6[%get3A_428, %get3A_429] {strides = array<i32>} : memref<200x128xf32, #tpu.memory_space<vmem>>, vector<1x16xf32>,
        %get3A_431 = vector.shape_cast %get3A_430 : vector<1x16xf32> to vector<16xf32>
        %add3A_432 = arith.addf %mul3A_427, %get3A_431 : vector<16xf32>
        %swap3A_433 = arith.index_cast %add3A_388 : i32 to index
        %swap3A_434 = arith.constant 32 : index
        %swap3A_435 = tpu.vector_load %arg10[%swap3A_433, %swap3A_434] {strides = array<i32>} : memref<200x128xf32, #tpu.memory_space<vmem>>, vector<1x16xf32>,
        %swap3A_436 = vector.shape_cast %swap3A_435 : vector<1x16xf32> to vector<16xf32>
        %swap3A_437 = vector.shape_cast %add3A_432 : vector<16xf32> to vector<1x16xf32>
        tpu.vector_store %arg10[%swap3A_433, %swap3A_434], %swap3A_437 {strides = array<i32>} : memref<200x128xf32, #tpu.memory_space<vmem>>, vector<1x16xf32>,
        %get3A_438 = arith.index_cast %add3A_388 : i32 to index
        %get3A_439 = arith.constant 48 : index
        %get3A_440 = tpu.vector_load %arg10[%get3A_438, %get3A_439] {strides = array<i32>} : memref<200x128xf32, #tpu.memory_space<vmem>>, vector<1x16xf32>,
        %get3A_441 = vector.shape_cast %get3A_440 : vector<1x16xf32> to vector<16xf32>
        %mul3A_442 = arith.constant 11.3137083 : f32
        %mul3A_443 = vector.broadcast %mul3A_442 : f32 to vector<16xf32>
        %mul3A_444 = arith.mulf %get3A_441, %mul3A_443 : vector<16xf32>
        %get3A_445 = arith.index_cast %add3A_388 : i32 to index
        %get3A_446 = arith.constant 48 : index
        %get3A_447 = tpu.vector_load %arg6[%get3A_445, %get3A_446] {strides = array<i32>} : memref<200x128xf32, #tpu.memory_space<vmem>>, vector<1x16xf32>,
        %get3A_448 = vector.shape_cast %get3A_447 : vector<1x16xf32> to vector<16xf32>
        %add3A_449 = arith.addf %mul3A_444, %get3A_448 : vector<16xf32>
        %swap3A_450 = arith.index_cast %add3A_388 : i32 to index
        %swap3A_451 = arith.constant 48 : index
        %swap3A_452 = tpu.vector_load %arg10[%swap3A_450, %swap3A_451] {strides = array<i32>} : memref<200x128xf32, #tpu.memory_space<vmem>>, vector<1x16xf32>,
        %swap3A_453 = vector.shape_cast %swap3A_452 : vector<1x16xf32> to vector<16xf32>
        %swap3A_454 = vector.shape_cast %add3A_449 : vector<16xf32> to vector<1x16xf32>
        tpu.vector_store %arg10[%swap3A_450, %swap3A_451], %swap3A_454 {strides = array<i32>} : memref<200x128xf32, #tpu.memory_space<vmem>>, vector<1x16xf32>,
        %get3A_455 = arith.index_cast %add3A_388 : i32 to index
        %get3A_456 = arith.constant 64 : index
        %get3A_457 = tpu.vector_load %arg10[%get3A_455, %get3A_456] {strides = array<i32>} : memref<200x128xf32, #tpu.memory_space<vmem>>, vector<1x16xf32>,
        %get3A_458 = vector.shape_cast %get3A_457 : vector<1x16xf32> to vector<16xf32>
        %mul3A_459 = arith.constant 11.3137083 : f32
        %mul3A_460 = vector.broadcast %mul3A_459 : f32 to vector<16xf32>
        %mul3A_461 = arith.mulf %get3A_458, %mul3A_460 : vector<16xf32>
        %get3A_462 = arith.index_cast %add3A_388 : i32 to index
        %get3A_463 = arith.constant 64 : index
        %get3A_464 = tpu.vector_load %arg6[%get3A_462, %get3A_463] {strides = array<i32>} : memref<200x128xf32, #tpu.memory_space<vmem>>, vector<1x16xf32>,
        %get3A_465 = vector.shape_cast %get3A_464 : vector<1x16xf32> to vector<16xf32>
        %add3A_466 = arith.addf %mul3A_461, %get3A_465 : vector<16xf32>
        %swap3A_467 = arith.index_cast %add3A_388 : i32 to index
        %swap3A_468 = arith.constant 64 : index
        %swap3A_469 = tpu.vector_load %arg10[%swap3A_467, %swap3A_468] {strides = array<i32>} : memref<200x128xf32, #tpu.memory_space<vmem>>, vector<1x16xf32>,
        %swap3A_470 = vector.shape_cast %swap3A_469 : vector<1x16xf32> to vector<16xf32>
        %swap3A_471 = vector.shape_cast %add3A_466 : vector<16xf32> to vector<1x16xf32>
        tpu.vector_store %arg10[%swap3A_467, %swap3A_468], %swap3A_471 {strides = array<i32>} : memref<200x128xf32, #tpu.memory_space<vmem>>, vector<1x16xf32>,
        %get3A_472 = arith.index_cast %add3A_388 : i32 to index
        %get3A_473 = arith.constant 80 : index
        %get3A_474 = tpu.vector_load %arg10[%get3A_472, %get3A_473] {strides = array<i32>} : memref<200x128xf32, #tpu.memory_space<vmem>>, vector<1x16xf32>,
        %get3A_475 = vector.shape_cast %get3A_474 : vector<1x16xf32> to vector<16xf32>
        %mul3A_476 = arith.constant 11.3137083 : f32
        %mul3A_477 = vector.broadcast %mul3A_476 : f32 to vector<16xf32>
        %mul3A_478 = arith.mulf %get3A_475, %mul3A_477 : vector<16xf32>
        %get3A_479 = arith.index_cast %add3A_388 : i32 to index
        %get3A_480 = arith.constant 80 : index
        %get3A_481 = tpu.vector_load %arg6[%get3A_479, %get3A_480] {strides = array<i32>} : memref<200x128xf32, #tpu.memory_space<vmem>>, vector<1x16xf32>,
        %get3A_482 = vector.shape_cast %get3A_481 : vector<1x16xf32> to vector<16xf32>
        %add3A_483 = arith.addf %mul3A_478, %get3A_482 : vector<16xf32>
        %swap3A_484 = arith.index_cast %add3A_388 : i32 to index
        %swap3A_485 = arith.constant 80 : index
        %swap3A_486 = tpu.vector_load %arg10[%swap3A_484, %swap3A_485] {strides = array<i32>} : memref<200x128xf32, #tpu.memory_space<vmem>>, vector<1x16xf32>,
        %swap3A_487 = vector.shape_cast %swap3A_486 : vector<1x16xf32> to vector<16xf32>
        %swap3A_488 = vector.shape_cast %add3A_483 : vector<16xf32> to vector<1x16xf32>
        tpu.vector_store %arg10[%swap3A_484, %swap3A_485], %swap3A_488 {strides = array<i32>} : memref<200x128xf32, #tpu.memory_space<vmem>>, vector<1x16xf32>,
        %get3A_489 = arith.index_cast %add3A_388 : i32 to index
        %get3A_490 = arith.constant 96 : index
        %get3A_491 = tpu.vector_load %arg10[%get3A_489, %get3A_490] {strides = array<i32>} : memref<200x128xf32, #tpu.memory_space<vmem>>, vector<1x16xf32>,
        %get3A_492 = vector.shape_cast %get3A_491 : vector<1x16xf32> to vector<16xf32>
        %mul3A_493 = arith.constant 11.3137083 : f32
        %mul3A_494 = vector.broadcast %mul3A_493 : f32 to vector<16xf32>
        %mul3A_495 = arith.mulf %get3A_492, %mul3A_494 : vector<16xf32>
        %get3A_496 = arith.index_cast %add3A_388 : i32 to index
        %get3A_497 = arith.constant 96 : index
        %get3A_498 = tpu.vector_load %arg6[%get3A_496, %get3A_497] {strides = array<i32>} : memref<200x128xf32, #tpu.memory_space<vmem>>, vector<1x16xf32>,
        %get3A_499 = vector.shape_cast %get3A_498 : vector<1x16xf32> to vector<16xf32>
        %add3A_500 = arith.addf %mul3A_495, %get3A_499 : vector<16xf32>
        %swap3A_501 = arith.index_cast %add3A_388 : i32 to index
        %swap3A_502 = arith.constant 96 : index
        %swap3A_503 = tpu.vector_load %arg10[%swap3A_501, %swap3A_502] {strides = array<i32>} : memref<200x128xf32, #tpu.memory_space<vmem>>, vector<1x16xf32>,
        %swap3A_504 = vector.shape_cast %swap3A_503 : vector<1x16xf32> to vector<16xf32>
        %swap3A_505 = vector.shape_cast %add3A_500 : vector<16xf32> to vector<1x16xf32>
        tpu.vector_store %arg10[%swap3A_501, %swap3A_502], %swap3A_505 {strides = array<i32>} : memref<200x128xf32, #tpu.memory_space<vmem>>, vector<1x16xf32>,
        %get3A_506 = arith.index_cast %add3A_388 : i32 to index
        %get3A_507 = arith.constant 112 : index
        %get3A_508 = tpu.vector_load %arg10[%get3A_506, %get3A_507] {strides = array<i32>} : memref<200x128xf32, #tpu.memory_space<vmem>>, vector<1x16xf32>,
        %get3A_509 = vector.shape_cast %get3A_508 : vector<1x16xf32> to vector<16xf32>
        %mul3A_510 = arith.constant 11.3137083 : f32
        %mul3A_511 = vector.broadcast %mul3A_510 : f32 to vector<16xf32>
        %mul3A_512 = arith.mulf %get3A_509, %mul3A_511 : vector<16xf32>
        %get3A_513 = arith.index_cast %add3A_388 : i32 to index
        %get3A_514 = arith.constant 112 : index
        %get3A_515 = tpu.vector_load %arg6[%get3A_513, %get3A_514] {strides = array<i32>} : memref<200x128xf32, #tpu.memory_space<vmem>>, vector<1x16xf32>,
        %get3A_516 = vector.shape_cast %get3A_515 : vector<1x16xf32> to vector<16xf32>
        %add3A_517 = arith.addf %mul3A_512, %get3A_516 : vector<16xf32>
        %swap3A_518 = arith.index_cast %add3A_388 : i32 to index
        %swap3A_519 = arith.constant 112 : index
        %swap3A_520 = tpu.vector_load %arg10[%swap3A_518, %swap3A_519] {strides = array<i32>} : memref<200x128xf32, #tpu.memory_space<vmem>>, vector<1x16xf32>,
        %swap3A_521 = vector.shape_cast %swap3A_520 : vector<1x16xf32> to vector<16xf32>
        %swap3A_522 = vector.shape_cast %add3A_517 : vector<16xf32> to vector<1x16xf32>
        tpu.vector_store %arg10[%swap3A_518, %swap3A_519], %swap3A_522 {strides = array<i32>} : memref<200x128xf32, #tpu.memory_space<vmem>>, vector<1x16xf32>,
      }
      %scan3A_362 = arith.constant 200 : i32
      %mul3A_363 = arith.constant 200 : i32
      %mul3A_364 = arith.muli %add3A_346, %mul3A_363 : i32
      %add3A_365 = arith.addi %mul3A_2, %mul3A_364 : i32
      %dma_start3A_366 = arith.constant 0 : i32
      %dma_start3A_367 = tpu.memref_slice %arg5[%add3A_365, %dma_start3A_366] : memref<819200x128xf32, #tpu.memory_space<hbm>> -> memref<200x128xf32, #tpu.memory_space<hbm>>
      %dma_start3A_368 = arith.constant 0 : i32
      %dma_start3A_369 = tpu.memref_slice %arg5[%add3A_365, %dma_start3A_368] : memref<819200x128xf32, #tpu.memory_space<hbm>> -> memref<200x128xf32, #tpu.memory_space<hbm>>
      tpu.enqueue_dma source(%arg10 : memref<200x128xf32, #tpu.memory_space<vmem>>) target(%dma_start3A_369 : memref<200x128xf32, #tpu.memory_space<hbm>>) target_semaphore(%arg22 : memref<!tpu.dma_semaphore, #tpu.memory_space<semaphore_mem>>)
      %mul3A_370 = arith.constant 200 : i32
      %mul3A_371 = arith.muli %add3A_350, %mul3A_370 : i32
      %add3A_372 = arith.addi %mul3A_2, %mul3A_371 : i32
      %dma_start3A_373 = tpu.memref_slice %arg3[%add3A_372] : memref<819200xi32, #tpu.memory_space<hbm>> -> memref<200xi32, #tpu.memory_space<hbm>>
      %dma_start3A_374 = tpu.memref_slice %arg3[%add3A_372] : memref<819200xi32, #tpu.memory_space<hbm>> -> memref<200xi32, #tpu.memory_space<hbm>>
      tpu.enqueue_dma source(%dma_start3A_374 : memref<200xi32, #tpu.memory_space<hbm>>) target(%arg14 : memref<200xi32, #tpu.memory_space<vmem>>) target_semaphore(%arg26 : memref<!tpu.dma_semaphore, #tpu.memory_space<semaphore_mem>>)
      %dma_wait3A_375 = arith.constant 0 : i32
      %dma_wait3A_376 = tpu.memref_slice %arg5[%mul3A_2, %dma_wait3A_375] : memref<819200x128xf32, #tpu.memory_space<hbm>> -> memref<200x128xf32, #tpu.memory_space<hbm>>
      %dma_wait3A_377 = arith.constant 0 : i32
      %dma_wait3A_378 = tpu.memref_slice %arg5[%mul3A_2, %dma_wait3A_377] : memref<819200x128xf32, #tpu.memory_space<hbm>> -> memref<200x128xf32, #tpu.memory_space<hbm>>
      tpu.wait_dma2 semaphore(%arg20 : memref<!tpu.dma_semaphore, #tpu.memory_space<semaphore_mem>>) src(%arg8 : memref<200x128xf32, #tpu.memory_space<vmem>>) dst(%dma_wait3A_378 : memref<200x128xf32, #tpu.memory_space<hbm>>)
      %dma_wait3A_379 = tpu.memref_slice %arg3[%mul3A_2] : memref<819200xi32, #tpu.memory_space<hbm>> -> memref<200xi32, #tpu.memory_space<hbm>>
      %dma_wait3A_380 = tpu.memref_slice %arg3[%mul3A_2] : memref<819200xi32, #tpu.memory_space<hbm>> -> memref<200xi32, #tpu.memory_space<hbm>>
      tpu.wait_dma2 semaphore(%arg24 : memref<!tpu.dma_semaphore, #tpu.memory_space<semaphore_mem>>) src(%dma_wait3A_380 : memref<200xi32, #tpu.memory_space<hbm>>) dst(%arg12 : memref<200xi32, #tpu.memory_space<vmem>>)
      %dma_start3A_381 = arith.constant 0 : i32
      %dma_start3A_382 = arith.constant 0 : i32
      %dma_start3A_383 = tpu.memref_slice %arg2[%dma_start3A_381, %dma_start3A_382] : memref<100000x128xf32, #tpu.memory_space<hbm>> -> memref<100000x128xf32, #tpu.memory_space<hbm>>
      tpu.enqueue_indirect_dma source(%dma_start3A_383 : memref<100000x128xf32, #tpu.memory_space<hbm>>) target(%arg8 : memref<200x128xf32, #tpu.memory_space<vmem>>) offsets(%arg12 : memref<200xi32, #tpu.memory_space<vmem>>) semaphore(%arg16 : memref<!tpu.dma_semaphore, #tpu.memory_space<semaphore_mem>>)
    }
    %scan3A_130 = arith.constant 30 : i32
    %dma_wait3A_131 = arith.constant 0 : i32
    %dma_wait3A_132 = arith.constant 0 : i32
    %dma_wait3A_133 = tpu.memref_slice %arg2[%dma_wait3A_131, %dma_wait3A_132] : memref<100000x128xf32, #tpu.memory_space<hbm>> -> memref<100000x128xf32, #tpu.memory_space<hbm>>
    tpu.wait_indirect_dma semaphore(%arg15 : memref<!tpu.dma_semaphore, #tpu.memory_space<semaphore_mem>>) src(%dma_wait3A_133 : memref<100000x128xf32, #tpu.memory_space<hbm>>) dst(%arg7 : memref<200x128xf32, #tpu.memory_space<vmem>>)
    %scan3A_134 = arith.constant 0 : i32
    %scan3A_135 = arith.constant 200 : i32
    %scan3A_136 = arith.addi %scan3A_134, %scan3A_135 : i32
    %scan3A_137 = arith.constant 1 : i32
    scf.for %scan3A_221 = %scan3A_134 to %scan3A_136 step %scan3A_137  : i32 {
      %mul3A_222 = arith.constant 1 : i32
      %mul3A_223 = arith.muli %scan3A_221, %mul3A_222 : i32
      %add3A_224 = arith.constant 0 : i32
      %add3A_225 = arith.addi %add3A_224, %mul3A_223 : i32
      %get3A = arith.index_cast %add3A_225 : i32 to index
      %get3A_226 = arith.constant 0 : index
      %get3A_227 = tpu.vector_load %arg7[%get3A, %get3A_226] {strides = array<i32>} : memref<200x128xf32, #tpu.memory_space<vmem>>, vector<1x16xf32>,
      %get3A_228 = vector.shape_cast %get3A_227 : vector<1x16xf32> to vector<16xf32>
      %mul3A_229 = arith.constant 11.3137083 : f32
      %mul3A_230 = vector.broadcast %mul3A_229 : f32 to vector<16xf32>
      %mul3A_231 = arith.mulf %get3A_228, %mul3A_230 : vector<16xf32>
      %get3A_232 = arith.index_cast %add3A_225 : i32 to index
      %get3A_233 = arith.constant 0 : index
      %get3A_234 = tpu.vector_load %arg6[%get3A_232, %get3A_233] {strides = array<i32>} : memref<200x128xf32, #tpu.memory_space<vmem>>, vector<1x16xf32>,
      %get3A_235 = vector.shape_cast %get3A_234 : vector<1x16xf32> to vector<16xf32>
      %add3A_236 = arith.addf %mul3A_231, %get3A_235 : vector<16xf32>
      %swap3A = arith.index_cast %add3A_225 : i32 to index
      %swap3A_237 = arith.constant 0 : index
      %swap3A_238 = tpu.vector_load %arg7[%swap3A, %swap3A_237] {strides = array<i32>} : memref<200x128xf32, #tpu.memory_space<vmem>>, vector<1x16xf32>,
      %swap3A_239 = vector.shape_cast %swap3A_238 : vector<1x16xf32> to vector<16xf32>
      %swap3A_240 = vector.shape_cast %add3A_236 : vector<16xf32> to vector<1x16xf32>
      tpu.vector_store %arg7[%swap3A, %swap3A_237], %swap3A_240 {strides = array<i32>} : memref<200x128xf32, #tpu.memory_space<vmem>>, vector<1x16xf32>,
      %get3A_241 = arith.index_cast %add3A_225 : i32 to index
      %get3A_242 = arith.constant 16 : index
      %get3A_243 = tpu.vector_load %arg7[%get3A_241, %get3A_242] {strides = array<i32>} : memref<200x128xf32, #tpu.memory_space<vmem>>, vector<1x16xf32>,
      %get3A_244 = vector.shape_cast %get3A_243 : vector<1x16xf32> to vector<16xf32>
      %mul3A_245 = arith.constant 11.3137083 : f32
      %mul3A_246 = vector.broadcast %mul3A_245 : f32 to vector<16xf32>
      %mul3A_247 = arith.mulf %get3A_244, %mul3A_246 : vector<16xf32>
      %get3A_248 = arith.index_cast %add3A_225 : i32 to index
      %get3A_249 = arith.constant 16 : index
      %get3A_250 = tpu.vector_load %arg6[%get3A_248, %get3A_249] {strides = array<i32>} : memref<200x128xf32, #tpu.memory_space<vmem>>, vector<1x16xf32>,
      %get3A_251 = vector.shape_cast %get3A_250 : vector<1x16xf32> to vector<16xf32>
      %add3A_252 = arith.addf %mul3A_247, %get3A_251 : vector<16xf32>
      %swap3A_253 = arith.index_cast %add3A_225 : i32 to index
      %swap3A_254 = arith.constant 16 : index
      %swap3A_255 = tpu.vector_load %arg7[%swap3A_253, %swap3A_254] {strides = array<i32>} : memref<200x128xf32, #tpu.memory_space<vmem>>, vector<1x16xf32>,
      %swap3A_256 = vector.shape_cast %swap3A_255 : vector<1x16xf32> to vector<16xf32>
      %swap3A_257 = vector.shape_cast %add3A_252 : vector<16xf32> to vector<1x16xf32>
      tpu.vector_store %arg7[%swap3A_253, %swap3A_254], %swap3A_257 {strides = array<i32>} : memref<200x128xf32, #tpu.memory_space<vmem>>, vector<1x16xf32>,
      %get3A_258 = arith.index_cast %add3A_225 : i32 to index
      %get3A_259 = arith.constant 32 : index
      %get3A_260 = tpu.vector_load %arg7[%get3A_258, %get3A_259] {strides = array<i32>} : memref<200x128xf32, #tpu.memory_space<vmem>>, vector<1x16xf32>,
      %get3A_261 = vector.shape_cast %get3A_260 : vector<1x16xf32> to vector<16xf32>
      %mul3A_262 = arith.constant 11.3137083 : f32
      %mul3A_263 = vector.broadcast %mul3A_262 : f32 to vector<16xf32>
      %mul3A_264 = arith.mulf %get3A_261, %mul3A_263 : vector<16xf32>
      %get3A_265 = arith.index_cast %add3A_225 : i32 to index
      %get3A_266 = arith.constant 32 : index
      %get3A_267 = tpu.vector_load %arg6[%get3A_265, %get3A_266] {strides = array<i32>} : memref<200x128xf32, #tpu.memory_space<vmem>>, vector<1x16xf32>,
      %get3A_268 = vector.shape_cast %get3A_267 : vector<1x16xf32> to vector<16xf32>
      %add3A_269 = arith.addf %mul3A_264, %get3A_268 : vector<16xf32>
      %swap3A_270 = arith.index_cast %add3A_225 : i32 to index
      %swap3A_271 = arith.constant 32 : index
      %swap3A_272 = tpu.vector_load %arg7[%swap3A_270, %swap3A_271] {strides = array<i32>} : memref<200x128xf32, #tpu.memory_space<vmem>>, vector<1x16xf32>,
      %swap3A_273 = vector.shape_cast %swap3A_272 : vector<1x16xf32> to vector<16xf32>
      %swap3A_274 = vector.shape_cast %add3A_269 : vector<16xf32> to vector<1x16xf32>
      tpu.vector_store %arg7[%swap3A_270, %swap3A_271], %swap3A_274 {strides = array<i32>} : memref<200x128xf32, #tpu.memory_space<vmem>>, vector<1x16xf32>,
      %get3A_275 = arith.index_cast %add3A_225 : i32 to index
      %get3A_276 = arith.constant 48 : index
      %get3A_277 = tpu.vector_load %arg7[%get3A_275, %get3A_276] {strides = array<i32>} : memref<200x128xf32, #tpu.memory_space<vmem>>, vector<1x16xf32>,
      %get3A_278 = vector.shape_cast %get3A_277 : vector<1x16xf32> to vector<16xf32>
      %mul3A_279 = arith.constant 11.3137083 : f32
      %mul3A_280 = vector.broadcast %mul3A_279 : f32 to vector<16xf32>
      %mul3A_281 = arith.mulf %get3A_278, %mul3A_280 : vector<16xf32>
      %get3A_282 = arith.index_cast %add3A_225 : i32 to index
      %get3A_283 = arith.constant 48 : index
      %get3A_284 = tpu.vector_load %arg6[%get3A_282, %get3A_283] {strides = array<i32>} : memref<200x128xf32, #tpu.memory_space<vmem>>, vector<1x16xf32>,
      %get3A_285 = vector.shape_cast %get3A_284 : vector<1x16xf32> to vector<16xf32>
      %add3A_286 = arith.addf %mul3A_281, %get3A_285 : vector<16xf32>
      %swap3A_287 = arith.index_cast %add3A_225 : i32 to index
      %swap3A_288 = arith.constant 48 : index
      %swap3A_289 = tpu.vector_load %arg7[%swap3A_287, %swap3A_288] {strides = array<i32>} : memref<200x128xf32, #tpu.memory_space<vmem>>, vector<1x16xf32>,
      %swap3A_290 = vector.shape_cast %swap3A_289 : vector<1x16xf32> to vector<16xf32>
      %swap3A_291 = vector.shape_cast %add3A_286 : vector<16xf32> to vector<1x16xf32>
      tpu.vector_store %arg7[%swap3A_287, %swap3A_288], %swap3A_291 {strides = array<i32>} : memref<200x128xf32, #tpu.memory_space<vmem>>, vector<1x16xf32>,
      %get3A_292 = arith.index_cast %add3A_225 : i32 to index
      %get3A_293 = arith.constant 64 : index
      %get3A_294 = tpu.vector_load %arg7[%get3A_292, %get3A_293] {strides = array<i32>} : memref<200x128xf32, #tpu.memory_space<vmem>>, vector<1x16xf32>,
      %get3A_295 = vector.shape_cast %get3A_294 : vector<1x16xf32> to vector<16xf32>
      %mul3A_296 = arith.constant 11.3137083 : f32
      %mul3A_297 = vector.broadcast %mul3A_296 : f32 to vector<16xf32>
      %mul3A_298 = arith.mulf %get3A_295, %mul3A_297 : vector<16xf32>
      %get3A_299 = arith.index_cast %add3A_225 : i32 to index
      %get3A_300 = arith.constant 64 : index
      %get3A_301 = tpu.vector_load %arg6[%get3A_299, %get3A_300] {strides = array<i32>} : memref<200x128xf32, #tpu.memory_space<vmem>>, vector<1x16xf32>,
      %get3A_302 = vector.shape_cast %get3A_301 : vector<1x16xf32> to vector<16xf32>
      %add3A_303 = arith.addf %mul3A_298, %get3A_302 : vector<16xf32>
      %swap3A_304 = arith.index_cast %add3A_225 : i32 to index
      %swap3A_305 = arith.constant 64 : index
      %swap3A_306 = tpu.vector_load %arg7[%swap3A_304, %swap3A_305] {strides = array<i32>} : memref<200x128xf32, #tpu.memory_space<vmem>>, vector<1x16xf32>,
      %swap3A_307 = vector.shape_cast %swap3A_306 : vector<1x16xf32> to vector<16xf32>
      %swap3A_308 = vector.shape_cast %add3A_303 : vector<16xf32> to vector<1x16xf32>
      tpu.vector_store %arg7[%swap3A_304, %swap3A_305], %swap3A_308 {strides = array<i32>} : memref<200x128xf32, #tpu.memory_space<vmem>>, vector<1x16xf32>,
      %get3A_309 = arith.index_cast %add3A_225 : i32 to index
      %get3A_310 = arith.constant 80 : index
      %get3A_311 = tpu.vector_load %arg7[%get3A_309, %get3A_310] {strides = array<i32>} : memref<200x128xf32, #tpu.memory_space<vmem>>, vector<1x16xf32>,
      %get3A_312 = vector.shape_cast %get3A_311 : vector<1x16xf32> to vector<16xf32>
      %mul3A_313 = arith.constant 11.3137083 : f32
      %mul3A_314 = vector.broadcast %mul3A_313 : f32 to vector<16xf32>
      %mul3A_315 = arith.mulf %get3A_312, %mul3A_314 : vector<16xf32>
      %get3A_316 = arith.index_cast %add3A_225 : i32 to index
      %get3A_317 = arith.constant 80 : index
      %get3A_318 = tpu.vector_load %arg6[%get3A_316, %get3A_317] {strides = array<i32>} : memref<200x128xf32, #tpu.memory_space<vmem>>, vector<1x16xf32>,
      %get3A_319 = vector.shape_cast %get3A_318 : vector<1x16xf32> to vector<16xf32>
      %add3A_320 = arith.addf %mul3A_315, %get3A_319 : vector<16xf32>
      %swap3A_321 = arith.index_cast %add3A_225 : i32 to index
      %swap3A_322 = arith.constant 80 : index
      %swap3A_323 = tpu.vector_load %arg7[%swap3A_321, %swap3A_322] {strides = array<i32>} : memref<200x128xf32, #tpu.memory_space<vmem>>, vector<1x16xf32>,
      %swap3A_324 = vector.shape_cast %swap3A_323 : vector<1x16xf32> to vector<16xf32>
      %swap3A_325 = vector.shape_cast %add3A_320 : vector<16xf32> to vector<1x16xf32>
      tpu.vector_store %arg7[%swap3A_321, %swap3A_322], %swap3A_325 {strides = array<i32>} : memref<200x128xf32, #tpu.memory_space<vmem>>, vector<1x16xf32>,
      %get3A_326 = arith.index_cast %add3A_225 : i32 to index
      %get3A_327 = arith.constant 96 : index
      %get3A_328 = tpu.vector_load %arg7[%get3A_326, %get3A_327] {strides = array<i32>} : memref<200x128xf32, #tpu.memory_space<vmem>>, vector<1x16xf32>,
      %get3A_329 = vector.shape_cast %get3A_328 : vector<1x16xf32> to vector<16xf32>
      %mul3A_330 = arith.constant 11.3137083 : f32
      %mul3A_331 = vector.broadcast %mul3A_330 : f32 to vector<16xf32>
      %mul3A_332 = arith.mulf %get3A_329, %mul3A_331 : vector<16xf32>
      %get3A_333 = arith.index_cast %add3A_225 : i32 to index
      %get3A_334 = arith.constant 96 : index
      %get3A_335 = tpu.vector_load %arg6[%get3A_333, %get3A_334] {strides = array<i32>} : memref<200x128xf32, #tpu.memory_space<vmem>>, vector<1x16xf32>,
      %get3A_336 = vector.shape_cast %get3A_335 : vector<1x16xf32> to vector<16xf32>
      %add3A_337 = arith.addf %mul3A_332, %get3A_336 : vector<16xf32>
      %swap3A_338 = arith.index_cast %add3A_225 : i32 to index
      %swap3A_339 = arith.constant 96 : index
      %swap3A_340 = tpu.vector_load %arg7[%swap3A_338, %swap3A_339] {strides = array<i32>} : memref<200x128xf32, #tpu.memory_space<vmem>>, vector<1x16xf32>,
      %swap3A_341 = vector.shape_cast %swap3A_340 : vector<1x16xf32> to vector<16xf32>
      %swap3A_342 = vector.shape_cast %add3A_337 : vector<16xf32> to vector<1x16xf32>
      tpu.vector_store %arg7[%swap3A_338, %swap3A_339], %swap3A_342 {strides = array<i32>} : memref<200x128xf32, #tpu.memory_space<vmem>>, vector<1x16xf32>,
      %get3A_343 = arith.index_cast %add3A_225 : i32 to index
      %get3A_344 = arith.constant 112 : index
      %get3A_345 = tpu.vector_load %arg7[%get3A_343, %get3A_344] {strides = array<i32>} : memref<200x128xf32, #tpu.memory_space<vmem>>, vector<1x16xf32>,
      %get3A_346 = vector.shape_cast %get3A_345 : vector<1x16xf32> to vector<16xf32>
      %mul3A_347 = arith.constant 11.3137083 : f32
      %mul3A_348 = vector.broadcast %mul3A_347 : f32 to vector<16xf32>
      %mul3A_349 = arith.mulf %get3A_346, %mul3A_348 : vector<16xf32>
      %get3A_350 = arith.index_cast %add3A_225 : i32 to index
      %get3A_351 = arith.constant 112 : index
      %get3A_352 = tpu.vector_load %arg6[%get3A_350, %get3A_351] {strides = array<i32>} : memref<200x128xf32, #tpu.memory_space<vmem>>, vector<1x16xf32>,
      %get3A_353 = vector.shape_cast %get3A_352 : vector<1x16xf32> to vector<16xf32>
      %add3A_354 = arith.addf %mul3A_349, %get3A_353 : vector<16xf32>
      %swap3A_355 = arith.index_cast %add3A_225 : i32 to index
      %swap3A_356 = arith.constant 112 : index
      %swap3A_357 = tpu.vector_load %arg7[%swap3A_355, %swap3A_356] {strides = array<i32>} : memref<200x128xf32, #tpu.memory_space<vmem>>, vector<1x16xf32>,
      %swap3A_358 = vector.shape_cast %swap3A_357 : vector<1x16xf32> to vector<16xf32>
      %swap3A_359 = vector.shape_cast %add3A_354 : vector<16xf32> to vector<1x16xf32>
      tpu.vector_store %arg7[%swap3A_355, %swap3A_356], %swap3A_359 {strides = array<i32>} : memref<200x128xf32, #tpu.memory_space<vmem>>, vector<1x16xf32>,
    }
    %scan3A_138 = arith.constant 200 : i32
    %add3A_139 = arith.constant 24800 : i32
    %add3A_140 = arith.addi %mul3A_2, %add3A_139 : i32
    %dma_start3A_141 = arith.constant 0 : i32
    %dma_start3A_142 = tpu.memref_slice %arg5[%add3A_140, %dma_start3A_141] : memref<819200x128xf32, #tpu.memory_space<hbm>> -> memref<200x128xf32, #tpu.memory_space<hbm>>
    %dma_start3A_143 = arith.constant 0 : i32
    %dma_start3A_144 = tpu.memref_slice %arg5[%add3A_140, %dma_start3A_143] : memref<819200x128xf32, #tpu.memory_space<hbm>> -> memref<200x128xf32, #tpu.memory_space<hbm>>
    tpu.enqueue_dma source(%arg7 : memref<200x128xf32, #tpu.memory_space<vmem>>) target(%dma_start3A_144 : memref<200x128xf32, #tpu.memory_space<hbm>>) target_semaphore(%arg19 : memref<!tpu.dma_semaphore, #tpu.memory_space<semaphore_mem>>)
    %dma_wait3A_145 = arith.constant 0 : i32
    %dma_wait3A_146 = tpu.memref_slice %arg5[%mul3A_2, %dma_wait3A_145] : memref<819200x128xf32, #tpu.memory_space<hbm>> -> memref<200x128xf32, #tpu.memory_space<hbm>>
    %dma_wait3A_147 = arith.constant 0 : i32
    %dma_wait3A_148 = tpu.memref_slice %arg5[%mul3A_2, %dma_wait3A_147] : memref<819200x128xf32, #tpu.memory_space<hbm>> -> memref<200x128xf32, #tpu.memory_space<hbm>>
    tpu.wait_dma2 semaphore(%arg21 : memref<!tpu.dma_semaphore, #tpu.memory_space<semaphore_mem>>) src(%arg9 : memref<200x128xf32, #tpu.memory_space<vmem>>) dst(%dma_wait3A_148 : memref<200x128xf32, #tpu.memory_space<hbm>>)
    %dma_wait3A_149 = tpu.memref_slice %arg3[%mul3A_2] : memref<819200xi32, #tpu.memory_space<hbm>> -> memref<200xi32, #tpu.memory_space<hbm>>
    %dma_wait3A_150 = tpu.memref_slice %arg3[%mul3A_2] : memref<819200xi32, #tpu.memory_space<hbm>> -> memref<200xi32, #tpu.memory_space<hbm>>
    tpu.wait_dma2 semaphore(%arg25 : memref<!tpu.dma_semaphore, #tpu.memory_space<semaphore_mem>>) src(%dma_wait3A_150 : memref<200xi32, #tpu.memory_space<hbm>>) dst(%arg13 : memref<200xi32, #tpu.memory_space<vmem>>)
    %dma_start3A_151 = arith.constant 0 : i32
    %dma_start3A_152 = arith.constant 0 : i32
    %dma_start3A_153 = tpu.memref_slice %arg2[%dma_start3A_151, %dma_start3A_152] : memref<100000x128xf32, #tpu.memory_space<hbm>> -> memref<100000x128xf32, #tpu.memory_space<hbm>>
    tpu.enqueue_indirect_dma source(%dma_start3A_153 : memref<100000x128xf32, #tpu.memory_space<hbm>>) target(%arg9 : memref<200x128xf32, #tpu.memory_space<vmem>>) offsets(%arg13 : memref<200xi32, #tpu.memory_space<vmem>>) semaphore(%arg17 : memref<!tpu.dma_semaphore, #tpu.memory_space<semaphore_mem>>)
    %dma_wait3A_154 = arith.constant 0 : i32
    %dma_wait3A_155 = arith.constant 0 : i32
    %dma_wait3A_156 = tpu.memref_slice %arg2[%dma_wait3A_154, %dma_wait3A_155] : memref<100000x128xf32, #tpu.memory_space<hbm>> -> memref<100000x128xf32, #tpu.memory_space<hbm>>
    tpu.wait_indirect_dma semaphore(%arg16 : memref<!tpu.dma_semaphore, #tpu.memory_space<semaphore_mem>>) src(%dma_wait3A_156 : memref<100000x128xf32, #tpu.memory_space<hbm>>) dst(%arg8 : memref<200x128xf32, #tpu.memory_space<vmem>>)
    %scan3A_157 = arith.constant 0 : i32
    %scan3A_158 = arith.constant 200 : i32
    %scan3A_159 = arith.addi %scan3A_157, %scan3A_158 : i32
    %scan3A_160 = arith.constant 1 : i32
    scf.for %scan3A_221 = %scan3A_157 to %scan3A_159 step %scan3A_160  : i32 {
      %mul3A_222 = arith.constant 1 : i32
      %mul3A_223 = arith.muli %scan3A_221, %mul3A_222 : i32
      %add3A_224 = arith.constant 0 : i32
      %add3A_225 = arith.addi %add3A_224, %mul3A_223 : i32
      %get3A = arith.index_cast %add3A_225 : i32 to index
      %get3A_226 = arith.constant 0 : index
      %get3A_227 = tpu.vector_load %arg8[%get3A, %get3A_226] {strides = array<i32>} : memref<200x128xf32, #tpu.memory_space<vmem>>, vector<1x16xf32>,
      %get3A_228 = vector.shape_cast %get3A_227 : vector<1x16xf32> to vector<16xf32>
      %mul3A_229 = arith.constant 11.3137083 : f32
      %mul3A_230 = vector.broadcast %mul3A_229 : f32 to vector<16xf32>
      %mul3A_231 = arith.mulf %get3A_228, %mul3A_230 : vector<16xf32>
      %get3A_232 = arith.index_cast %add3A_225 : i32 to index
      %get3A_233 = arith.constant 0 : index
      %get3A_234 = tpu.vector_load %arg6[%get3A_232, %get3A_233] {strides = array<i32>} : memref<200x128xf32, #tpu.memory_space<vmem>>, vector<1x16xf32>,
      %get3A_235 = vector.shape_cast %get3A_234 : vector<1x16xf32> to vector<16xf32>
      %add3A_236 = arith.addf %mul3A_231, %get3A_235 : vector<16xf32>
      %swap3A = arith.index_cast %add3A_225 : i32 to index
      %swap3A_237 = arith.constant 0 : index
      %swap3A_238 = tpu.vector_load %arg8[%swap3A, %swap3A_237] {strides = array<i32>} : memref<200x128xf32, #tpu.memory_space<vmem>>, vector<1x16xf32>,
      %swap3A_239 = vector.shape_cast %swap3A_238 : vector<1x16xf32> to vector<16xf32>
      %swap3A_240 = vector.shape_cast %add3A_236 : vector<16xf32> to vector<1x16xf32>
      tpu.vector_store %arg8[%swap3A, %swap3A_237], %swap3A_240 {strides = array<i32>} : memref<200x128xf32, #tpu.memory_space<vmem>>, vector<1x16xf32>,
      %get3A_241 = arith.index_cast %add3A_225 : i32 to index
      %get3A_242 = arith.constant 16 : index
      %get3A_243 = tpu.vector_load %arg8[%get3A_241, %get3A_242] {strides = array<i32>} : memref<200x128xf32, #tpu.memory_space<vmem>>, vector<1x16xf32>,
      %get3A_244 = vector.shape_cast %get3A_243 : vector<1x16xf32> to vector<16xf32>
      %mul3A_245 = arith.constant 11.3137083 : f32
      %mul3A_246 = vector.broadcast %mul3A_245 : f32 to vector<16xf32>
      %mul3A_247 = arith.mulf %get3A_244, %mul3A_246 : vector<16xf32>
      %get3A_248 = arith.index_cast %add3A_225 : i32 to index
      %get3A_249 = arith.constant 16 : index
      %get3A_250 = tpu.vector_load %arg6[%get3A_248, %get3A_249] {strides = array<i32>} : memref<200x128xf32, #tpu.memory_space<vmem>>, vector<1x16xf32>,
      %get3A_251 = vector.shape_cast %get3A_250 : vector<1x16xf32> to vector<16xf32>
      %add3A_252 = arith.addf %mul3A_247, %get3A_251 : vector<16xf32>
      %swap3A_253 = arith.index_cast %add3A_225 : i32 to index
      %swap3A_254 = arith.constant 16 : index
      %swap3A_255 = tpu.vector_load %arg8[%swap3A_253, %swap3A_254] {strides = array<i32>} : memref<200x128xf32, #tpu.memory_space<vmem>>, vector<1x16xf32>,
      %swap3A_256 = vector.shape_cast %swap3A_255 : vector<1x16xf32> to vector<16xf32>
      %swap3A_257 = vector.shape_cast %add3A_252 : vector<16xf32> to vector<1x16xf32>
      tpu.vector_store %arg8[%swap3A_253, %swap3A_254], %swap3A_257 {strides = array<i32>} : memref<200x128xf32, #tpu.memory_space<vmem>>, vector<1x16xf32>,
      %get3A_258 = arith.index_cast %add3A_225 : i32 to index
      %get3A_259 = arith.constant 32 : index
      %get3A_260 = tpu.vector_load %arg8[%get3A_258, %get3A_259] {strides = array<i32>} : memref<200x128xf32, #tpu.memory_space<vmem>>, vector<1x16xf32>,
      %get3A_261 = vector.shape_cast %get3A_260 : vector<1x16xf32> to vector<16xf32>
      %mul3A_262 = arith.constant 11.3137083 : f32
      %mul3A_263 = vector.broadcast %mul3A_262 : f32 to vector<16xf32>
      %mul3A_264 = arith.mulf %get3A_261, %mul3A_263 : vector<16xf32>
      %get3A_265 = arith.index_cast %add3A_225 : i32 to index
      %get3A_266 = arith.constant 32 : index
      %get3A_267 = tpu.vector_load %arg6[%get3A_265, %get3A_266] {strides = array<i32>} : memref<200x128xf32, #tpu.memory_space<vmem>>, vector<1x16xf32>,
      %get3A_268 = vector.shape_cast %get3A_267 : vector<1x16xf32> to vector<16xf32>
      %add3A_269 = arith.addf %mul3A_264, %get3A_268 : vector<16xf32>
      %swap3A_270 = arith.index_cast %add3A_225 : i32 to index
      %swap3A_271 = arith.constant 32 : index
      %swap3A_272 = tpu.vector_load %arg8[%swap3A_270, %swap3A_271] {strides = array<i32>} : memref<200x128xf32, #tpu.memory_space<vmem>>, vector<1x16xf32>,
      %swap3A_273 = vector.shape_cast %swap3A_272 : vector<1x16xf32> to vector<16xf32>
      %swap3A_274 = vector.shape_cast %add3A_269 : vector<16xf32> to vector<1x16xf32>
      tpu.vector_store %arg8[%swap3A_270, %swap3A_271], %swap3A_274 {strides = array<i32>} : memref<200x128xf32, #tpu.memory_space<vmem>>, vector<1x16xf32>,
      %get3A_275 = arith.index_cast %add3A_225 : i32 to index
      %get3A_276 = arith.constant 48 : index
      %get3A_277 = tpu.vector_load %arg8[%get3A_275, %get3A_276] {strides = array<i32>} : memref<200x128xf32, #tpu.memory_space<vmem>>, vector<1x16xf32>,
      %get3A_278 = vector.shape_cast %get3A_277 : vector<1x16xf32> to vector<16xf32>
      %mul3A_279 = arith.constant 11.3137083 : f32
      %mul3A_280 = vector.broadcast %mul3A_279 : f32 to vector<16xf32>
      %mul3A_281 = arith.mulf %get3A_278, %mul3A_280 : vector<16xf32>
      %get3A_282 = arith.index_cast %add3A_225 : i32 to index
      %get3A_283 = arith.constant 48 : index
      %get3A_284 = tpu.vector_load %arg6[%get3A_282, %get3A_283] {strides = array<i32>} : memref<200x128xf32, #tpu.memory_space<vmem>>, vector<1x16xf32>,
      %get3A_285 = vector.shape_cast %get3A_284 : vector<1x16xf32> to vector<16xf32>
      %add3A_286 = arith.addf %mul3A_281, %get3A_285 : vector<16xf32>
      %swap3A_287 = arith.index_cast %add3A_225 : i32 to index
      %swap3A_288 = arith.constant 48 : index
      %swap3A_289 = tpu.vector_load %arg8[%swap3A_287, %swap3A_288] {strides = array<i32>} : memref<200x128xf32, #tpu.memory_space<vmem>>, vector<1x16xf32>,
      %swap3A_290 = vector.shape_cast %swap3A_289 : vector<1x16xf32> to vector<16xf32>
      %swap3A_291 = vector.shape_cast %add3A_286 : vector<16xf32> to vector<1x16xf32>
      tpu.vector_store %arg8[%swap3A_287, %swap3A_288], %swap3A_291 {strides = array<i32>} : memref<200x128xf32, #tpu.memory_space<vmem>>, vector<1x16xf32>,
      %get3A_292 = arith.index_cast %add3A_225 : i32 to index
      %get3A_293 = arith.constant 64 : index
      %get3A_294 = tpu.vector_load %arg8[%get3A_292, %get3A_293] {strides = array<i32>} : memref<200x128xf32, #tpu.memory_space<vmem>>, vector<1x16xf32>,
      %get3A_295 = vector.shape_cast %get3A_294 : vector<1x16xf32> to vector<16xf32>
      %mul3A_296 = arith.constant 11.3137083 : f32
      %mul3A_297 = vector.broadcast %mul3A_296 : f32 to vector<16xf32>
      %mul3A_298 = arith.mulf %get3A_295, %mul3A_297 : vector<16xf32>
      %get3A_299 = arith.index_cast %add3A_225 : i32 to index
      %get3A_300 = arith.constant 64 : index
      %get3A_301 = tpu.vector_load %arg6[%get3A_299, %get3A_300] {strides = array<i32>} : memref<200x128xf32, #tpu.memory_space<vmem>>, vector<1x16xf32>,
      %get3A_302 = vector.shape_cast %get3A_301 : vector<1x16xf32> to vector<16xf32>
      %add3A_303 = arith.addf %mul3A_298, %get3A_302 : vector<16xf32>
      %swap3A_304 = arith.index_cast %add3A_225 : i32 to index
      %swap3A_305 = arith.constant 64 : index
      %swap3A_306 = tpu.vector_load %arg8[%swap3A_304, %swap3A_305] {strides = array<i32>} : memref<200x128xf32, #tpu.memory_space<vmem>>, vector<1x16xf32>,
      %swap3A_307 = vector.shape_cast %swap3A_306 : vector<1x16xf32> to vector<16xf32>
      %swap3A_308 = vector.shape_cast %add3A_303 : vector<16xf32> to vector<1x16xf32>
      tpu.vector_store %arg8[%swap3A_304, %swap3A_305], %swap3A_308 {strides = array<i32>} : memref<200x128xf32, #tpu.memory_space<vmem>>, vector<1x16xf32>,
      %get3A_309 = arith.index_cast %add3A_225 : i32 to index
      %get3A_310 = arith.constant 80 : index
      %get3A_311 = tpu.vector_load %arg8[%get3A_309, %get3A_310] {strides = array<i32>} : memref<200x128xf32, #tpu.memory_space<vmem>>, vector<1x16xf32>,
      %get3A_312 = vector.shape_cast %get3A_311 : vector<1x16xf32> to vector<16xf32>
      %mul3A_313 = arith.constant 11.3137083 : f32
      %mul3A_314 = vector.broadcast %mul3A_313 : f32 to vector<16xf32>
      %mul3A_315 = arith.mulf %get3A_312, %mul3A_314 : vector<16xf32>
      %get3A_316 = arith.index_cast %add3A_225 : i32 to index
      %get3A_317 = arith.constant 80 : index
      %get3A_318 = tpu.vector_load %arg6[%get3A_316, %get3A_317] {strides = array<i32>} : memref<200x128xf32, #tpu.memory_space<vmem>>, vector<1x16xf32>,
      %get3A_319 = vector.shape_cast %get3A_318 : vector<1x16xf32> to vector<16xf32>
      %add3A_320 = arith.addf %mul3A_315, %get3A_319 : vector<16xf32>
      %swap3A_321 = arith.index_cast %add3A_225 : i32 to index
      %swap3A_322 = arith.constant 80 : index
      %swap3A_323 = tpu.vector_load %arg8[%swap3A_321, %swap3A_322] {strides = array<i32>} : memref<200x128xf32, #tpu.memory_space<vmem>>, vector<1x16xf32>,
      %swap3A_324 = vector.shape_cast %swap3A_323 : vector<1x16xf32> to vector<16xf32>
      %swap3A_325 = vector.shape_cast %add3A_320 : vector<16xf32> to vector<1x16xf32>
      tpu.vector_store %arg8[%swap3A_321, %swap3A_322], %swap3A_325 {strides = array<i32>} : memref<200x128xf32, #tpu.memory_space<vmem>>, vector<1x16xf32>,
      %get3A_326 = arith.index_cast %add3A_225 : i32 to index
      %get3A_327 = arith.constant 96 : index
      %get3A_328 = tpu.vector_load %arg8[%get3A_326, %get3A_327] {strides = array<i32>} : memref<200x128xf32, #tpu.memory_space<vmem>>, vector<1x16xf32>,
      %get3A_329 = vector.shape_cast %get3A_328 : vector<1x16xf32> to vector<16xf32>
      %mul3A_330 = arith.constant 11.3137083 : f32
      %mul3A_331 = vector.broadcast %mul3A_330 : f32 to vector<16xf32>
      %mul3A_332 = arith.mulf %get3A_329, %mul3A_331 : vector<16xf32>
      %get3A_333 = arith.index_cast %add3A_225 : i32 to index
      %get3A_334 = arith.constant 96 : index
      %get3A_335 = tpu.vector_load %arg6[%get3A_333, %get3A_334] {strides = array<i32>} : memref<200x128xf32, #tpu.memory_space<vmem>>, vector<1x16xf32>,
      %get3A_336 = vector.shape_cast %get3A_335 : vector<1x16xf32> to vector<16xf32>
      %add3A_337 = arith.addf %mul3A_332, %get3A_336 : vector<16xf32>
      %swap3A_338 = arith.index_cast %add3A_225 : i32 to index
      %swap3A_339 = arith.constant 96 : index
      %swap3A_340 = tpu.vector_load %arg8[%swap3A_338, %swap3A_339] {strides = array<i32>} : memref<200x128xf32, #tpu.memory_space<vmem>>, vector<1x16xf32>,
      %swap3A_341 = vector.shape_cast %swap3A_340 : vector<1x16xf32> to vector<16xf32>
      %swap3A_342 = vector.shape_cast %add3A_337 : vector<16xf32> to vector<1x16xf32>
      tpu.vector_store %arg8[%swap3A_338, %swap3A_339], %swap3A_342 {strides = array<i32>} : memref<200x128xf32, #tpu.memory_space<vmem>>, vector<1x16xf32>,
      %get3A_343 = arith.index_cast %add3A_225 : i32 to index
      %get3A_344 = arith.constant 112 : index
      %get3A_345 = tpu.vector_load %arg8[%get3A_343, %get3A_344] {strides = array<i32>} : memref<200x128xf32, #tpu.memory_space<vmem>>, vector<1x16xf32>,
      %get3A_346 = vector.shape_cast %get3A_345 : vector<1x16xf32> to vector<16xf32>
      %mul3A_347 = arith.constant 11.3137083 : f32
      %mul3A_348 = vector.broadcast %mul3A_347 : f32 to vector<16xf32>
      %mul3A_349 = arith.mulf %get3A_346, %mul3A_348 : vector<16xf32>
      %get3A_350 = arith.index_cast %add3A_225 : i32 to index
      %get3A_351 = arith.constant 112 : index
      %get3A_352 = tpu.vector_load %arg6[%get3A_350, %get3A_351] {strides = array<i32>} : memref<200x128xf32, #tpu.memory_space<vmem>>, vector<1x16xf32>,
      %get3A_353 = vector.shape_cast %get3A_352 : vector<1x16xf32> to vector<16xf32>
      %add3A_354 = arith.addf %mul3A_349, %get3A_353 : vector<16xf32>
      %swap3A_355 = arith.index_cast %add3A_225 : i32 to index
      %swap3A_356 = arith.constant 112 : index
      %swap3A_357 = tpu.vector_load %arg8[%swap3A_355, %swap3A_356] {strides = array<i32>} : memref<200x128xf32, #tpu.memory_space<vmem>>, vector<1x16xf32>,
      %swap3A_358 = vector.shape_cast %swap3A_357 : vector<1x16xf32> to vector<16xf32>
      %swap3A_359 = vector.shape_cast %add3A_354 : vector<16xf32> to vector<1x16xf32>
      tpu.vector_store %arg8[%swap3A_355, %swap3A_356], %swap3A_359 {strides = array<i32>} : memref<200x128xf32, #tpu.memory_space<vmem>>, vector<1x16xf32>,
    }
    %scan3A_161 = arith.constant 200 : i32
    %add3A_162 = arith.constant 25000 : i32
    %add3A_163 = arith.addi %mul3A_2, %add3A_162 : i32
    %dma_start3A_164 = arith.constant 0 : i32
    %dma_start3A_165 = tpu.memref_slice %arg5[%add3A_163, %dma_start3A_164] : memref<819200x128xf32, #tpu.memory_space<hbm>> -> memref<200x128xf32, #tpu.memory_space<hbm>>
    %dma_start3A_166 = arith.constant 0 : i32
    %dma_start3A_167 = tpu.memref_slice %arg5[%add3A_163, %dma_start3A_166] : memref<819200x128xf32, #tpu.memory_space<hbm>> -> memref<200x128xf32, #tpu.memory_space<hbm>>
    tpu.enqueue_dma source(%arg8 : memref<200x128xf32, #tpu.memory_space<vmem>>) target(%dma_start3A_167 : memref<200x128xf32, #tpu.memory_space<hbm>>) target_semaphore(%arg20 : memref<!tpu.dma_semaphore, #tpu.memory_space<semaphore_mem>>)
    %dma_wait3A_168 = arith.constant 0 : i32
    %dma_wait3A_169 = tpu.memref_slice %arg5[%mul3A_2, %dma_wait3A_168] : memref<819200x128xf32, #tpu.memory_space<hbm>> -> memref<200x128xf32, #tpu.memory_space<hbm>>
    %dma_wait3A_170 = arith.constant 0 : i32
    %dma_wait3A_171 = tpu.memref_slice %arg5[%mul3A_2, %dma_wait3A_170] : memref<819200x128xf32, #tpu.memory_space<hbm>> -> memref<200x128xf32, #tpu.memory_space<hbm>>
    tpu.wait_dma2 semaphore(%arg22 : memref<!tpu.dma_semaphore, #tpu.memory_space<semaphore_mem>>) src(%arg10 : memref<200x128xf32, #tpu.memory_space<vmem>>) dst(%dma_wait3A_171 : memref<200x128xf32, #tpu.memory_space<hbm>>)
    %dma_wait3A_172 = tpu.memref_slice %arg3[%mul3A_2] : memref<819200xi32, #tpu.memory_space<hbm>> -> memref<200xi32, #tpu.memory_space<hbm>>
    %dma_wait3A_173 = tpu.memref_slice %arg3[%mul3A_2] : memref<819200xi32, #tpu.memory_space<hbm>> -> memref<200xi32, #tpu.memory_space<hbm>>
    tpu.wait_dma2 semaphore(%arg26 : memref<!tpu.dma_semaphore, #tpu.memory_space<semaphore_mem>>) src(%dma_wait3A_173 : memref<200xi32, #tpu.memory_space<hbm>>) dst(%arg14 : memref<200xi32, #tpu.memory_space<vmem>>)
    %dma_start3A_174 = arith.constant 0 : i32
    %dma_start3A_175 = arith.constant 0 : i32
    %dma_start3A_176 = tpu.memref_slice %arg2[%dma_start3A_174, %dma_start3A_175] : memref<100000x128xf32, #tpu.memory_space<hbm>> -> memref<100000x128xf32, #tpu.memory_space<hbm>>
    tpu.enqueue_indirect_dma source(%dma_start3A_176 : memref<100000x128xf32, #tpu.memory_space<hbm>>) target(%arg10 : memref<200x128xf32, #tpu.memory_space<vmem>>) offsets(%arg14 : memref<200xi32, #tpu.memory_space<vmem>>) semaphore(%arg18 : memref<!tpu.dma_semaphore, #tpu.memory_space<semaphore_mem>>)
    %dma_wait3A_177 = arith.constant 0 : i32
    %dma_wait3A_178 = arith.constant 0 : i32
    %dma_wait3A_179 = tpu.memref_slice %arg2[%dma_wait3A_177, %dma_wait3A_178] : memref<100000x128xf32, #tpu.memory_space<hbm>> -> memref<100000x128xf32, #tpu.memory_space<hbm>>
    tpu.wait_indirect_dma semaphore(%arg17 : memref<!tpu.dma_semaphore, #tpu.memory_space<semaphore_mem>>) src(%dma_wait3A_179 : memref<100000x128xf32, #tpu.memory_space<hbm>>) dst(%arg9 : memref<200x128xf32, #tpu.memory_space<vmem>>)
    %scan3A_180 = arith.constant 0 : i32
    %scan3A_181 = arith.constant 200 : i32
    %scan3A_182 = arith.addi %scan3A_180, %scan3A_181 : i32
    %scan3A_183 = arith.constant 1 : i32
    scf.for %scan3A_221 = %scan3A_180 to %scan3A_182 step %scan3A_183  : i32 {
      %mul3A_222 = arith.constant 1 : i32
      %mul3A_223 = arith.muli %scan3A_221, %mul3A_222 : i32
      %add3A_224 = arith.constant 0 : i32
      %add3A_225 = arith.addi %add3A_224, %mul3A_223 : i32
      %get3A = arith.index_cast %add3A_225 : i32 to index
      %get3A_226 = arith.constant 0 : index
      %get3A_227 = tpu.vector_load %arg9[%get3A, %get3A_226] {strides = array<i32>} : memref<200x128xf32, #tpu.memory_space<vmem>>, vector<1x16xf32>,
      %get3A_228 = vector.shape_cast %get3A_227 : vector<1x16xf32> to vector<16xf32>
      %mul3A_229 = arith.constant 11.3137083 : f32
      %mul3A_230 = vector.broadcast %mul3A_229 : f32 to vector<16xf32>
      %mul3A_231 = arith.mulf %get3A_228, %mul3A_230 : vector<16xf32>
      %get3A_232 = arith.index_cast %add3A_225 : i32 to index
      %get3A_233 = arith.constant 0 : index
      %get3A_234 = tpu.vector_load %arg6[%get3A_232, %get3A_233] {strides = array<i32>} : memref<200x128xf32, #tpu.memory_space<vmem>>, vector<1x16xf32>,
      %get3A_235 = vector.shape_cast %get3A_234 : vector<1x16xf32> to vector<16xf32>
      %add3A_236 = arith.addf %mul3A_231, %get3A_235 : vector<16xf32>
      %swap3A = arith.index_cast %add3A_225 : i32 to index
      %swap3A_237 = arith.constant 0 : index
      %swap3A_238 = tpu.vector_load %arg9[%swap3A, %swap3A_237] {strides = array<i32>} : memref<200x128xf32, #tpu.memory_space<vmem>>, vector<1x16xf32>,
      %swap3A_239 = vector.shape_cast %swap3A_238 : vector<1x16xf32> to vector<16xf32>
      %swap3A_240 = vector.shape_cast %add3A_236 : vector<16xf32> to vector<1x16xf32>
      tpu.vector_store %arg9[%swap3A, %swap3A_237], %swap3A_240 {strides = array<i32>} : memref<200x128xf32, #tpu.memory_space<vmem>>, vector<1x16xf32>,
      %get3A_241 = arith.index_cast %add3A_225 : i32 to index
      %get3A_242 = arith.constant 16 : index
      %get3A_243 = tpu.vector_load %arg9[%get3A_241, %get3A_242] {strides = array<i32>} : memref<200x128xf32, #tpu.memory_space<vmem>>, vector<1x16xf32>,
      %get3A_244 = vector.shape_cast %get3A_243 : vector<1x16xf32> to vector<16xf32>
      %mul3A_245 = arith.constant 11.3137083 : f32
      %mul3A_246 = vector.broadcast %mul3A_245 : f32 to vector<16xf32>
      %mul3A_247 = arith.mulf %get3A_244, %mul3A_246 : vector<16xf32>
      %get3A_248 = arith.index_cast %add3A_225 : i32 to index
      %get3A_249 = arith.constant 16 : index
      %get3A_250 = tpu.vector_load %arg6[%get3A_248, %get3A_249] {strides = array<i32>} : memref<200x128xf32, #tpu.memory_space<vmem>>, vector<1x16xf32>,
      %get3A_251 = vector.shape_cast %get3A_250 : vector<1x16xf32> to vector<16xf32>
      %add3A_252 = arith.addf %mul3A_247, %get3A_251 : vector<16xf32>
      %swap3A_253 = arith.index_cast %add3A_225 : i32 to index
      %swap3A_254 = arith.constant 16 : index
      %swap3A_255 = tpu.vector_load %arg9[%swap3A_253, %swap3A_254] {strides = array<i32>} : memref<200x128xf32, #tpu.memory_space<vmem>>, vector<1x16xf32>,
      %swap3A_256 = vector.shape_cast %swap3A_255 : vector<1x16xf32> to vector<16xf32>
      %swap3A_257 = vector.shape_cast %add3A_252 : vector<16xf32> to vector<1x16xf32>
      tpu.vector_store %arg9[%swap3A_253, %swap3A_254], %swap3A_257 {strides = array<i32>} : memref<200x128xf32, #tpu.memory_space<vmem>>, vector<1x16xf32>,
      %get3A_258 = arith.index_cast %add3A_225 : i32 to index
      %get3A_259 = arith.constant 32 : index
      %get3A_260 = tpu.vector_load %arg9[%get3A_258, %get3A_259] {strides = array<i32>} : memref<200x128xf32, #tpu.memory_space<vmem>>, vector<1x16xf32>,
      %get3A_261 = vector.shape_cast %get3A_260 : vector<1x16xf32> to vector<16xf32>
      %mul3A_262 = arith.constant 11.3137083 : f32
      %mul3A_263 = vector.broadcast %mul3A_262 : f32 to vector<16xf32>
      %mul3A_264 = arith.mulf %get3A_261, %mul3A_263 : vector<16xf32>
      %get3A_265 = arith.index_cast %add3A_225 : i32 to index
      %get3A_266 = arith.constant 32 : index
      %get3A_267 = tpu.vector_load %arg6[%get3A_265, %get3A_266] {strides = array<i32>} : memref<200x128xf32, #tpu.memory_space<vmem>>, vector<1x16xf32>,
      %get3A_268 = vector.shape_cast %get3A_267 : vector<1x16xf32> to vector<16xf32>
      %add3A_269 = arith.addf %mul3A_264, %get3A_268 : vector<16xf32>
      %swap3A_270 = arith.index_cast %add3A_225 : i32 to index
      %swap3A_271 = arith.constant 32 : index
      %swap3A_272 = tpu.vector_load %arg9[%swap3A_270, %swap3A_271] {strides = array<i32>} : memref<200x128xf32, #tpu.memory_space<vmem>>, vector<1x16xf32>,
      %swap3A_273 = vector.shape_cast %swap3A_272 : vector<1x16xf32> to vector<16xf32>
      %swap3A_274 = vector.shape_cast %add3A_269 : vector<16xf32> to vector<1x16xf32>
      tpu.vector_store %arg9[%swap3A_270, %swap3A_271], %swap3A_274 {strides = array<i32>} : memref<200x128xf32, #tpu.memory_space<vmem>>, vector<1x16xf32>,
      %get3A_275 = arith.index_cast %add3A_225 : i32 to index
      %get3A_276 = arith.constant 48 : index
      %get3A_277 = tpu.vector_load %arg9[%get3A_275, %get3A_276] {strides = array<i32>} : memref<200x128xf32, #tpu.memory_space<vmem>>, vector<1x16xf32>,
      %get3A_278 = vector.shape_cast %get3A_277 : vector<1x16xf32> to vector<16xf32>
      %mul3A_279 = arith.constant 11.3137083 : f32
      %mul3A_280 = vector.broadcast %mul3A_279 : f32 to vector<16xf32>
      %mul3A_281 = arith.mulf %get3A_278, %mul3A_280 : vector<16xf32>
      %get3A_282 = arith.index_cast %add3A_225 : i32 to index
      %get3A_283 = arith.constant 48 : index
      %get3A_284 = tpu.vector_load %arg6[%get3A_282, %get3A_283] {strides = array<i32>} : memref<200x128xf32, #tpu.memory_space<vmem>>, vector<1x16xf32>,
      %get3A_285 = vector.shape_cast %get3A_284 : vector<1x16xf32> to vector<16xf32>
      %add3A_286 = arith.addf %mul3A_281, %get3A_285 : vector<16xf32>
      %swap3A_287 = arith.index_cast %add3A_225 : i32 to index
      %swap3A_288 = arith.constant 48 : index
      %swap3A_289 = tpu.vector_load %arg9[%swap3A_287, %swap3A_288] {strides = array<i32>} : memref<200x128xf32, #tpu.memory_space<vmem>>, vector<1x16xf32>,
      %swap3A_290 = vector.shape_cast %swap3A_289 : vector<1x16xf32> to vector<16xf32>
      %swap3A_291 = vector.shape_cast %add3A_286 : vector<16xf32> to vector<1x16xf32>
      tpu.vector_store %arg9[%swap3A_287, %swap3A_288], %swap3A_291 {strides = array<i32>} : memref<200x128xf32, #tpu.memory_space<vmem>>, vector<1x16xf32>,
      %get3A_292 = arith.index_cast %add3A_225 : i32 to index
      %get3A_293 = arith.constant 64 : index
      %get3A_294 = tpu.vector_load %arg9[%get3A_292, %get3A_293] {strides = array<i32>} : memref<200x128xf32, #tpu.memory_space<vmem>>, vector<1x16xf32>,
      %get3A_295 = vector.shape_cast %get3A_294 : vector<1x16xf32> to vector<16xf32>
      %mul3A_296 = arith.constant 11.3137083 : f32
      %mul3A_297 = vector.broadcast %mul3A_296 : f32 to vector<16xf32>
      %mul3A_298 = arith.mulf %get3A_295, %mul3A_297 : vector<16xf32>
      %get3A_299 = arith.index_cast %add3A_225 : i32 to index
      %get3A_300 = arith.constant 64 : index
      %get3A_301 = tpu.vector_load %arg6[%get3A_299, %get3A_300] {strides = array<i32>} : memref<200x128xf32, #tpu.memory_space<vmem>>, vector<1x16xf32>,
      %get3A_302 = vector.shape_cast %get3A_301 : vector<1x16xf32> to vector<16xf32>
      %add3A_303 = arith.addf %mul3A_298, %get3A_302 : vector<16xf32>
      %swap3A_304 = arith.index_cast %add3A_225 : i32 to index
      %swap3A_305 = arith.constant 64 : index
      %swap3A_306 = tpu.vector_load %arg9[%swap3A_304, %swap3A_305] {strides = array<i32>} : memref<200x128xf32, #tpu.memory_space<vmem>>, vector<1x16xf32>,
      %swap3A_307 = vector.shape_cast %swap3A_306 : vector<1x16xf32> to vector<16xf32>
      %swap3A_308 = vector.shape_cast %add3A_303 : vector<16xf32> to vector<1x16xf32>
      tpu.vector_store %arg9[%swap3A_304, %swap3A_305], %swap3A_308 {strides = array<i32>} : memref<200x128xf32, #tpu.memory_space<vmem>>, vector<1x16xf32>,
      %get3A_309 = arith.index_cast %add3A_225 : i32 to index
      %get3A_310 = arith.constant 80 : index
      %get3A_311 = tpu.vector_load %arg9[%get3A_309, %get3A_310] {strides = array<i32>} : memref<200x128xf32, #tpu.memory_space<vmem>>, vector<1x16xf32>,
      %get3A_312 = vector.shape_cast %get3A_311 : vector<1x16xf32> to vector<16xf32>
      %mul3A_313 = arith.constant 11.3137083 : f32
      %mul3A_314 = vector.broadcast %mul3A_313 : f32 to vector<16xf32>
      %mul3A_315 = arith.mulf %get3A_312, %mul3A_314 : vector<16xf32>
      %get3A_316 = arith.index_cast %add3A_225 : i32 to index
      %get3A_317 = arith.constant 80 : index
      %get3A_318 = tpu.vector_load %arg6[%get3A_316, %get3A_317] {strides = array<i32>} : memref<200x128xf32, #tpu.memory_space<vmem>>, vector<1x16xf32>,
      %get3A_319 = vector.shape_cast %get3A_318 : vector<1x16xf32> to vector<16xf32>
      %add3A_320 = arith.addf %mul3A_315, %get3A_319 : vector<16xf32>
      %swap3A_321 = arith.index_cast %add3A_225 : i32 to index
      %swap3A_322 = arith.constant 80 : index
      %swap3A_323 = tpu.vector_load %arg9[%swap3A_321, %swap3A_322] {strides = array<i32>} : memref<200x128xf32, #tpu.memory_space<vmem>>, vector<1x16xf32>,
      %swap3A_324 = vector.shape_cast %swap3A_323 : vector<1x16xf32> to vector<16xf32>
      %swap3A_325 = vector.shape_cast %add3A_320 : vector<16xf32> to vector<1x16xf32>
      tpu.vector_store %arg9[%swap3A_321, %swap3A_322], %swap3A_325 {strides = array<i32>} : memref<200x128xf32, #tpu.memory_space<vmem>>, vector<1x16xf32>,
      %get3A_326 = arith.index_cast %add3A_225 : i32 to index
      %get3A_327 = arith.constant 96 : index
      %get3A_328 = tpu.vector_load %arg9[%get3A_326, %get3A_327] {strides = array<i32>} : memref<200x128xf32, #tpu.memory_space<vmem>>, vector<1x16xf32>,
      %get3A_329 = vector.shape_cast %get3A_328 : vector<1x16xf32> to vector<16xf32>
      %mul3A_330 = arith.constant 11.3137083 : f32
      %mul3A_331 = vector.broadcast %mul3A_330 : f32 to vector<16xf32>
      %mul3A_332 = arith.mulf %get3A_329, %mul3A_331 : vector<16xf32>
      %get3A_333 = arith.index_cast %add3A_225 : i32 to index
      %get3A_334 = arith.constant 96 : index
      %get3A_335 = tpu.vector_load %arg6[%get3A_333, %get3A_334] {strides = array<i32>} : memref<200x128xf32, #tpu.memory_space<vmem>>, vector<1x16xf32>,
      %get3A_336 = vector.shape_cast %get3A_335 : vector<1x16xf32> to vector<16xf32>
      %add3A_337 = arith.addf %mul3A_332, %get3A_336 : vector<16xf32>
      %swap3A_338 = arith.index_cast %add3A_225 : i32 to index
      %swap3A_339 = arith.constant 96 : index
      %swap3A_340 = tpu.vector_load %arg9[%swap3A_338, %swap3A_339] {strides = array<i32>} : memref<200x128xf32, #tpu.memory_space<vmem>>, vector<1x16xf32>,
      %swap3A_341 = vector.shape_cast %swap3A_340 : vector<1x16xf32> to vector<16xf32>
      %swap3A_342 = vector.shape_cast %add3A_337 : vector<16xf32> to vector<1x16xf32>
      tpu.vector_store %arg9[%swap3A_338, %swap3A_339], %swap3A_342 {strides = array<i32>} : memref<200x128xf32, #tpu.memory_space<vmem>>, vector<1x16xf32>,
      %get3A_343 = arith.index_cast %add3A_225 : i32 to index
      %get3A_344 = arith.constant 112 : index
      %get3A_345 = tpu.vector_load %arg9[%get3A_343, %get3A_344] {strides = array<i32>} : memref<200x128xf32, #tpu.memory_space<vmem>>, vector<1x16xf32>,
      %get3A_346 = vector.shape_cast %get3A_345 : vector<1x16xf32> to vector<16xf32>
      %mul3A_347 = arith.constant 11.3137083 : f32
      %mul3A_348 = vector.broadcast %mul3A_347 : f32 to vector<16xf32>
      %mul3A_349 = arith.mulf %get3A_346, %mul3A_348 : vector<16xf32>
      %get3A_350 = arith.index_cast %add3A_225 : i32 to index
      %get3A_351 = arith.constant 112 : index
      %get3A_352 = tpu.vector_load %arg6[%get3A_350, %get3A_351] {strides = array<i32>} : memref<200x128xf32, #tpu.memory_space<vmem>>, vector<1x16xf32>,
      %get3A_353 = vector.shape_cast %get3A_352 : vector<1x16xf32> to vector<16xf32>
      %add3A_354 = arith.addf %mul3A_349, %get3A_353 : vector<16xf32>
      %swap3A_355 = arith.index_cast %add3A_225 : i32 to index
      %swap3A_356 = arith.constant 112 : index
      %swap3A_357 = tpu.vector_load %arg9[%swap3A_355, %swap3A_356] {strides = array<i32>} : memref<200x128xf32, #tpu.memory_space<vmem>>, vector<1x16xf32>,
      %swap3A_358 = vector.shape_cast %swap3A_357 : vector<1x16xf32> to vector<16xf32>
      %swap3A_359 = vector.shape_cast %add3A_354 : vector<16xf32> to vector<1x16xf32>
      tpu.vector_store %arg9[%swap3A_355, %swap3A_356], %swap3A_359 {strides = array<i32>} : memref<200x128xf32, #tpu.memory_space<vmem>>, vector<1x16xf32>,
    }
    %scan3A_184 = arith.constant 200 : i32
    %add3A_185 = arith.constant 25200 : i32
    %add3A_186 = arith.addi %mul3A_2, %add3A_185 : i32
    %dma_start3A_187 = arith.constant 0 : i32
    %dma_start3A_188 = tpu.memref_slice %arg5[%add3A_186, %dma_start3A_187] : memref<819200x128xf32, #tpu.memory_space<hbm>> -> memref<200x128xf32, #tpu.memory_space<hbm>>
    %dma_start3A_189 = arith.constant 0 : i32
    %dma_start3A_190 = tpu.memref_slice %arg5[%add3A_186, %dma_start3A_189] : memref<819200x128xf32, #tpu.memory_space<hbm>> -> memref<200x128xf32, #tpu.memory_space<hbm>>
    tpu.enqueue_dma source(%arg9 : memref<200x128xf32, #tpu.memory_space<vmem>>) target(%dma_start3A_190 : memref<200x128xf32, #tpu.memory_space<hbm>>) target_semaphore(%arg21 : memref<!tpu.dma_semaphore, #tpu.memory_space<semaphore_mem>>)
    %dma_wait3A_191 = arith.constant 0 : i32
    %dma_wait3A_192 = arith.constant 0 : i32
    %dma_wait3A_193 = tpu.memref_slice %arg2[%dma_wait3A_191, %dma_wait3A_192] : memref<100000x128xf32, #tpu.memory_space<hbm>> -> memref<100000x128xf32, #tpu.memory_space<hbm>>
    tpu.wait_indirect_dma semaphore(%arg18 : memref<!tpu.dma_semaphore, #tpu.memory_space<semaphore_mem>>) src(%dma_wait3A_193 : memref<100000x128xf32, #tpu.memory_space<hbm>>) dst(%arg10 : memref<200x128xf32, #tpu.memory_space<vmem>>)
    %scan3A_194 = arith.constant 0 : i32
    %scan3A_195 = arith.constant 200 : i32
    %scan3A_196 = arith.addi %scan3A_194, %scan3A_195 : i32
    %scan3A_197 = arith.constant 1 : i32
    scf.for %scan3A_221 = %scan3A_194 to %scan3A_196 step %scan3A_197  : i32 {
      %mul3A_222 = arith.constant 1 : i32
      %mul3A_223 = arith.muli %scan3A_221, %mul3A_222 : i32
      %add3A_224 = arith.constant 0 : i32
      %add3A_225 = arith.addi %add3A_224, %mul3A_223 : i32
      %get3A = arith.index_cast %add3A_225 : i32 to index
      %get3A_226 = arith.constant 0 : index
      %get3A_227 = tpu.vector_load %arg10[%get3A, %get3A_226] {strides = array<i32>} : memref<200x128xf32, #tpu.memory_space<vmem>>, vector<1x16xf32>,
      %get3A_228 = vector.shape_cast %get3A_227 : vector<1x16xf32> to vector<16xf32>
      %mul3A_229 = arith.constant 11.3137083 : f32
      %mul3A_230 = vector.broadcast %mul3A_229 : f32 to vector<16xf32>
      %mul3A_231 = arith.mulf %get3A_228, %mul3A_230 : vector<16xf32>
      %get3A_232 = arith.index_cast %add3A_225 : i32 to index
      %get3A_233 = arith.constant 0 : index
      %get3A_234 = tpu.vector_load %arg6[%get3A_232, %get3A_233] {strides = array<i32>} : memref<200x128xf32, #tpu.memory_space<vmem>>, vector<1x16xf32>,
      %get3A_235 = vector.shape_cast %get3A_234 : vector<1x16xf32> to vector<16xf32>
      %add3A_236 = arith.addf %mul3A_231, %get3A_235 : vector<16xf32>
      %swap3A = arith.index_cast %add3A_225 : i32 to index
      %swap3A_237 = arith.constant 0 : index
      %swap3A_238 = tpu.vector_load %arg10[%swap3A, %swap3A_237] {strides = array<i32>} : memref<200x128xf32, #tpu.memory_space<vmem>>, vector<1x16xf32>,
      %swap3A_239 = vector.shape_cast %swap3A_238 : vector<1x16xf32> to vector<16xf32>
      %swap3A_240 = vector.shape_cast %add3A_236 : vector<16xf32> to vector<1x16xf32>
      tpu.vector_store %arg10[%swap3A, %swap3A_237], %swap3A_240 {strides = array<i32>} : memref<200x128xf32, #tpu.memory_space<vmem>>, vector<1x16xf32>,
      %get3A_241 = arith.index_cast %add3A_225 : i32 to index
      %get3A_242 = arith.constant 16 : index
      %get3A_243 = tpu.vector_load %arg10[%get3A_241, %get3A_242] {strides = array<i32>} : memref<200x128xf32, #tpu.memory_space<vmem>>, vector<1x16xf32>,
      %get3A_244 = vector.shape_cast %get3A_243 : vector<1x16xf32> to vector<16xf32>
      %mul3A_245 = arith.constant 11.3137083 : f32
      %mul3A_246 = vector.broadcast %mul3A_245 : f32 to vector<16xf32>
      %mul3A_247 = arith.mulf %get3A_244, %mul3A_246 : vector<16xf32>
      %get3A_248 = arith.index_cast %add3A_225 : i32 to index
      %get3A_249 = arith.constant 16 : index
      %get3A_250 = tpu.vector_load %arg6[%get3A_248, %get3A_249] {strides = array<i32>} : memref<200x128xf32, #tpu.memory_space<vmem>>, vector<1x16xf32>,
      %get3A_251 = vector.shape_cast %get3A_250 : vector<1x16xf32> to vector<16xf32>
      %add3A_252 = arith.addf %mul3A_247, %get3A_251 : vector<16xf32>
      %swap3A_253 = arith.index_cast %add3A_225 : i32 to index
      %swap3A_254 = arith.constant 16 : index
      %swap3A_255 = tpu.vector_load %arg10[%swap3A_253, %swap3A_254] {strides = array<i32>} : memref<200x128xf32, #tpu.memory_space<vmem>>, vector<1x16xf32>,
      %swap3A_256 = vector.shape_cast %swap3A_255 : vector<1x16xf32> to vector<16xf32>
      %swap3A_257 = vector.shape_cast %add3A_252 : vector<16xf32> to vector<1x16xf32>
      tpu.vector_store %arg10[%swap3A_253, %swap3A_254], %swap3A_257 {strides = array<i32>} : memref<200x128xf32, #tpu.memory_space<vmem>>, vector<1x16xf32>,
      %get3A_258 = arith.index_cast %add3A_225 : i32 to index
      %get3A_259 = arith.constant 32 : index
      %get3A_260 = tpu.vector_load %arg10[%get3A_258, %get3A_259] {strides = array<i32>} : memref<200x128xf32, #tpu.memory_space<vmem>>, vector<1x16xf32>,
      %get3A_261 = vector.shape_cast %get3A_260 : vector<1x16xf32> to vector<16xf32>
      %mul3A_262 = arith.constant 11.3137083 : f32
      %mul3A_263 = vector.broadcast %mul3A_262 : f32 to vector<16xf32>
      %mul3A_264 = arith.mulf %get3A_261, %mul3A_263 : vector<16xf32>
      %get3A_265 = arith.index_cast %add3A_225 : i32 to index
      %get3A_266 = arith.constant 32 : index
      %get3A_267 = tpu.vector_load %arg6[%get3A_265, %get3A_266] {strides = array<i32>} : memref<200x128xf32, #tpu.memory_space<vmem>>, vector<1x16xf32>,
      %get3A_268 = vector.shape_cast %get3A_267 : vector<1x16xf32> to vector<16xf32>
      %add3A_269 = arith.addf %mul3A_264, %get3A_268 : vector<16xf32>
      %swap3A_270 = arith.index_cast %add3A_225 : i32 to index
      %swap3A_271 = arith.constant 32 : index
      %swap3A_272 = tpu.vector_load %arg10[%swap3A_270, %swap3A_271] {strides = array<i32>} : memref<200x128xf32, #tpu.memory_space<vmem>>, vector<1x16xf32>,
      %swap3A_273 = vector.shape_cast %swap3A_272 : vector<1x16xf32> to vector<16xf32>
      %swap3A_274 = vector.shape_cast %add3A_269 : vector<16xf32> to vector<1x16xf32>
      tpu.vector_store %arg10[%swap3A_270, %swap3A_271], %swap3A_274 {strides = array<i32>} : memref<200x128xf32, #tpu.memory_space<vmem>>, vector<1x16xf32>,
      %get3A_275 = arith.index_cast %add3A_225 : i32 to index
      %get3A_276 = arith.constant 48 : index
      %get3A_277 = tpu.vector_load %arg10[%get3A_275, %get3A_276] {strides = array<i32>} : memref<200x128xf32, #tpu.memory_space<vmem>>, vector<1x16xf32>,
      %get3A_278 = vector.shape_cast %get3A_277 : vector<1x16xf32> to vector<16xf32>
      %mul3A_279 = arith.constant 11.3137083 : f32
      %mul3A_280 = vector.broadcast %mul3A_279 : f32 to vector<16xf32>
      %mul3A_281 = arith.mulf %get3A_278, %mul3A_280 : vector<16xf32>
      %get3A_282 = arith.index_cast %add3A_225 : i32 to index
      %get3A_283 = arith.constant 48 : index
      %get3A_284 = tpu.vector_load %arg6[%get3A_282, %get3A_283] {strides = array<i32>} : memref<200x128xf32, #tpu.memory_space<vmem>>, vector<1x16xf32>,
      %get3A_285 = vector.shape_cast %get3A_284 : vector<1x16xf32> to vector<16xf32>
      %add3A_286 = arith.addf %mul3A_281, %get3A_285 : vector<16xf32>
      %swap3A_287 = arith.index_cast %add3A_225 : i32 to index
      %swap3A_288 = arith.constant 48 : index
      %swap3A_289 = tpu.vector_load %arg10[%swap3A_287, %swap3A_288] {strides = array<i32>} : memref<200x128xf32, #tpu.memory_space<vmem>>, vector<1x16xf32>,
      %swap3A_290 = vector.shape_cast %swap3A_289 : vector<1x16xf32> to vector<16xf32>
      %swap3A_291 = vector.shape_cast %add3A_286 : vector<16xf32> to vector<1x16xf32>
      tpu.vector_store %arg10[%swap3A_287, %swap3A_288], %swap3A_291 {strides = array<i32>} : memref<200x128xf32, #tpu.memory_space<vmem>>, vector<1x16xf32>,
      %get3A_292 = arith.index_cast %add3A_225 : i32 to index
      %get3A_293 = arith.constant 64 : index
      %get3A_294 = tpu.vector_load %arg10[%get3A_292, %get3A_293] {strides = array<i32>} : memref<200x128xf32, #tpu.memory_space<vmem>>, vector<1x16xf32>,
      %get3A_295 = vector.shape_cast %get3A_294 : vector<1x16xf32> to vector<16xf32>
      %mul3A_296 = arith.constant 11.3137083 : f32
      %mul3A_297 = vector.broadcast %mul3A_296 : f32 to vector<16xf32>
      %mul3A_298 = arith.mulf %get3A_295, %mul3A_297 : vector<16xf32>
      %get3A_299 = arith.index_cast %add3A_225 : i32 to index
      %get3A_300 = arith.constant 64 : index
      %get3A_301 = tpu.vector_load %arg6[%get3A_299, %get3A_300] {strides = array<i32>} : memref<200x128xf32, #tpu.memory_space<vmem>>, vector<1x16xf32>,
      %get3A_302 = vector.shape_cast %get3A_301 : vector<1x16xf32> to vector<16xf32>
      %add3A_303 = arith.addf %mul3A_298, %get3A_302 : vector<16xf32>
      %swap3A_304 = arith.index_cast %add3A_225 : i32 to index
      %swap3A_305 = arith.constant 64 : index
      %swap3A_306 = tpu.vector_load %arg10[%swap3A_304, %swap3A_305] {strides = array<i32>} : memref<200x128xf32, #tpu.memory_space<vmem>>, vector<1x16xf32>,
      %swap3A_307 = vector.shape_cast %swap3A_306 : vector<1x16xf32> to vector<16xf32>
      %swap3A_308 = vector.shape_cast %add3A_303 : vector<16xf32> to vector<1x16xf32>
      tpu.vector_store %arg10[%swap3A_304, %swap3A_305], %swap3A_308 {strides = array<i32>} : memref<200x128xf32, #tpu.memory_space<vmem>>, vector<1x16xf32>,
      %get3A_309 = arith.index_cast %add3A_225 : i32 to index
      %get3A_310 = arith.constant 80 : index
      %get3A_311 = tpu.vector_load %arg10[%get3A_309, %get3A_310] {strides = array<i32>} : memref<200x128xf32, #tpu.memory_space<vmem>>, vector<1x16xf32>,
      %get3A_312 = vector.shape_cast %get3A_311 : vector<1x16xf32> to vector<16xf32>
      %mul3A_313 = arith.constant 11.3137083 : f32
      %mul3A_314 = vector.broadcast %mul3A_313 : f32 to vector<16xf32>
      %mul3A_315 = arith.mulf %get3A_312, %mul3A_314 : vector<16xf32>
      %get3A_316 = arith.index_cast %add3A_225 : i32 to index
      %get3A_317 = arith.constant 80 : index
      %get3A_318 = tpu.vector_load %arg6[%get3A_316, %get3A_317] {strides = array<i32>} : memref<200x128xf32, #tpu.memory_space<vmem>>, vector<1x16xf32>,
      %get3A_319 = vector.shape_cast %get3A_318 : vector<1x16xf32> to vector<16xf32>
      %add3A_320 = arith.addf %mul3A_315, %get3A_319 : vector<16xf32>
      %swap3A_321 = arith.index_cast %add3A_225 : i32 to index
      %swap3A_322 = arith.constant 80 : index
      %swap3A_323 = tpu.vector_load %arg10[%swap3A_321, %swap3A_322] {strides = array<i32>} : memref<200x128xf32, #tpu.memory_space<vmem>>, vector<1x16xf32>,
      %swap3A_324 = vector.shape_cast %swap3A_323 : vector<1x16xf32> to vector<16xf32>
      %swap3A_325 = vector.shape_cast %add3A_320 : vector<16xf32> to vector<1x16xf32>
      tpu.vector_store %arg10[%swap3A_321, %swap3A_322], %swap3A_325 {strides = array<i32>} : memref<200x128xf32, #tpu.memory_space<vmem>>, vector<1x16xf32>,
      %get3A_326 = arith.index_cast %add3A_225 : i32 to index
      %get3A_327 = arith.constant 96 : index
      %get3A_328 = tpu.vector_load %arg10[%get3A_326, %get3A_327] {strides = array<i32>} : memref<200x128xf32, #tpu.memory_space<vmem>>, vector<1x16xf32>,
      %get3A_329 = vector.shape_cast %get3A_328 : vector<1x16xf32> to vector<16xf32>
      %mul3A_330 = arith.constant 11.3137083 : f32
      %mul3A_331 = vector.broadcast %mul3A_330 : f32 to vector<16xf32>
      %mul3A_332 = arith.mulf %get3A_329, %mul3A_331 : vector<16xf32>
      %get3A_333 = arith.index_cast %add3A_225 : i32 to index
      %get3A_334 = arith.constant 96 : index
      %get3A_335 = tpu.vector_load %arg6[%get3A_333, %get3A_334] {strides = array<i32>} : memref<200x128xf32, #tpu.memory_space<vmem>>, vector<1x16xf32>,
      %get3A_336 = vector.shape_cast %get3A_335 : vector<1x16xf32> to vector<16xf32>
      %add3A_337 = arith.addf %mul3A_332, %get3A_336 : vector<16xf32>
      %swap3A_338 = arith.index_cast %add3A_225 : i32 to index
      %swap3A_339 = arith.constant 96 : index
      %swap3A_340 = tpu.vector_load %arg10[%swap3A_338, %swap3A_339] {strides = array<i32>} : memref<200x128xf32, #tpu.memory_space<vmem>>, vector<1x16xf32>,
      %swap3A_341 = vector.shape_cast %swap3A_340 : vector<1x16xf32> to vector<16xf32>
      %swap3A_342 = vector.shape_cast %add3A_337 : vector<16xf32> to vector<1x16xf32>
      tpu.vector_store %arg10[%swap3A_338, %swap3A_339], %swap3A_342 {strides = array<i32>} : memref<200x128xf32, #tpu.memory_space<vmem>>, vector<1x16xf32>,
      %get3A_343 = arith.index_cast %add3A_225 : i32 to index
      %get3A_344 = arith.constant 112 : index
      %get3A_345 = tpu.vector_load %arg10[%get3A_343, %get3A_344] {strides = array<i32>} : memref<200x128xf32, #tpu.memory_space<vmem>>, vector<1x16xf32>,
      %get3A_346 = vector.shape_cast %get3A_345 : vector<1x16xf32> to vector<16xf32>
      %mul3A_347 = arith.constant 11.3137083 : f32
      %mul3A_348 = vector.broadcast %mul3A_347 : f32 to vector<16xf32>
      %mul3A_349 = arith.mulf %get3A_346, %mul3A_348 : vector<16xf32>
      %get3A_350 = arith.index_cast %add3A_225 : i32 to index
      %get3A_351 = arith.constant 112 : index
      %get3A_352 = tpu.vector_load %arg6[%get3A_350, %get3A_351] {strides = array<i32>} : memref<200x128xf32, #tpu.memory_space<vmem>>, vector<1x16xf32>,
      %get3A_353 = vector.shape_cast %get3A_352 : vector<1x16xf32> to vector<16xf32>
      %add3A_354 = arith.addf %mul3A_349, %get3A_353 : vector<16xf32>
      %swap3A_355 = arith.index_cast %add3A_225 : i32 to index
      %swap3A_356 = arith.constant 112 : index
      %swap3A_357 = tpu.vector_load %arg10[%swap3A_355, %swap3A_356] {strides = array<i32>} : memref<200x128xf32, #tpu.memory_space<vmem>>, vector<1x16xf32>,
      %swap3A_358 = vector.shape_cast %swap3A_357 : vector<1x16xf32> to vector<16xf32>
      %swap3A_359 = vector.shape_cast %add3A_354 : vector<16xf32> to vector<1x16xf32>
      tpu.vector_store %arg10[%swap3A_355, %swap3A_356], %swap3A_359 {strides = array<i32>} : memref<200x128xf32, #tpu.memory_space<vmem>>, vector<1x16xf32>,
    }
    %scan3A_198 = arith.constant 200 : i32
    %add3A_199 = arith.constant 25400 : i32
    %add3A_200 = arith.addi %mul3A_2, %add3A_199 : i32
    %dma_start3A_201 = arith.constant 0 : i32
    %dma_start3A_202 = tpu.memref_slice %arg5[%add3A_200, %dma_start3A_201] : memref<819200x128xf32, #tpu.memory_space<hbm>> -> memref<200x128xf32, #tpu.memory_space<hbm>>
    %dma_start3A_203 = arith.constant 0 : i32
    %dma_start3A_204 = tpu.memref_slice %arg5[%add3A_200, %dma_start3A_203] : memref<819200x128xf32, #tpu.memory_space<hbm>> -> memref<200x128xf32, #tpu.memory_space<hbm>>
    tpu.enqueue_dma source(%arg10 : memref<200x128xf32, #tpu.memory_space<vmem>>) target(%dma_start3A_204 : memref<200x128xf32, #tpu.memory_space<hbm>>) target_semaphore(%arg22 : memref<!tpu.dma_semaphore, #tpu.memory_space<semaphore_mem>>)
    %dma_wait3A_205 = arith.constant 0 : i32
    %dma_wait3A_206 = tpu.memref_slice %arg5[%mul3A_2, %dma_wait3A_205] : memref<819200x128xf32, #tpu.memory_space<hbm>> -> memref<200x128xf32, #tpu.memory_space<hbm>>
    %dma_wait3A_207 = arith.constant 0 : i32
    %dma_wait3A_208 = tpu.memref_slice %arg5[%mul3A_2, %dma_wait3A_207] : memref<819200x128xf32, #tpu.memory_space<hbm>> -> memref<200x128xf32, #tpu.memory_space<hbm>>
    tpu.wait_dma2 semaphore(%arg19 : memref<!tpu.dma_semaphore, #tpu.memory_space<semaphore_mem>>) src(%arg7 : memref<200x128xf32, #tpu.memory_space<vmem>>) dst(%dma_wait3A_208 : memref<200x128xf32, #tpu.memory_space<hbm>>)
    %dma_wait3A_209 = arith.constant 0 : i32
    %dma_wait3A_210 = tpu.memref_slice %arg5[%mul3A_2, %dma_wait3A_209] : memref<819200x128xf32, #tpu.memory_space<hbm>> -> memref<200x128xf32, #tpu.memory_space<hbm>>
    %dma_wait3A_211 = arith.constant 0 : i32
    %dma_wait3A_212 = tpu.memref_slice %arg5[%mul3A_2, %dma_wait3A_211] : memref<819200x128xf32, #tpu.memory_space<hbm>> -> memref<200x128xf32, #tpu.memory_space<hbm>>
    tpu.wait_dma2 semaphore(%arg20 : memref<!tpu.dma_semaphore, #tpu.memory_space<semaphore_mem>>) src(%arg8 : memref<200x128xf32, #tpu.memory_space<vmem>>) dst(%dma_wait3A_212 : memref<200x128xf32, #tpu.memory_space<hbm>>)
    %dma_wait3A_213 = arith.constant 0 : i32
    %dma_wait3A_214 = tpu.memref_slice %arg5[%mul3A_2, %dma_wait3A_213] : memref<819200x128xf32, #tpu.memory_space<hbm>> -> memref<200x128xf32, #tpu.memory_space<hbm>>
    %dma_wait3A_215 = arith.constant 0 : i32
    %dma_wait3A_216 = tpu.memref_slice %arg5[%mul3A_2, %dma_wait3A_215] : memref<819200x128xf32, #tpu.memory_space<hbm>> -> memref<200x128xf32, #tpu.memory_space<hbm>>
    tpu.wait_dma2 semaphore(%arg21 : memref<!tpu.dma_semaphore, #tpu.memory_space<semaphore_mem>>) src(%arg9 : memref<200x128xf32, #tpu.memory_space<vmem>>) dst(%dma_wait3A_216 : memref<200x128xf32, #tpu.memory_space<hbm>>)
    %dma_wait3A_217 = arith.constant 0 : i32
    %dma_wait3A_218 = tpu.memref_slice %arg5[%mul3A_2, %dma_wait3A_217] : memref<819200x128xf32, #tpu.memory_space<hbm>> -> memref<200x128xf32, #tpu.memory_space<hbm>>
    %dma_wait3A_219 = arith.constant 0 : i32
    %dma_wait3A_220 = tpu.memref_slice %arg5[%mul3A_2, %dma_wait3A_219] : memref<819200x128xf32, #tpu.memory_space<hbm>> -> memref<200x128xf32, #tpu.memory_space<hbm>>
    tpu.wait_dma2 semaphore(%arg22 : memref<!tpu.dma_semaphore, #tpu.memory_space<semaphore_mem>>) src(%arg10 : memref<200x128xf32, #tpu.memory_space<vmem>>) dst(%dma_wait3A_220 : memref<200x128xf32, #tpu.memory_space<hbm>>)
    return
  }
}

</mosaic_0001>

<sc_bundles>
// kernel: kernel.3.cloned.1.call-start
scs
__scs_entry_jumppad:
0x0: {  	(pc) =	sbr.rel $0x88, $3  }
0x1: {  	(tag) =	ssettag $0x0;
	lr =	simm.s32 $0x1  }
0x2: {  	[smem:$0x3F9F] =	sst lr;
	_ =	strace $0xD0000000  }
0x3: {  	_ = 	snop  }
0x4: {  	_ = 	snop  }
0x5: {  	_ = 	snop  }
0x6: {  	_ = 	snop  }
0x7: {  	_ = 	snop  }
__scs_overlays_trampoline_lowered:
0x8: {  	[smem:$0x3FAE] =	sst s0  }
0x9: {  	[smem:$0x3FAF] =	sst s1  }
0xa: {  	[smem:$0x3FB0] =	sst s2  }
0xb: {  	[smem:$0x3FB1] =	sst s3  }
0xc: {  	[smem:$0x3FB2] =	sst s4  }
0xd: {  	[smem:$0x3FB3] =	sst s5  }
0xe: {  	[smem:$0x3FB4] =	sst s6  }
0xf: {  	[smem:$0x3FB5] =	sst s7  }
0x10: {  	[smem:$0x3FB6] =	sst s8  }
0x11: {  	[smem:$0x3FB7] =	sst s9;
	s0 =	simm.s32 @!p0 $0x0  }
0x12: {  	s1 =	sld [smem:$0x3F9D];
	s0 =	simm.s32 @p0 $0x1  }
0x13: {  	[smem:$0x3FB8] =	sst s0;
	s0 =	simm.s32 @!p1 $0x0  }
0x14: {  	s2 =	sld [smem:$0x3F9C];
	s0 =	simm.s32 @p1 $0x1  }
0x15: {  	[smem:$0x3FB9] =	sst s0;
	s0 =	simm.s32 @!p2 $0x0  }
0x16: {  	s3 =	sld [smem:$0x3FDB];
	s0 =	simm.s32 @p2 $0x1  }
0x17: {  	s4 =	simm.s32 $0x1BF5;
	[smem:$0x3FBB] =	sst s0  }
0x18: {  	s0 =	sld [smem:$0x3F9E];
	_ =	swait.ge [sflag:s4], $0x0  }
0x19: {  	s7 =	sld [smem:$0x3F9F]  }
0x1a: {  	s8 =	sadd.s32 $0xFFFFE003, lr  }
0x1b: {  	s9 =	sadd.s32 $0xFFFFFEF7, lr;
	s5 =	simm.s32 $0xFFFFFFFF;
	p2 =	slt.u32 s8, $0xFFFFF086  }
0x1c: {  	p1 =	slt.u32 s9, $0xF7A;
	s5 =	simm.s32 @!p2 $0x0  }
0x1d: {  	s5 =	simm.s32 @p1 $0x1;
	p0 =	seq.s32 s7, s2  }
0x1e: {  	s7 =	smul.u32 @!p0 $0xF7A, s2;
	p2 =	seq.s32 @!p0 s5, $0x0  }
0x1f: {  	s9 =	smul.u32 $0xF7A, s1;
	s8 =	simm.s32 @!p0 $0x1BF5;
	p2 =	por !p2, p0  }
0x20: {  	[sflag:s8] =	ssyncset.s32 @!p0 $0xFFFFF086;
	s6 =	sadd.s32 @!p0 s3, s7;
	s7 =	simm.s32 @!p0 $0x108  }
0x21: {  	s3 =	sadd.s32 s3, s9;
	s6 =	sadd.s32 @!p0 $0x88, s6;
	s7 =	simm.s32 @p2 $0x1082  }
0x22: {  	[simem:s7], [sflag:s8] =	dma.local @!p0 [hbm:s6], $0xF7A  }
0x23: {  	s9 =	sor.u32 $0xD0000000, s2;
	s6 =	simm.s32 $0x108;
	_ =	swait.ge @!p0 [sflag:s8], $0x0  }
0x24: {  	s3 =	sadd.s32 $0x88, s3;
	s6 =	simm.s32 @!p1 $0x1082;
	[sflag:s4] =	ssyncset.s32 $0xFFFFF086  }
0x25: {  	[simem:s6], [sflag:s4] =	dma.local [hbm:s3], $0xF7A  }
0x26: {  	[smem:$0x3F9F] =	sst s1;
	(tag) =	ssettag s2;
	_ =	strace s9  }
0x27: {  	s1 =	sld [smem:$0x3FAF]  }
0x28: {  	s2 =	sld [smem:$0x3FB0]  }
0x29: {  	s4 =	sld [smem:$0x3FB2]  }
0x2a: {  	p0 =	seq.s32 s5, $0x0;
	s5 =	sld [smem:$0x3FB3]  }
0x2b: {  	s6 =	sld [smem:$0x3FB4]  }
0x2c: {  	s7 =	sld [smem:$0x3FB5]  }
0x2d: {  	s3 =	simm.s32 $0x108;
	s8 =	sld [smem:$0x3FB6]  }
0x2e: {  	s3 =	simm.s32 @!p0 $0x1082;
	s9 =	sld [smem:$0x3FB7]  }
0x2f: {  	lr =	sadd.s32 s0, s3;
	s0 =	sld [smem:$0x3FAE]  }
0x30: {  	s3 =	sld [smem:$0x3FB1]  }
0x31: {  	[smem:$0x3FBA] =	sst s10  }
0x32: {  	s10 =	sld [smem:$0x3FB8];
	_ =	sdelay $0x3  }
0x33: {  	p0 =	seq.s32 s10, $0x1;
	s10 =	sld [smem:$0x3FBA];
	_ =	sdelay $0x3  }
0x34: {  	[smem:$0x3FBA] =	sst s10  }
0x35: {  	s10 =	sld [smem:$0x3FB9];
	_ =	sdelay $0x3  }
0x36: {  	p1 =	seq.s32 s10, $0x1;
	s10 =	sld [smem:$0x3FBA];
	_ =	sdelay $0x3  }
0x37: {  	[smem:$0x3FBA] =	sst s10  }
0x38: {  	s10 =	sld [smem:$0x3FBB]  }
0x39: {  	_ = 	snop;
	(pc) =	sbr.ind lr, $3  }
0x3a: {  	_ = 	snop  }
0x3b: {  	_ = 	snop  }
0x3c: {  	p2 =	seq.s32 s10, $0x1;
	s10 =	sld [smem:$0x3FBA]  }
0x3d: {  	_ =	shalt  }
0x3e: {  	_ =	shalt  }
0x3f: {  	_ =	shalt  }
0x40: {  	_ =	shalt  }
0x41: {  	_ =	shalt  }
0x42: {  	_ =	shalt  }
0x43: {  	_ =	shalt  }
0x44: {  	_ =	shalt  }
0x45: {  	_ =	shalt  }
0x46: {  	_ =	shalt  }
0x47: {  	_ =	shalt  }
0x48: {  	_ =	shalt  }
0x49: {  	_ =	shalt  }
0x4a: {  	_ =	shalt  }
0x4b: {  	_ =	shalt  }
0x4c: {  	_ =	shalt  }
0x4d: {  	_ =	shalt  }
0x4e: {  	_ =	shalt  }
0x4f: {  	_ =	shalt  }
0x50: {  	_ =	shalt  }
0x51: {  	_ =	shalt  }
0x52: {  	_ =	shalt  }
0x53: {  	_ =	shalt  }
0x54: {  	_ =	shalt  }
0x55: {  	_ =	shalt  }
0x56: {  	_ =	shalt  }
0x57: {  	_ =	shalt  }
0x58: {  	_ =	shalt  }
0x59: {  	_ =	shalt  }
0x5a: {  	_ =	shalt  }
0x5b: {  	_ =	shalt  }
0x5c: {  	_ =	shalt  }
0x5d: {  	_ =	shalt  }
0x5e: {  	_ =	shalt  }
0x5f: {  	_ =	shalt  }
0x60: {  	_ =	shalt  }
0x61: {  	_ =	shalt  }
0x62: {  	_ =	shalt  }
0x63: {  	_ =	shalt  }
0x64: {  	_ =	shalt  }
0x65: {  	_ =	shalt  }
0x66: {  	_ =	shalt  }
0x67: {  	_ =	shalt  }
0x68: {  	_ =	shalt  }
0x69: {  	_ =	shalt  }
0x6a: {  	_ =	shalt  }
0x6b: {  	_ =	shalt  }
0x6c: {  	_ =	shalt  }
0x6d: {  	_ =	shalt  }
0x6e: {  	_ =	shalt  }
0x6f: {  	_ =	shalt  }
0x70: {  	_ =	shalt  }
0x71: {  	_ =	shalt  }
0x72: {  	_ =	shalt  }
0x73: {  	_ =	shalt  }
0x74: {  	_ =	shalt  }
0x75: {  	_ =	shalt  }
0x76: {  	_ =	shalt  }
0x77: {  	_ =	shalt  }
0x78: {  	_ =	shalt  }
0x79: {  	_ =	shalt  }
0x7a: {  	_ =	shalt  }
0x7b: {  	_ =	shalt  }
0x7c: {  	_ =	shalt  }
0x7d: {  	_ =	shalt  }
0x7e: {  	_ =	shalt  }
0x7f: {  	_ =	shalt  }
0x80: {  	_ =	shalt  }
0x81: {  	_ =	shalt  }
0x82: {  	_ =	shalt  }
0x83: {  	_ =	shalt  }
0x84: {  	_ =	shalt  }
0x85: {  	_ =	shalt  }
0x86: {  	_ =	shalt  }
0x87: {  	_ =	shalt  }
.Lfunc_end0:
.L_simem_size_0:
called_computation_lowered:
.L_overlay_start_0:
0x88: {  	s2 =	sld [smem:$0x3FD9]  }
0x89: {  	s3 =	sld [smem:$0x3FFE];
	_ =	sdelay $0x1  }
0x8a: {  	s1 =	srdreg.scid  }
0x8b: {  	s0 =	sand.u32 $0x1, s1  }
0x8c: {  	s17 =	sshll.u32 s0, $0xA;
	s2 =	sadd.s32 s3, s2  }
0x8d: {  	s2 =	sadd.s32 s2, s17  }
0x8e: {  	[smem:$0x3FC6] =	sst s2  }
0x8f: {  	_ = 	snop  }
0x90: {  	s2 =	sld [smem:$0x3FC8]  }
0x91: {  	s18 =	sld [smem:$0x3FD0];
	(tm) =	ssettm $0x1  }
0x92: {  	s4 =	sld [smem:$0x3FFB];
	_ =	sdelay $0x3  }
0x93: {  	_ =	strace s4  }
0x94: {  	s4 =	sld [smem:$0x3FFC];
	_ =	sdelay $0x3  }
0x95: {  	_ =	strace s4  }
0x96: {  	s4 =	sld [smem:$0x3FFD];
	_ =	sdelay $0x3  }
0x97: {  	_ =	strace s4  }
0x98: {  	_ =	strace $0x8FFFFFFF  }
0x99: {  	s19 =	sld [smem:$0x3FDB];
	_ =	sdelay $0x1  }
0x9a: {  	s5 =	simm.s32 $_scs_section_size  }
0x9b: {  	s6 =	simm.s32 $_size__tile_overlayer_lowered;
	s7 =	simm.s32 $_tile_overlayer_lowered  }
0x9c: {  	s22 =	simm.s32 $0x1BFF;
	s21 =	sshll.u32 s7, $0x1;
	s4 =	sadd.s32 s5, s19  }
0x9d: {  	s8 =	simm.s32 $0x0;
	s20 =	sshll.u32 s6, $0x1;
	s6 =	sadd.s32 s21, s4  }
0x9e: {  	[timem:s8], [sflag:s22] =	dma.local [hbm:s6], s20  }
0x9f: {  	_ =	swait.ge [sflag:s22], s20  }
0xa0: {  	s5 =	ssub.s32 $0x0, s20;
	[sflag:s22] =	ssyncset.done $0x0  }
0xa1: {  	[sflag:s22] =	ssyncadd.s32 s5;
	_ =	sdelay $0x1  }
0xa2: {  	s23 =	simm.s32 $0x1B8B  }
0xa3: {  	_ =	swait.ge [sflag:s23], $0x1  }
0xa4: {  	[sflag:s23] =	ssyncset.done $0x0  }
0xa5: {  	s25 =	simm.s32 $0x1B8E;
	s24 =	sld [smem:$0x3FFE];
	[sflag:s23] =	ssyncadd.s32 $0xFFFFFFFF  }
0xa6: {  	s26 =	simm.s32 $execute0_lowered;
	[smem:$0x3FD2] =	sst s25  }
0xa7: {  	s6 =	sshll.u32 s26, $0x1;
	_ =	strace $0x80000046;
	[dreg:$0x1] =	wrdreg $0xFFFFFFFF  }
0xa8: {  	s28 =	simm.s32 $_size_execute0_lowered;
	s4 =	sadd.s32 s4, s6;
	[dreg:$0x0] =	wrdreg $0x0  }
0xa9: {  	s6 =	sshll.u32 s28, $0x1;
	[dreg:$0x2] =	wrdreg s4  }
0xaa: {  	[dreg:$0x3] =	wrdreg s6  }
0xab: {  	[dreg:$0x4] =	wrdreg $0xC0  }
0xac: {  	_ =	task [dreg:s8], $0x5FFFF  }
0xad: {  	[dreg:$0x1] =	wrdreg $0xFFFFFFFF  }
0xae: {  	[dreg:$0x0] =	wrdreg $0x60  }
0xaf: {  	[dreg:$0x2] =	wrdreg s2  }
0xb0: {  	[dreg:$0x3] =	wrdreg s24  }
0xb1: {  	[dreg:$0x4] =	wrdreg s18  }
0xb2: {  	[dreg:$0x5] =	wrdreg $0x9  }
0xb3: {  	_ =	task.clear_ibuf [dreg:s8], $0x6FFFF;
	_ =	strace $0x90000046  }
0xb4: {  	s29 =	simm.s32 $0x9;
	_ =	strace $0x80000048  }
0xb5: {  	_ =	swait.ge [sflag:s29], $0x1  }
0xb6: {  	[sflag:s29] =	ssyncadd.s32 $0xFFFFFFFF  }
0xb7: {  	_ =	strace $0x90000048  }
0xb8: {  	_ =	sfence  }
0xb9: {  	s30 =	sld [smem:$0x0];
	_ =	sdelay $0x2  }
0xba: {  	s31 =	sshll.u32 s1, $0xD;
	s1 =	sshrl.u32 s1, $0x2  }
0xbb: {  	s3 =	sand.u32 $0x4000, s31;
	s1 =	sadd.s32 s1, s30  }
0xbc: {  	s0 =	sor.u32 s3, s0;
	s1 =	sshll.u32 s1, $0x11  }
0xbd: {  	s0 =	sor.u32 s1, s0  }
0xbe: {  	s0 =	sadd.s32 $0x8F2B, s0  }
0xbf: {  	[sflag:s0] =	ssyncadd.remote.s32 $0x1  }
0xc0: {  	_ =	sfence.sel $0xFFFF  }
0xc1: {  	[dreg:$0x0] =	wrdreg $0xFFFFFFFF;
	(pc) =	sbr.abs _section_cstart, $3  }
0xc2: {  	[dreg:$0x1] =	wrdreg $0xFFFFFFFF  }
0xc3: {  	_ =	task.clear_ibuf [dreg:s8], $0x2FFFF;
	_ =	strace $0x9FFFFFFF  }
0xc4: {  	(tm) =	ssettm $0x7FFFFFFF  }
0xc5: {  	_ =	shalt  }
tec
execute0_lowered:
.L_overlay_start_1:
0x0: {  	(tag) =	ssettag $0x1  }
0x1: {  	s1 =	rddreg [dreg:$0x0]  }
0x2: {  	s3 =	rddreg [dreg:$0x1]  }
0x3: {  	s0 =	srdreg.scid;
	s2 =	stileid.u32  }
0x4: {  	s4 =	rddreg [dreg:$0x2];
	s5 =	simm.s32 $0x0;
	s28 =	simm.s32 $0x19000  }
0x5: {  	s29 =	simm.s32 $0x3;
	s0 =	sand.u32 $0x1, s0;
	s2 =	sshll.u32 s2, $0x1  }
0x6: {  	s30 =	simm.s32 $0x5;
	[smem:$0x7FF] =	sst s5;
	s2 =	sor.u32 s0, s2  }
0x7: {  	s7 =	sadd.s32 $0xE00, s3;
	s0 =	ssub.s32 $0x2, s0;
	s10 =	smul.u32 $0x6400, s2  }
0x8: {  	_ =	strace $0x80000047;
	s24 =	sshrl.u32 s0, $0x1;
	s9 =	smul.u32 $0x64000, s2  }
0x9: {  	s2 =	smul.u32 $0x320000, s2;
	s0 =	ssub.s32 s0, s24;
	s12 =	sor.u32 $0xC8, s10  }
0xa: {  	s6 =	sshrl.u32 s10, $0x3;
	s13 =	sor.u32 $0x190, s10;
	[dreg:$0x5] =	wrdreg s12  }
0xb: {  	s14 =	sor.u32 $0x258, s10;
	s19 =	sadd.s32 $0x578, s10;
	[dreg:$0x6] =	wrdreg s13  }
0xc: {  	s2 =	sshrl.u32 s2, $0x3;
	s0 =	smax.u32 s0, $0x1;
	[dreg:$0x7] =	wrdreg s14  }
0xd: {  	s11 =	sadd.s32 s7, s6;
	s25 =	sshrl.u32 s12, $0x3;
	[dreg:$0x10] =	wrdreg s19  }
0xe: {  	s26 =	sshrl.u32 s13, $0x3;
	s8 =	sshrl.u32 s14, $0x3;
	[dreg:$0x17] =	wrdreg s0  }
0xf: {  	s15 =	sshll.u32 s13, $0x4;
	s3 =	sadd.s32 s7, s25;
	[dreg:$0x4] =	wrdreg s11  }
0x10: {  	s18 =	sshll.u32 s14, $0x4;
	s31 =	sadd.s32 s7, s26;
	[dreg:$0x8] =	wrdreg s3  }
0x11: {  	s20 =	sshrl.u32 s19, $0x3;
	s6 =	sadd.s32 s7, s8;
	[dreg:$0x9] =	wrdreg s31  }
0x12: {  	s2 =	sadd.s32 s4, s2;
	s8 =	sadd.s32 s4, s9;
	[dreg:$0xa] =	wrdreg s6  }
0x13: {  	s9 =	sshll.u32 s12, $0x4;
	s12 =	sadd.s32 $0x4B0, s10;
	[dreg:$0xb] =	wrdreg s8  }
0x14: {  	s13 =	simm.s32 $0x1F600;
	s16 =	sadd.s32 s4, s15;
	[dreg:$0xc] =	wrdreg s12  }
0x15: {  	s14 =	simm.s32 $0x1F700;
	s21 =	sadd.s32 $0x60E00, s2;
	[dreg:$0xe] =	wrdreg s16  }
0x16: {  	s19 =	simm.s32 $0xA;
	s22 =	sadd.s32 $0x61A80, s2;
	[dreg:$0x13] =	wrdreg s21  }
0x17: {  	s0 =	simm.s32 $0x6;
	s23 =	sadd.s32 $0x62700, s2;
	[dreg:$0x14] =	wrdreg s22  }
0x18: {  	s2 =	sadd.s32 $0x63380, s2;
	s24 =	sadd.s32 $0x64, s11;
	[dreg:$0x15] =	wrdreg s23  }
0x19: {  	s25 =	sadd.s32 $0x7D, s11;
	s26 =	sor.u32 $0x320, s10;
	[dreg:$0x16] =	wrdreg s2  }
0x1a: {  	s15 =	simm.s32 $0x9;
	s11 =	simm.s32 $0x0;
	[dreg:$0x18] =	wrdreg s24  }
0x1b: {  	s8 =	sshrl.u32 s12, $0x3;
	s3 =	sadd.s32 s4, s9;
	[dreg:$0x19] =	wrdreg s25  }
0x1c: {  	[dreg:$0x1a] =	wrdreg s26;
	s2 =	smov.u32 s10;
	s31 =	sor.u32 $0x3E8, s10  }
0x1d: {  	s12 =	simm.s32 $0x1F500;
	s21 =	simm.s32 $0xC800;
	s22 =	simm.s32 $0x1  }
0x1e: {  	s23 =	simm.s32 $0xB;
	s24 =	simm.s32 $0x12C00;
	s25 =	simm.s32 $0x2  }
0x1f: {  	s26 =	simm.s32 $0xC;
	s9 =	simm.s32 $0x7;
	[dreg:$0xd] =	wrdreg s3  }
0x20: {  	s6 =	simm.s32 $0x8;
	s17 =	sadd.s32 s7, s8;
	[dreg:$0x1b] =	wrdreg s31  }
0x21: {  	s3 =	sadd.s32 s4, s18;
	s18 =	simm.s32 $0x6400;
	[dreg:$0xf] =	wrdreg s17  }
0x22: {  	s8 =	simm.s32 $0x4;
	[dreg:$0x11] =	wrdreg s3;
	s3 =	sadd.s32 s7, s20  }
0x23: {  	s17 =	simm.s32 $0xC8;
	[dreg:$0x12] =	wrdreg s3;
	s3 =	simm.s32 $0x1F400  }
.LBB2_1:
0x24: {  	[dreg:$0x1c] =	wrdreg s11  }
0x25: {  	s10 =	rddreg [dreg:$0x1];
	s31 =	simm.s32 $0xD  }
0x26: {  	[tilespmem:s5], [sflag:$0xD] =	stream.linear.gather [hbm4b:s10+s5], $0x6400, $0x38;
	[tilespmem:$0x1F800] =	vst v63  }
0x27: {  	_ =	swait.ge [sflag:s31], $0x6400  }
0x28: {  	[sflag:s31] =	ssyncset.done $0x0  }
0x29: {  	s11 =	rddreg [dreg:$0x4];
	[sflag:s31] =	ssyncadd.s32 $0xFFFF9C00  }
0x2a: {  	[tilespmem:s3], [sflag:$0x9] =	stream.linear.gather [hbm4b:s11+s5], $0xC8, $0x38;
	[tilespmem:$0x1F800] =	vst v63  }
0x2b: {  	s16 =	rddreg [dreg:$0x8]  }
0x2c: {  	[tilespmem:s12], [sflag:$0xA] =	stream.linear.gather [hbm4b:s16+s5], $0xC8, $0x38;
	[tilespmem:$0x1F800] =	vst v63  }
0x2d: {  	s20 =	rddreg [dreg:$0x9]  }
0x2e: {  	[tilespmem:s13], [sflag:$0xB] =	stream.linear.gather [hbm4b:s20+s5], $0xC8, $0x38;
	[tilespmem:$0x1F800] =	vst v63  }
0x2f: {  	s31 =	rddreg [dreg:$0xa]  }
0x30: {  	[tilespmem:s14], [sflag:$0xC] =	stream.linear.gather [hbm4b:s31+s5], $0xC8, $0x38;
	[tilespmem:$0x1F800] =	vst v63  }
0x31: {  	_ =	swait.ge [sflag:s15], $0xC8  }
0x32: {  	[sflag:s15] =	ssyncset.done $0x0  }
0x33: {  	[sflag:s15] =	ssyncadd.s32 $0xFFFFFF38  }
0x34: {  	[tilespmem:s18], [sflag:$0x1] =	stream.indirect.gather [hbm4b:s1+s17], $0x80, s3, s17, $0xb8;
	[tilespmem:$0x1F800] =	vst v63  }
0x35: {  	_ =	swait.ge [sflag:s19], $0xC8  }
0x36: {  	[sflag:s19] =	ssyncset.done $0x0  }
0x37: {  	[sflag:s19] =	ssyncadd.s32 $0xFFFFFF38  }
0x38: {  	[tilespmem:s21], [sflag:$0x2] =	stream.indirect.gather [hbm4b:s1+s17], $0x80, s12, s17, $0xb8;
	[tilespmem:$0x1F800] =	vst v63  }
0x39: {  	_ =	swait.ge [sflag:s22], $0x6400  }
0x3a: {  	[sflag:s22] =	ssyncset.done $0x0  }
0x3b: {  	s10 =	simm.s32 $0x0;
	[sflag:s22] =	ssyncadd.s32 $0xFFFF9C00  }
0x3c: {  	v5 =	vld [tilespmem:s10+$0x0]  }
0x3d: {  	v4 =	vld [tilespmem:s10+$0x10]  }
0x3e: {  	v3 =	vld [tilespmem:s10+$0x20]  }
0x3f: {  	v2 =	vld [tilespmem:s10+$0x30]  }
0x40: {  	v1 =	vld [tilespmem:s10+$0x40]  }
0x41: {  	v0 =	vld [tilespmem:s10+$0x50]  }
0x42: {  	v6 =	vld [tilespmem:s10+$0x6400]  }
0x43: {  	v11 =	vld [tilespmem:s10+$0x6410]  }
0x44: {  	v10 =	vld [tilespmem:s10+$0x6420]  }
0x45: {  	v9 =	vld [tilespmem:s10+$0x6430]  }
0x46: {  	v8 =	vld [tilespmem:s10+$0x6440]  }
0x47: {  	v7 =	vld [tilespmem:s10+$0x6450];
	v12 =	vmul.f32 $1.131370830e+01, v6  }
0x48: {  	s11 =	simm.s32 $0x200;
	v11 =	vmul.f32 $1.131370830e+01, v11;
	v6 =	vld [tilespmem:s10+$0x6460]  }
.LBB2_2:
0x49: {  	p0 =	sne.s32 s11, $0x18E00;
	v5 =	vadd.f32 v5, v12;
	v10 =	vmul.f32 $1.131370830e+01, v10;
	v12 =	vld [tilespmem:s10+$0x6470]  }
0x4a: {  	v4 =	vadd.f32 v4, v11;
	v9 =	vmul.f32 $1.131370830e+01, v9;
	v11 =	vld [tilespmem:s10+$0x60]  }
0x4b: {  	s16 =	sshra.s32 s11, $0x2;
	[tilespmem:s10+$0x6400] =	vst v5;
	v3 =	vadd.f32 v3, v10;
	v8 =	vmul.f32 $1.131370830e+01, v8;
	v10 =	vld [tilespmem:s10+$0x70]  }
0x4c: {  	v5 =	vld [tilespmem:s16+$0x0];
	[tilespmem:s10+$0x6410] =	vst v4;
	v2 =	vadd.f32 v2, v9;
	v7 =	vmul.f32 $1.131370830e+01, v7  }
0x4d: {  	v4 =	vld [tilespmem:s16+$0x10];
	[tilespmem:s10+$0x6420] =	vst v3;
	v1 =	vadd.f32 v1, v8;
	v6 =	vmul.f32 $1.131370830e+01, v6  }
0x4e: {  	v3 =	vld [tilespmem:s16+$0x20];
	[tilespmem:s10+$0x6430] =	vst v2;
	v0 =	vadd.f32 v0, v7;
	v7 =	vmul.f32 $1.131370830e+01, v12  }
0x4f: {  	v2 =	vld [tilespmem:s16+$0x30];
	[tilespmem:s10+$0x6440] =	vst v1;
	v6 =	vadd.f32 v11, v6  }
0x50: {  	v1 =	vld [tilespmem:s16+$0x40];
	[tilespmem:s10+$0x6450] =	vst v0;
	v7 =	vadd.f32 v10, v7  }
0x51: {  	v0 =	vld [tilespmem:s16+$0x50];
	[tilespmem:s10+$0x6460] =	vst v6  }
0x52: {  	v6 =	vld [tilespmem:s16+$0x6400];
	[tilespmem:s10+$0x6470] =	vst v7;
	s10 =	smov.u32 s16  }
0x53: {  	v11 =	vld [tilespmem:s10+$0x6410]  }
.Ltmp0:
0x54: {  	v10 =	vld [tilespmem:s10+$0x6420];
	(pc) =	sbr.rel @p0 .LBB2_2-.Ltmp0, $4  }
0x55: {  	v9 =	vld [tilespmem:s10+$0x6430]  }
0x56: {  	v8 =	vld [tilespmem:s10+$0x6440]  }
0x57: {  	v12 =	vmul.f32 $1.131370830e+01, v6;
	v7 =	vld [tilespmem:s10+$0x6450]  }
0x58: {  	s11 =	sadd.s32 $0x200, s11;
	v11 =	vmul.f32 $1.131370830e+01, v11;
	v6 =	vld [tilespmem:s10+$0x6460]  }
0x59: {  	v5 =	vadd.f32 v5, v12;
	v12 =	vld [tilespmem:s10+$0x6470];
	v10 =	vmul.f32 $1.131370830e+01, v10  }
0x5a: {  	v13 =	vld [tilespmem:s10+$0x60];
	v4 =	vadd.f32 v4, v11;
	v9 =	vmul.f32 $1.131370830e+01, v9  }
0x5b: {  	[tilespmem:s10+$0x6400] =	vst v5;
	v3 =	vadd.f32 v3, v10;
	v5 =	vmul.f32 $1.131370830e+01, v8;
	v8 =	vld [tilespmem:s10+$0x70]  }
0x5c: {  	[tilespmem:s10+$0x6410] =	vst v4;
	v2 =	vadd.f32 v2, v9;
	v4 =	vmul.f32 $1.131370830e+01, v7  }
0x5d: {  	[tilespmem:s10+$0x6420] =	vst v3;
	v1 =	vadd.f32 v1, v5;
	v3 =	vmul.f32 $1.131370830e+01, v6  }
0x5e: {  	[tilespmem:s10+$0x6430] =	vst v2;
	v0 =	vadd.f32 v0, v4;
	v2 =	vmul.f32 $1.131370830e+01, v12  }
0x5f: {  	[tilespmem:s10+$0x6440] =	vst v1;
	v1 =	vadd.f32 v13, v3  }
0x60: {  	[tilespmem:s10+$0x6450] =	vst v0;
	v0 =	vadd.f32 v8, v2  }
0x61: {  	[tilespmem:s10+$0x6460] =	vst v1  }
0x62: {  	s20 =	simm.s32 $0x0;
	s11 =	rddreg [dreg:$0xb];
	[tilespmem:s10+$0x6470] =	vst v0  }
0x63: {  	[hbm4b:s11+s20] =	stream.linear.scatter [tilespmem:s18], [sflag:$0x5], $0x6400, $0x38;
	[tilespmem:$0x1F800] =	vst v63  }
0x64: {  	s31 =	rddreg [dreg:$0x18]  }
0x65: {  	[tilespmem:s3], [sflag:$0x9] =	stream.linear.gather [hbm4b:s31+s20], $0xC8, $0x38;
	[tilespmem:$0x1F800] =	vst v63  }
0x66: {  	_ =	swait.ge [sflag:s23], $0xC8  }
0x67: {  	[sflag:s23] =	ssyncset.done $0x0  }
0x68: {  	[sflag:s23] =	ssyncadd.s32 $0xFFFFFF38  }
0x69: {  	[tilespmem:s24], [sflag:$0x3] =	stream.indirect.gather [hbm4b:s1+s17], $0x80, s13, s17, $0xb8;
	[tilespmem:$0x1F800] =	vst v63  }
0x6a: {  	_ =	swait.ge [sflag:s25], $0x6400  }
0x6b: {  	[sflag:s25] =	ssyncset.done $0x0  }
0x6c: {  	s10 =	simm.s32 $0x0;
	[sflag:s25] =	ssyncadd.s32 $0xFFFF9C00  }
0x6d: {  	v5 =	vld [tilespmem:s10+$0x0]  }
0x6e: {  	v4 =	vld [tilespmem:s10+$0x10]  }
0x6f: {  	v3 =	vld [tilespmem:s10+$0x20]  }
0x70: {  	v2 =	vld [tilespmem:s10+$0x30]  }
0x71: {  	v1 =	vld [tilespmem:s10+$0x40]  }
0x72: {  	v0 =	vld [tilespmem:s10+$0x50]  }
0x73: {  	v6 =	vld [tilespmem:s10+$0xC800]  }
0x74: {  	v11 =	vld [tilespmem:s10+$0xC810]  }
0x75: {  	v10 =	vld [tilespmem:s10+$0xC820]  }
0x76: {  	v9 =	vld [tilespmem:s10+$0xC830]  }
0x77: {  	v8 =	vld [tilespmem:s10+$0xC840]  }
0x78: {  	v7 =	vld [tilespmem:s10+$0xC850];
	v12 =	vmul.f32 $1.131370830e+01, v6  }
0x79: {  	s11 =	simm.s32 $0x200;
	v11 =	vmul.f32 $1.131370830e+01, v11;
	v6 =	vld [tilespmem:s10+$0xC860]  }
.LBB2_4:
0x7a: {  	p0 =	sne.s32 s11, $0x18E00;
	v5 =	vadd.f32 v5, v12;
	v10 =	vmul.f32 $1.131370830e+01, v10;
	v12 =	vld [tilespmem:s10+$0xC870]  }
0x7b: {  	v4 =	vadd.f32 v4, v11;
	v9 =	vmul.f32 $1.131370830e+01, v9;
	v11 =	vld [tilespmem:s10+$0x60]  }
0x7c: {  	s16 =	sshra.s32 s11, $0x2;
	[tilespmem:s10+$0xC800] =	vst v5;
	v3 =	vadd.f32 v3, v10;
	v8 =	vmul.f32 $1.131370830e+01, v8;
	v10 =	vld [tilespmem:s10+$0x70]  }
0x7d: {  	v5 =	vld [tilespmem:s16+$0x0];
	[tilespmem:s10+$0xC810] =	vst v4;
	v2 =	vadd.f32 v2, v9;
	v7 =	vmul.f32 $1.131370830e+01, v7  }
0x7e: {  	v4 =	vld [tilespmem:s16+$0x10];
	[tilespmem:s10+$0xC820] =	vst v3;
	v1 =	vadd.f32 v1, v8;
	v6 =	vmul.f32 $1.131370830e+01, v6  }
0x7f: {  	v3 =	vld [tilespmem:s16+$0x20];
	[tilespmem:s10+$0xC830] =	vst v2;
	v0 =	vadd.f32 v0, v7;
	v7 =	vmul.f32 $1.131370830e+01, v12  }
0x80: {  	v2 =	vld [tilespmem:s16+$0x30];
	[tilespmem:s10+$0xC840] =	vst v1;
	v6 =	vadd.f32 v11, v6  }
0x81: {  	v1 =	vld [tilespmem:s16+$0x40];
	[tilespmem:s10+$0xC850] =	vst v0;
	v7 =	vadd.f32 v10, v7  }
0x82: {  	v0 =	vld [tilespmem:s16+$0x50];
	[tilespmem:s10+$0xC860] =	vst v6  }
0x83: {  	v6 =	vld [tilespmem:s16+$0xC800];
	[tilespmem:s10+$0xC870] =	vst v7;
	s10 =	smov.u32 s16  }
0x84: {  	v11 =	vld [tilespmem:s10+$0xC810]  }
.Ltmp1:
0x85: {  	v10 =	vld [tilespmem:s10+$0xC820];
	(pc) =	sbr.rel @p0 .LBB2_4-.Ltmp1, $4  }
0x86: {  	v9 =	vld [tilespmem:s10+$0xC830]  }
0x87: {  	v8 =	vld [tilespmem:s10+$0xC840]  }
0x88: {  	v12 =	vmul.f32 $1.131370830e+01, v6;
	v7 =	vld [tilespmem:s10+$0xC850]  }
0x89: {  	s11 =	sadd.s32 $0x200, s11;
	v11 =	vmul.f32 $1.131370830e+01, v11;
	v6 =	vld [tilespmem:s10+$0xC860]  }
0x8a: {  	v5 =	vadd.f32 v5, v12;
	v12 =	vld [tilespmem:s10+$0xC870];
	v10 =	vmul.f32 $1.131370830e+01, v10  }
0x8b: {  	v13 =	vld [tilespmem:s10+$0x60];
	v4 =	vadd.f32 v4, v11;
	v9 =	vmul.f32 $1.131370830e+01, v9  }
0x8c: {  	[tilespmem:s10+$0xC800] =	vst v5;
	v3 =	vadd.f32 v3, v10;
	v5 =	vmul.f32 $1.131370830e+01, v8;
	v8 =	vld [tilespmem:s10+$0x70]  }
0x8d: {  	[tilespmem:s10+$0xC810] =	vst v4;
	v2 =	vadd.f32 v2, v9;
	v4 =	vmul.f32 $1.131370830e+01, v7  }
0x8e: {  	[tilespmem:s10+$0xC820] =	vst v3;
	v1 =	vadd.f32 v1, v5;
	v3 =	vmul.f32 $1.131370830e+01, v6  }
0x8f: {  	[tilespmem:s10+$0xC830] =	vst v2;
	v0 =	vadd.f32 v0, v4;
	v2 =	vmul.f32 $1.131370830e+01, v12  }
0x90: {  	[tilespmem:s10+$0xC840] =	vst v1;
	v1 =	vadd.f32 v13, v3  }
0x91: {  	[tilespmem:s10+$0xC850] =	vst v0;
	v0 =	vadd.f32 v8, v2  }
0x92: {  	[tilespmem:s10+$0xC860] =	vst v1  }
0x93: {  	s20 =	simm.s32 $0x0;
	s11 =	rddreg [dreg:$0xd];
	[tilespmem:s10+$0xC870] =	vst v0  }
0x94: {  	[hbm4b:s11+s20] =	stream.linear.scatter [tilespmem:s21], [sflag:$0x6], $0x6400, $0x38;
	[tilespmem:$0x1F800] =	vst v63  }
0x95: {  	s31 =	rddreg [dreg:$0x19]  }
0x96: {  	[tilespmem:s12], [sflag:$0xA] =	stream.linear.gather [hbm4b:s31+s20], $0xC8, $0x38;
	[tilespmem:$0x1F800] =	vst v63  }
0x97: {  	_ =	swait.ge [sflag:s26], $0xC8  }
0x98: {  	[sflag:s26] =	ssyncset.done $0x0  }
0x99: {  	[sflag:s26] =	ssyncadd.s32 $0xFFFFFF38  }
0x9a: {  	[tilespmem:s28], [sflag:$0x4] =	stream.indirect.gather [hbm4b:s1+s17], $0x80, s14, s17, $0xb8;
	[tilespmem:$0x1F800] =	vst v63  }
0x9b: {  	_ =	swait.ge [sflag:s29], $0x6400  }
0x9c: {  	[sflag:s29] =	ssyncset.done $0x0  }
0x9d: {  	s10 =	simm.s32 $0x0;
	[sflag:s29] =	ssyncadd.s32 $0xFFFF9C00  }
0x9e: {  	v5 =	vld [tilespmem:s10+$0x0]  }
0x9f: {  	v4 =	vld [tilespmem:s10+$0x10]  }
0xa0: {  	v3 =	vld [tilespmem:s10+$0x20]  }
0xa1: {  	v2 =	vld [tilespmem:s10+$0x30]  }
0xa2: {  	v1 =	vld [tilespmem:s10+$0x40]  }
0xa3: {  	v0 =	vld [tilespmem:s10+$0x50]  }
0xa4: {  	v6 =	vld [tilespmem:s10+$0x12C00]  }
0xa5: {  	v11 =	vld [tilespmem:s10+$0x12C10]  }
0xa6: {  	v10 =	vld [tilespmem:s10+$0x12C20]  }
0xa7: {  	v9 =	vld [tilespmem:s10+$0x12C30]  }
0xa8: {  	v8 =	vld [tilespmem:s10+$0x12C40]  }
0xa9: {  	v7 =	vld [tilespmem:s10+$0x12C50];
	v12 =	vmul.f32 $1.131370830e+01, v6  }
0xaa: {  	s11 =	simm.s32 $0x200;
	v11 =	vmul.f32 $1.131370830e+01, v11;
	v6 =	vld [tilespmem:s10+$0x12C60]  }
.LBB2_6:
0xab: {  	p0 =	sne.s32 s11, $0x18E00;
	v5 =	vadd.f32 v5, v12;
	v10 =	vmul.f32 $1.131370830e+01, v10;
	v12 =	vld [tilespmem:s10+$0x12C70]  }
0xac: {  	v4 =	vadd.f32 v4, v11;
	v9 =	vmul.f32 $1.131370830e+01, v9;
	v11 =	vld [tilespmem:s10+$0x60]  }
0xad: {  	s16 =	sshra.s32 s11, $0x2;
	[tilespmem:s10+$0x12C00] =	vst v5;
	v3 =	vadd.f32 v3, v10;
	v8 =	vmul.f32 $1.131370830e+01, v8;
	v10 =	vld [tilespmem:s10+$0x70]  }
0xae: {  	v5 =	vld [tilespmem:s16+$0x0];
	[tilespmem:s10+$0x12C10] =	vst v4;
	v2 =	vadd.f32 v2, v9;
	v7 =	vmul.f32 $1.131370830e+01, v7  }
0xaf: {  	v4 =	vld [tilespmem:s16+$0x10];
	[tilespmem:s10+$0x12C20] =	vst v3;
	v1 =	vadd.f32 v1, v8;
	v6 =	vmul.f32 $1.131370830e+01, v6  }
0xb0: {  	v3 =	vld [tilespmem:s16+$0x20];
	[tilespmem:s10+$0x12C30] =	vst v2;
	v0 =	vadd.f32 v0, v7;
	v7 =	vmul.f32 $1.131370830e+01, v12  }
0xb1: {  	v2 =	vld [tilespmem:s16+$0x30];
	[tilespmem:s10+$0x12C40] =	vst v1;
	v6 =	vadd.f32 v11, v6  }
0xb2: {  	v1 =	vld [tilespmem:s16+$0x40];
	[tilespmem:s10+$0x12C50] =	vst v0;
	v7 =	vadd.f32 v10, v7  }
0xb3: {  	v0 =	vld [tilespmem:s16+$0x50];
	[tilespmem:s10+$0x12C60] =	vst v6  }
0xb4: {  	v6 =	vld [tilespmem:s16+$0x12C00];
	[tilespmem:s10+$0x12C70] =	vst v7;
	s10 =	smov.u32 s16  }
0xb5: {  	v11 =	vld [tilespmem:s10+$0x12C10]  }
.Ltmp2:
0xb6: {  	v10 =	vld [tilespmem:s10+$0x12C20];
	(pc) =	sbr.rel @p0 .LBB2_6-.Ltmp2, $4  }
0xb7: {  	v9 =	vld [tilespmem:s10+$0x12C30]  }
0xb8: {  	v8 =	vld [tilespmem:s10+$0x12C40]  }
0xb9: {  	v12 =	vmul.f32 $1.131370830e+01, v6;
	v7 =	vld [tilespmem:s10+$0x12C50]  }
0xba: {  	s11 =	sadd.s32 $0x200, s11;
	v11 =	vmul.f32 $1.131370830e+01, v11;
	v6 =	vld [tilespmem:s10+$0x12C60]  }
0xbb: {  	v5 =	vadd.f32 v5, v12;
	v12 =	vld [tilespmem:s10+$0x12C70];
	v10 =	vmul.f32 $1.131370830e+01, v10  }
0xbc: {  	v13 =	vld [tilespmem:s10+$0x60];
	v4 =	vadd.f32 v4, v11;
	v9 =	vmul.f32 $1.131370830e+01, v9  }
0xbd: {  	[tilespmem:s10+$0x12C00] =	vst v5;
	v3 =	vadd.f32 v3, v10;
	v5 =	vmul.f32 $1.131370830e+01, v8;
	v8 =	vld [tilespmem:s10+$0x70]  }
0xbe: {  	[tilespmem:s10+$0x12C10] =	vst v4;
	v2 =	vadd.f32 v2, v9;
	v4 =	vmul.f32 $1.131370830e+01, v7  }
0xbf: {  	[tilespmem:s10+$0x12C20] =	vst v3;
	v1 =	vadd.f32 v1, v5;
	v3 =	vmul.f32 $1.131370830e+01, v6  }
0xc0: {  	[tilespmem:s10+$0x12C30] =	vst v2;
	v0 =	vadd.f32 v0, v4;
	v2 =	vmul.f32 $1.131370830e+01, v12  }
0xc1: {  	[tilespmem:s10+$0x12C40] =	vst v1;
	v1 =	vadd.f32 v13, v3  }
0xc2: {  	[tilespmem:s10+$0x12C50] =	vst v0;
	v0 =	vadd.f32 v8, v2  }
0xc3: {  	[tilespmem:s10+$0x12C60] =	vst v1  }
0xc4: {  	s20 =	simm.s32 $0x0;
	s11 =	rddreg [dreg:$0xe];
	[tilespmem:s10+$0x12C70] =	vst v0  }
0xc5: {  	[hbm4b:s11+s20] =	stream.linear.scatter [tilespmem:s24], [sflag:$0x7], $0x6400, $0x38;
	[tilespmem:$0x1F800] =	vst v63  }
0xc6: {  	s31 =	rddreg [dreg:$0xf]  }
0xc7: {  	[tilespmem:s13], [sflag:$0xB] =	stream.linear.gather [hbm4b:s31+s20], $0xC8, $0x38;
	[tilespmem:$0x1F800] =	vst v63  }
0xc8: {  	_ =	swait.ge [sflag:s30], $0x6400  }
0xc9: {  	[sflag:s30] =	ssyncset.done $0x0  }
0xca: {  	[sflag:s30] =	ssyncadd.s32 $0xFFFF9C00  }
0xcb: {  	_ =	swait.ge [sflag:s15], $0xC8  }
0xcc: {  	[sflag:s15] =	ssyncset.done $0x0  }
0xcd: {  	[sflag:s15] =	ssyncadd.s32 $0xFFFFFF38  }
0xce: {  	[tilespmem:s18], [sflag:$0x1] =	stream.indirect.gather [hbm4b:s1+s17], $0x80, s3, s17, $0xb8;
	[tilespmem:$0x1F800] =	vst v63  }
0xcf: {  	_ =	swait.ge [sflag:s8], $0x6400  }
0xd0: {  	[sflag:s8] =	ssyncset.done $0x0  }
0xd1: {  	s10 =	simm.s32 $0x0;
	[sflag:s8] =	ssyncadd.s32 $0xFFFF9C00  }
0xd2: {  	v5 =	vld [tilespmem:s10+$0x0]  }
0xd3: {  	v4 =	vld [tilespmem:s10+$0x10]  }
0xd4: {  	v3 =	vld [tilespmem:s10+$0x20]  }
0xd5: {  	v2 =	vld [tilespmem:s10+$0x30]  }
0xd6: {  	v1 =	vld [tilespmem:s10+$0x40]  }
0xd7: {  	v0 =	vld [tilespmem:s10+$0x50]  }
0xd8: {  	v6 =	vld [tilespmem:s10+$0x19000]  }
0xd9: {  	v11 =	vld [tilespmem:s10+$0x19010]  }
0xda: {  	v10 =	vld [tilespmem:s10+$0x19020]  }
0xdb: {  	v9 =	vld [tilespmem:s10+$0x19030]  }
0xdc: {  	v8 =	vld [tilespmem:s10+$0x19040]  }
0xdd: {  	v7 =	vld [tilespmem:s10+$0x19050];
	v12 =	vmul.f32 $1.131370830e+01, v6  }
0xde: {  	s11 =	simm.s32 $0x200;
	v11 =	vmul.f32 $1.131370830e+01, v11;
	v6 =	vld [tilespmem:s10+$0x19060]  }
.LBB2_8:
0xdf: {  	p0 =	sne.s32 s11, $0x18E00;
	v5 =	vadd.f32 v5, v12;
	v10 =	vmul.f32 $1.131370830e+01, v10;
	v12 =	vld [tilespmem:s10+$0x19070]  }
0xe0: {  	v4 =	vadd.f32 v4, v11;
	v9 =	vmul.f32 $1.131370830e+01, v9;
	v11 =	vld [tilespmem:s10+$0x60]  }
0xe1: {  	s16 =	sshra.s32 s11, $0x2;
	[tilespmem:s10+$0x19000] =	vst v5;
	v3 =	vadd.f32 v3, v10;
	v8 =	vmul.f32 $1.131370830e+01, v8;
	v10 =	vld [tilespmem:s10+$0x70]  }
0xe2: {  	v5 =	vld [tilespmem:s16+$0x0];
	[tilespmem:s10+$0x19010] =	vst v4;
	v2 =	vadd.f32 v2, v9;
	v7 =	vmul.f32 $1.131370830e+01, v7  }
0xe3: {  	v4 =	vld [tilespmem:s16+$0x10];
	[tilespmem:s10+$0x19020] =	vst v3;
	v1 =	vadd.f32 v1, v8;
	v6 =	vmul.f32 $1.131370830e+01, v6  }
0xe4: {  	v3 =	vld [tilespmem:s16+$0x20];
	[tilespmem:s10+$0x19030] =	vst v2;
	v0 =	vadd.f32 v0, v7;
	v7 =	vmul.f32 $1.131370830e+01, v12  }
0xe5: {  	v2 =	vld [tilespmem:s16+$0x30];
	[tilespmem:s10+$0x19040] =	vst v1;
	v6 =	vadd.f32 v11, v6  }
0xe6: {  	v1 =	vld [tilespmem:s16+$0x40];
	[tilespmem:s10+$0x19050] =	vst v0;
	v7 =	vadd.f32 v10, v7  }
0xe7: {  	v0 =	vld [tilespmem:s16+$0x50];
	[tilespmem:s10+$0x19060] =	vst v6  }
0xe8: {  	v6 =	vld [tilespmem:s16+$0x19000];
	[tilespmem:s10+$0x19070] =	vst v7;
	s10 =	smov.u32 s16  }
0xe9: {  	v11 =	vld [tilespmem:s10+$0x19010]  }
.Ltmp3:
0xea: {  	v10 =	vld [tilespmem:s10+$0x19020];
	(pc) =	sbr.rel @p0 .LBB2_8-.Ltmp3, $4  }
0xeb: {  	v9 =	vld [tilespmem:s10+$0x19030]  }
0xec: {  	v8 =	vld [tilespmem:s10+$0x19040]  }
0xed: {  	v12 =	vmul.f32 $1.131370830e+01, v6;
	v7 =	vld [tilespmem:s10+$0x19050]  }
0xee: {  	s11 =	sadd.s32 $0x200, s11;
	v11 =	vmul.f32 $1.131370830e+01, v11;
	v6 =	vld [tilespmem:s10+$0x19060]  }
0xef: {  	v5 =	vadd.f32 v5, v12;
	v56 =	vld [tilespmem:s10+$0x19070];
	v10 =	vmul.f32 $1.131370830e+01, v10  }
0xf0: {  	v13 =	vld [tilespmem:s10+$0x60];
	v4 =	vadd.f32 v4, v11;
	v9 =	vmul.f32 $1.131370830e+01, v9  }
0xf1: {  	v58 =	vld [tilespmem:s10+$0x70];
	[tilespmem:s10+$0x19000] =	vst v5;
	v3 =	vadd.f32 v3, v10;
	v57 =	vmul.f32 $1.131370830e+01, v8  }
0xf2: {  	[tilespmem:s10+$0x19010] =	vst v4;
	v2 =	vadd.f32 v2, v9;
	v59 =	vmul.f32 $1.131370830e+01, v7  }
0xf3: {  	[tilespmem:s10+$0x19020] =	vst v3;
	v1 =	vadd.f32 v1, v57;
	v60 =	vmul.f32 $1.131370830e+01, v6  }
0xf4: {  	[tilespmem:s10+$0x19030] =	vst v2;
	v0 =	vadd.f32 v0, v59;
	v61 =	vmul.f32 $1.131370830e+01, v56  }
0xf5: {  	[tilespmem:s10+$0x19040] =	vst v1;
	v62 =	vadd.f32 v13, v60  }
0xf6: {  	[tilespmem:s10+$0x19050] =	vst v0;
	v63 =	vadd.f32 v58, v61  }
0xf7: {  	[tilespmem:s10+$0x19060] =	vst v62  }
0xf8: {  	s11 =	rddreg [dreg:$0x11];
	[tilespmem:s10+$0x19070] =	vst v63;
	s10 =	simm.s32 $0x0  }
0xf9: {  	[hbm4b:s11+s10] =	stream.linear.scatter [tilespmem:s28], [sflag:$0x8], $0x6400, $0x38;
	[tilespmem:$0x1F800] =	vst v63  }
0xfa: {  	s31 =	rddreg [dreg:$0x12]  }
0xfb: {  	[tilespmem:s14], [sflag:$0xC] =	stream.linear.gather [hbm4b:s31+s10], $0xC8, $0x38;
	[tilespmem:$0x1F800] =	vst v63  }
0xfc: {  	_ =	swait.ge [sflag:s0], $0x6400  }
0xfd: {  	[sflag:s0] =	ssyncset.done $0x0  }
0xfe: {  	[sflag:s0] =	ssyncadd.s32 $0xFFFF9C00  }
0xff: {  	_ =	swait.ge [sflag:s19], $0xC8  }
0x100: {  	[sflag:s19] =	ssyncset.done $0x0  }
0x101: {  	[sflag:s19] =	ssyncadd.s32 $0xFFFFFF38  }
0x102: {  	[tilespmem:s21], [sflag:$0x2] =	stream.indirect.gather [hbm4b:s1+s17], $0x80, s12, s17, $0xb8;
	[tilespmem:$0x1F800] =	vst v63  }
.LBB2_10:
0x103: {  	_ =	swait.ge [sflag:s22], $0x6400  }
0x104: {  	[sflag:s22] =	ssyncset.done $0x0  }
0x105: {  	s16 =	simm.s32 $0x0;
	[sflag:s22] =	ssyncadd.s32 $0xFFFF9C00  }
0x106: {  	v5 =	vld [tilespmem:s16+$0x0]  }
0x107: {  	v4 =	vld [tilespmem:s16+$0x10]  }
0x108: {  	v3 =	vld [tilespmem:s16+$0x20]  }
0x109: {  	v2 =	vld [tilespmem:s16+$0x30]  }
0x10a: {  	v1 =	vld [tilespmem:s16+$0x40]  }
0x10b: {  	v0 =	vld [tilespmem:s16+$0x50]  }
0x10c: {  	v6 =	vld [tilespmem:s16+$0x6400]  }
0x10d: {  	v11 =	vld [tilespmem:s16+$0x6410]  }
0x10e: {  	v10 =	vld [tilespmem:s16+$0x6420]  }
0x10f: {  	v9 =	vld [tilespmem:s16+$0x6430]  }
0x110: {  	v8 =	vld [tilespmem:s16+$0x6440]  }
0x111: {  	v7 =	vld [tilespmem:s16+$0x6450];
	v12 =	vmul.f32 $1.131370830e+01, v6  }
0x112: {  	s11 =	simm.s32 $0x200;
	v11 =	vmul.f32 $1.131370830e+01, v11;
	v6 =	vld [tilespmem:s16+$0x6460]  }
.LBB2_11:
0x113: {  	p0 =	sne.s32 s11, $0x18E00;
	v5 =	vadd.f32 v5, v12;
	v10 =	vmul.f32 $1.131370830e+01, v10;
	v12 =	vld [tilespmem:s16+$0x6470]  }
0x114: {  	v4 =	vadd.f32 v4, v11;
	v9 =	vmul.f32 $1.131370830e+01, v9;
	v11 =	vld [tilespmem:s16+$0x60]  }
0x115: {  	s20 =	sshra.s32 s11, $0x2;
	[tilespmem:s16+$0x6400] =	vst v5;
	v3 =	vadd.f32 v3, v10;
	v8 =	vmul.f32 $1.131370830e+01, v8;
	v10 =	vld [tilespmem:s16+$0x70]  }
0x116: {  	v5 =	vld [tilespmem:s20+$0x0];
	[tilespmem:s16+$0x6410] =	vst v4;
	v2 =	vadd.f32 v2, v9;
	v7 =	vmul.f32 $1.131370830e+01, v7  }
0x117: {  	v4 =	vld [tilespmem:s20+$0x10];
	[tilespmem:s16+$0x6420] =	vst v3;
	v1 =	vadd.f32 v1, v8;
	v6 =	vmul.f32 $1.131370830e+01, v6  }
0x118: {  	v3 =	vld [tilespmem:s20+$0x20];
	[tilespmem:s16+$0x6430] =	vst v2;
	v0 =	vadd.f32 v0, v7;
	v7 =	vmul.f32 $1.131370830e+01, v12  }
0x119: {  	v2 =	vld [tilespmem:s20+$0x30];
	[tilespmem:s16+$0x6440] =	vst v1;
	v6 =	vadd.f32 v11, v6  }
0x11a: {  	v1 =	vld [tilespmem:s20+$0x40];
	[tilespmem:s16+$0x6450] =	vst v0;
	v7 =	vadd.f32 v10, v7  }
0x11b: {  	v0 =	vld [tilespmem:s20+$0x50];
	[tilespmem:s16+$0x6460] =	vst v6  }
0x11c: {  	v6 =	vld [tilespmem:s20+$0x6400];
	[tilespmem:s16+$0x6470] =	vst v7;
	s16 =	smov.u32 s20  }
0x11d: {  	v11 =	vld [tilespmem:s16+$0x6410]  }
.Ltmp4:
0x11e: {  	v10 =	vld [tilespmem:s16+$0x6420];
	(pc) =	sbr.rel @p0 .LBB2_11-.Ltmp4, $4  }
0x11f: {  	v9 =	vld [tilespmem:s16+$0x6430]  }
0x120: {  	v8 =	vld [tilespmem:s16+$0x6440]  }
0x121: {  	v12 =	vmul.f32 $1.131370830e+01, v6;
	v7 =	vld [tilespmem:s16+$0x6450]  }
0x122: {  	s11 =	sadd.s32 $0x200, s11;
	v11 =	vmul.f32 $1.131370830e+01, v11;
	v6 =	vld [tilespmem:s16+$0x6460]  }
0x123: {  	v5 =	vadd.f32 v5, v12;
	v12 =	vld [tilespmem:s16+$0x6470];
	v10 =	vmul.f32 $1.131370830e+01, v10  }
0x124: {  	v13 =	vld [tilespmem:s16+$0x60];
	v4 =	vadd.f32 v4, v11;
	v9 =	vmul.f32 $1.131370830e+01, v9  }
0x125: {  	[tilespmem:s16+$0x6400] =	vst v5;
	v3 =	vadd.f32 v3, v10;
	v5 =	vmul.f32 $1.131370830e+01, v8;
	v8 =	vld [tilespmem:s16+$0x70]  }
0x126: {  	[tilespmem:s16+$0x6410] =	vst v4;
	v2 =	vadd.f32 v2, v9;
	v4 =	vmul.f32 $1.131370830e+01, v7  }
0x127: {  	s10 =	sadd.s32 $0x1, s10;
	[tilespmem:s16+$0x6420] =	vst v3;
	v1 =	vadd.f32 v1, v5;
	v3 =	vmul.f32 $1.131370830e+01, v6  }
0x128: {  	s11 =	smul.u32 $0x320, s10;
	[tilespmem:s16+$0x6430] =	vst v2;
	v0 =	vadd.f32 v0, v4;
	v2 =	vmul.f32 $1.131370830e+01, v12  }
0x129: {  	[tilespmem:s16+$0x6440] =	vst v1;
	v1 =	vadd.f32 v13, v3  }
0x12a: {  	s20 =	sadd.s32 s2, s11;
	[tilespmem:s16+$0x6450] =	vst v0;
	v0 =	vadd.f32 v8, v2  }
0x12b: {  	s20 =	sshll.u32 s20, $0x4;
	[tilespmem:s16+$0x6460] =	vst v1  }
0x12c: {  	s31 =	sadd.s32 s4, s20;
	s20 =	simm.s32 $0x0;
	[tilespmem:s16+$0x6470] =	vst v0  }
0x12d: {  	[hbm4b:s31+s20] =	stream.linear.scatter [tilespmem:s18], [sflag:$0x5], $0x6400, $0x38;
	[tilespmem:$0x1F800] =	vst v63  }
0x12e: {  	s31 =	rddreg [dreg:$0x1a]  }
0x12f: {  	s16 =	sadd.s32 s11, s31  }
0x130: {  	s16 =	sshrl.u32 s16, $0x3  }
0x131: {  	s16 =	sadd.s32 s7, s16  }
0x132: {  	[tilespmem:s3], [sflag:$0x9] =	stream.linear.gather [hbm4b:s16+s20], $0xC8, $0x38;
	[tilespmem:$0x1F800] =	vst v63  }
0x133: {  	_ =	swait.ge [sflag:s9], $0x6400  }
0x134: {  	[sflag:s9] =	ssyncset.done $0x0  }
0x135: {  	[sflag:s9] =	ssyncadd.s32 $0xFFFF9C00  }
0x136: {  	_ =	swait.ge [sflag:s23], $0xC8  }
0x137: {  	[sflag:s23] =	ssyncset.done $0x0  }
0x138: {  	[sflag:s23] =	ssyncadd.s32 $0xFFFFFF38  }
0x139: {  	[tilespmem:s24], [sflag:$0x3] =	stream.indirect.gather [hbm4b:s1+s17], $0x80, s13, s17, $0xb8;
	[tilespmem:$0x1F800] =	vst v63  }
0x13a: {  	_ =	swait.ge [sflag:s25], $0x6400  }
0x13b: {  	[sflag:s25] =	ssyncset.done $0x0  }
0x13c: {  	s16 =	simm.s32 $0x0;
	[sflag:s25] =	ssyncadd.s32 $0xFFFF9C00  }
0x13d: {  	v5 =	vld [tilespmem:s16+$0x0]  }
0x13e: {  	v4 =	vld [tilespmem:s16+$0x10]  }
0x13f: {  	v3 =	vld [tilespmem:s16+$0x20]  }
0x140: {  	v2 =	vld [tilespmem:s16+$0x30]  }
0x141: {  	v1 =	vld [tilespmem:s16+$0x40]  }
0x142: {  	v0 =	vld [tilespmem:s16+$0x50]  }
0x143: {  	v6 =	vld [tilespmem:s16+$0xC800]  }
0x144: {  	v11 =	vld [tilespmem:s16+$0xC810]  }
0x145: {  	v10 =	vld [tilespmem:s16+$0xC820]  }
0x146: {  	v9 =	vld [tilespmem:s16+$0xC830]  }
0x147: {  	v8 =	vld [tilespmem:s16+$0xC840]  }
0x148: {  	v7 =	vld [tilespmem:s16+$0xC850];
	v12 =	vmul.f32 $1.131370830e+01, v6  }
0x149: {  	s20 =	simm.s32 $0x200;
	v11 =	vmul.f32 $1.131370830e+01, v11;
	v6 =	vld [tilespmem:s16+$0xC860]  }
.LBB2_13:
0x14a: {  	p0 =	sne.s32 s20, $0x18E00;
	v5 =	vadd.f32 v5, v12;
	v10 =	vmul.f32 $1.131370830e+01, v10;
	v12 =	vld [tilespmem:s16+$0xC870]  }
0x14b: {  	v4 =	vadd.f32 v4, v11;
	v9 =	vmul.f32 $1.131370830e+01, v9;
	v11 =	vld [tilespmem:s16+$0x60]  }
0x14c: {  	s31 =	sshra.s32 s20, $0x2;
	[tilespmem:s16+$0xC800] =	vst v5;
	v3 =	vadd.f32 v3, v10;
	v8 =	vmul.f32 $1.131370830e+01, v8;
	v10 =	vld [tilespmem:s16+$0x70]  }
0x14d: {  	v5 =	vld [tilespmem:s31+$0x0];
	[tilespmem:s16+$0xC810] =	vst v4;
	v2 =	vadd.f32 v2, v9;
	v7 =	vmul.f32 $1.131370830e+01, v7  }
0x14e: {  	v4 =	vld [tilespmem:s31+$0x10];
	[tilespmem:s16+$0xC820] =	vst v3;
	v1 =	vadd.f32 v1, v8;
	v6 =	vmul.f32 $1.131370830e+01, v6  }
0x14f: {  	v3 =	vld [tilespmem:s31+$0x20];
	[tilespmem:s16+$0xC830] =	vst v2;
	v0 =	vadd.f32 v0, v7;
	v7 =	vmul.f32 $1.131370830e+01, v12  }
0x150: {  	v2 =	vld [tilespmem:s31+$0x30];
	[tilespmem:s16+$0xC840] =	vst v1;
	v6 =	vadd.f32 v11, v6  }
0x151: {  	v1 =	vld [tilespmem:s31+$0x40];
	[tilespmem:s16+$0xC850] =	vst v0;
	v7 =	vadd.f32 v10, v7  }
0x152: {  	v0 =	vld [tilespmem:s31+$0x50];
	[tilespmem:s16+$0xC860] =	vst v6  }
0x153: {  	v6 =	vld [tilespmem:s31+$0xC800];
	[tilespmem:s16+$0xC870] =	vst v7;
	s16 =	smov.u32 s31  }
0x154: {  	v11 =	vld [tilespmem:s16+$0xC810]  }
.Ltmp5:
0x155: {  	v10 =	vld [tilespmem:s16+$0xC820];
	(pc) =	sbr.rel @p0 .LBB2_13-.Ltmp5, $4  }
0x156: {  	v9 =	vld [tilespmem:s16+$0xC830]  }
0x157: {  	v8 =	vld [tilespmem:s16+$0xC840]  }
0x158: {  	v12 =	vmul.f32 $1.131370830e+01, v6;
	v7 =	vld [tilespmem:s16+$0xC850]  }
0x159: {  	s20 =	sadd.s32 $0x200, s20;
	v11 =	vmul.f32 $1.131370830e+01, v11;
	v6 =	vld [tilespmem:s16+$0xC860]  }
0x15a: {  	v5 =	vadd.f32 v5, v12;
	v12 =	vld [tilespmem:s16+$0xC870];
	v10 =	vmul.f32 $1.131370830e+01, v10  }
0x15b: {  	v13 =	vld [tilespmem:s16+$0x60];
	v4 =	vadd.f32 v4, v11;
	v9 =	vmul.f32 $1.131370830e+01, v9  }
0x15c: {  	[tilespmem:s16+$0xC800] =	vst v5;
	v3 =	vadd.f32 v3, v10;
	v5 =	vmul.f32 $1.131370830e+01, v8;
	v8 =	vld [tilespmem:s16+$0x70]  }
0x15d: {  	[tilespmem:s16+$0xC810] =	vst v4;
	v2 =	vadd.f32 v2, v9;
	v4 =	vmul.f32 $1.131370830e+01, v7  }
0x15e: {  	[tilespmem:s16+$0xC820] =	vst v3;
	v1 =	vadd.f32 v1, v5;
	v3 =	vmul.f32 $1.131370830e+01, v6  }
0x15f: {  	[tilespmem:s16+$0xC830] =	vst v2;
	v0 =	vadd.f32 v0, v4;
	v2 =	vmul.f32 $1.131370830e+01, v12  }
0x160: {  	s20 =	rddreg [dreg:$0x5];
	[tilespmem:s16+$0xC840] =	vst v1;
	v1 =	vadd.f32 v13, v3  }
0x161: {  	s20 =	sadd.s32 s11, s20;
	[tilespmem:s16+$0xC850] =	vst v0;
	v0 =	vadd.f32 v8, v2  }
0x162: {  	s20 =	sshll.u32 s20, $0x4;
	[tilespmem:s16+$0xC860] =	vst v1  }
0x163: {  	s31 =	sadd.s32 s4, s20;
	s20 =	simm.s32 $0x0;
	[tilespmem:s16+$0xC870] =	vst v0  }
0x164: {  	[hbm4b:s31+s20] =	stream.linear.scatter [tilespmem:s21], [sflag:$0x6], $0x6400, $0x38;
	[tilespmem:$0x1F800] =	vst v63  }
0x165: {  	s31 =	rddreg [dreg:$0x1b]  }
0x166: {  	s16 =	sadd.s32 s11, s31  }
0x167: {  	s16 =	sshrl.u32 s16, $0x3  }
0x168: {  	s16 =	sadd.s32 s7, s16  }
0x169: {  	[tilespmem:s12], [sflag:$0xA] =	stream.linear.gather [hbm4b:s16+s20], $0xC8, $0x38;
	[tilespmem:$0x1F800] =	vst v63  }
0x16a: {  	_ =	swait.ge [sflag:s6], $0x6400  }
0x16b: {  	[sflag:s6] =	ssyncset.done $0x0  }
0x16c: {  	[sflag:s6] =	ssyncadd.s32 $0xFFFF9C00  }
0x16d: {  	_ =	swait.ge [sflag:s26], $0xC8  }
0x16e: {  	[sflag:s26] =	ssyncset.done $0x0  }
0x16f: {  	[sflag:s26] =	ssyncadd.s32 $0xFFFFFF38  }
0x170: {  	[tilespmem:s28], [sflag:$0x4] =	stream.indirect.gather [hbm4b:s1+s17], $0x80, s14, s17, $0xb8;
	[tilespmem:$0x1F800] =	vst v63  }
0x171: {  	_ =	swait.ge [sflag:s29], $0x6400  }
0x172: {  	[sflag:s29] =	ssyncset.done $0x0  }
0x173: {  	s16 =	simm.s32 $0x0;
	[sflag:s29] =	ssyncadd.s32 $0xFFFF9C00  }
0x174: {  	v5 =	vld [tilespmem:s16+$0x0]  }
0x175: {  	v4 =	vld [tilespmem:s16+$0x10]  }
0x176: {  	v3 =	vld [tilespmem:s16+$0x20]  }
0x177: {  	v2 =	vld [tilespmem:s16+$0x30]  }
0x178: {  	v1 =	vld [tilespmem:s16+$0x40]  }
0x179: {  	v0 =	vld [tilespmem:s16+$0x50]  }
0x17a: {  	v6 =	vld [tilespmem:s16+$0x12C00]  }
0x17b: {  	v11 =	vld [tilespmem:s16+$0x12C10]  }
0x17c: {  	v10 =	vld [tilespmem:s16+$0x12C20]  }
0x17d: {  	v9 =	vld [tilespmem:s16+$0x12C30]  }
0x17e: {  	v8 =	vld [tilespmem:s16+$0x12C40]  }
0x17f: {  	v7 =	vld [tilespmem:s16+$0x12C50];
	v12 =	vmul.f32 $1.131370830e+01, v6  }
0x180: {  	s20 =	simm.s32 $0x200;
	v11 =	vmul.f32 $1.131370830e+01, v11;
	v6 =	vld [tilespmem:s16+$0x12C60]  }
.LBB2_15:
0x181: {  	p0 =	sne.s32 s20, $0x18E00;
	v5 =	vadd.f32 v5, v12;
	v10 =	vmul.f32 $1.131370830e+01, v10;
	v12 =	vld [tilespmem:s16+$0x12C70]  }
0x182: {  	v4 =	vadd.f32 v4, v11;
	v9 =	vmul.f32 $1.131370830e+01, v9;
	v11 =	vld [tilespmem:s16+$0x60]  }
0x183: {  	s31 =	sshra.s32 s20, $0x2;
	[tilespmem:s16+$0x12C00] =	vst v5;
	v3 =	vadd.f32 v3, v10;
	v8 =	vmul.f32 $1.131370830e+01, v8;
	v10 =	vld [tilespmem:s16+$0x70]  }
0x184: {  	v5 =	vld [tilespmem:s31+$0x0];
	[tilespmem:s16+$0x12C10] =	vst v4;
	v2 =	vadd.f32 v2, v9;
	v7 =	vmul.f32 $1.131370830e+01, v7  }
0x185: {  	v4 =	vld [tilespmem:s31+$0x10];
	[tilespmem:s16+$0x12C20] =	vst v3;
	v1 =	vadd.f32 v1, v8;
	v6 =	vmul.f32 $1.131370830e+01, v6  }
0x186: {  	v3 =	vld [tilespmem:s31+$0x20];
	[tilespmem:s16+$0x12C30] =	vst v2;
	v0 =	vadd.f32 v0, v7;
	v7 =	vmul.f32 $1.131370830e+01, v12  }
0x187: {  	v2 =	vld [tilespmem:s31+$0x30];
	[tilespmem:s16+$0x12C40] =	vst v1;
	v6 =	vadd.f32 v11, v6  }
0x188: {  	v1 =	vld [tilespmem:s31+$0x40];
	[tilespmem:s16+$0x12C50] =	vst v0;
	v7 =	vadd.f32 v10, v7  }
0x189: {  	v0 =	vld [tilespmem:s31+$0x50];
	[tilespmem:s16+$0x12C60] =	vst v6  }
0x18a: {  	v6 =	vld [tilespmem:s31+$0x12C00];
	[tilespmem:s16+$0x12C70] =	vst v7;
	s16 =	smov.u32 s31  }
0x18b: {  	v11 =	vld [tilespmem:s16+$0x12C10]  }
.Ltmp6:
0x18c: {  	v10 =	vld [tilespmem:s16+$0x12C20];
	(pc) =	sbr.rel @p0 .LBB2_15-.Ltmp6, $4  }
0x18d: {  	v9 =	vld [tilespmem:s16+$0x12C30]  }
0x18e: {  	v8 =	vld [tilespmem:s16+$0x12C40]  }
0x18f: {  	v12 =	vmul.f32 $1.131370830e+01, v6;
	v7 =	vld [tilespmem:s16+$0x12C50]  }
0x190: {  	s20 =	sadd.s32 $0x200, s20;
	v11 =	vmul.f32 $1.131370830e+01, v11;
	v6 =	vld [tilespmem:s16+$0x12C60]  }
0x191: {  	v5 =	vadd.f32 v5, v12;
	v12 =	vld [tilespmem:s16+$0x12C70];
	v10 =	vmul.f32 $1.131370830e+01, v10  }
0x192: {  	v13 =	vld [tilespmem:s16+$0x60];
	v4 =	vadd.f32 v4, v11;
	v9 =	vmul.f32 $1.131370830e+01, v9  }
0x193: {  	[tilespmem:s16+$0x12C00] =	vst v5;
	v3 =	vadd.f32 v3, v10;
	v5 =	vmul.f32 $1.131370830e+01, v8;
	v8 =	vld [tilespmem:s16+$0x70]  }
0x194: {  	[tilespmem:s16+$0x12C10] =	vst v4;
	v2 =	vadd.f32 v2, v9;
	v4 =	vmul.f32 $1.131370830e+01, v7  }
0x195: {  	[tilespmem:s16+$0x12C20] =	vst v3;
	v1 =	vadd.f32 v1, v5;
	v3 =	vmul.f32 $1.131370830e+01, v6  }
0x196: {  	[tilespmem:s16+$0x12C30] =	vst v2;
	v0 =	vadd.f32 v0, v4;
	v2 =	vmul.f32 $1.131370830e+01, v12  }
0x197: {  	s20 =	rddreg [dreg:$0x6];
	[tilespmem:s16+$0x12C40] =	vst v1;
	v1 =	vadd.f32 v13, v3  }
0x198: {  	s20 =	sadd.s32 s11, s20;
	[tilespmem:s16+$0x12C50] =	vst v0;
	v0 =	vadd.f32 v8, v2  }
0x199: {  	s20 =	sshll.u32 s20, $0x4;
	[tilespmem:s16+$0x12C60] =	vst v1  }
0x19a: {  	s31 =	sadd.s32 s4, s20;
	s20 =	simm.s32 $0x0;
	[tilespmem:s16+$0x12C70] =	vst v0  }
0x19b: {  	[hbm4b:s31+s20] =	stream.linear.scatter [tilespmem:s24], [sflag:$0x7], $0x6400, $0x38;
	[tilespmem:$0x1F800] =	vst v63  }
0x19c: {  	s31 =	rddreg [dreg:$0xc]  }
0x19d: {  	s16 =	sadd.s32 s11, s31  }
0x19e: {  	s16 =	sshrl.u32 s16, $0x3  }
0x19f: {  	s16 =	sadd.s32 s7, s16  }
0x1a0: {  	[tilespmem:s13], [sflag:$0xB] =	stream.linear.gather [hbm4b:s16+s20], $0xC8, $0x38;
	[tilespmem:$0x1F800] =	vst v63  }
0x1a1: {  	_ =	swait.ge [sflag:s30], $0x6400  }
0x1a2: {  	[sflag:s30] =	ssyncset.done $0x0  }
0x1a3: {  	[sflag:s30] =	ssyncadd.s32 $0xFFFF9C00  }
0x1a4: {  	_ =	swait.ge [sflag:s15], $0xC8  }
0x1a5: {  	[sflag:s15] =	ssyncset.done $0x0  }
0x1a6: {  	[sflag:s15] =	ssyncadd.s32 $0xFFFFFF38  }
0x1a7: {  	[tilespmem:s18], [sflag:$0x1] =	stream.indirect.gather [hbm4b:s1+s17], $0x80, s3, s17, $0xb8;
	[tilespmem:$0x1F800] =	vst v63  }
0x1a8: {  	_ =	swait.ge [sflag:s8], $0x6400  }
0x1a9: {  	[sflag:s8] =	ssyncset.done $0x0  }
0x1aa: {  	s16 =	simm.s32 $0x0;
	[sflag:s8] =	ssyncadd.s32 $0xFFFF9C00  }
0x1ab: {  	v5 =	vld [tilespmem:s16+$0x0]  }
0x1ac: {  	v4 =	vld [tilespmem:s16+$0x10]  }
0x1ad: {  	v3 =	vld [tilespmem:s16+$0x20]  }
0x1ae: {  	v2 =	vld [tilespmem:s16+$0x30]  }
0x1af: {  	v1 =	vld [tilespmem:s16+$0x40]  }
0x1b0: {  	v0 =	vld [tilespmem:s16+$0x50]  }
0x1b1: {  	v6 =	vld [tilespmem:s16+$0x19000]  }
0x1b2: {  	v11 =	vld [tilespmem:s16+$0x19010]  }
0x1b3: {  	v10 =	vld [tilespmem:s16+$0x19020]  }
0x1b4: {  	v9 =	vld [tilespmem:s16+$0x19030]  }
0x1b5: {  	v8 =	vld [tilespmem:s16+$0x19040]  }
0x1b6: {  	v7 =	vld [tilespmem:s16+$0x19050];
	v12 =	vmul.f32 $1.131370830e+01, v6  }
0x1b7: {  	s20 =	simm.s32 $0x200;
	v11 =	vmul.f32 $1.131370830e+01, v11;
	v6 =	vld [tilespmem:s16+$0x19060]  }
.LBB2_17:
0x1b8: {  	p0 =	sne.s32 s20, $0x18E00;
	v5 =	vadd.f32 v5, v12;
	v10 =	vmul.f32 $1.131370830e+01, v10;
	v12 =	vld [tilespmem:s16+$0x19070]  }
0x1b9: {  	v4 =	vadd.f32 v4, v11;
	v9 =	vmul.f32 $1.131370830e+01, v9;
	v11 =	vld [tilespmem:s16+$0x60]  }
0x1ba: {  	s31 =	sshra.s32 s20, $0x2;
	[tilespmem:s16+$0x19000] =	vst v5;
	v3 =	vadd.f32 v3, v10;
	v8 =	vmul.f32 $1.131370830e+01, v8;
	v10 =	vld [tilespmem:s16+$0x70]  }
0x1bb: {  	v5 =	vld [tilespmem:s31+$0x0];
	[tilespmem:s16+$0x19010] =	vst v4;
	v2 =	vadd.f32 v2, v9;
	v7 =	vmul.f32 $1.131370830e+01, v7  }
0x1bc: {  	v4 =	vld [tilespmem:s31+$0x10];
	[tilespmem:s16+$0x19020] =	vst v3;
	v1 =	vadd.f32 v1, v8;
	v6 =	vmul.f32 $1.131370830e+01, v6  }
0x1bd: {  	v3 =	vld [tilespmem:s31+$0x20];
	[tilespmem:s16+$0x19030] =	vst v2;
	v0 =	vadd.f32 v0, v7;
	v7 =	vmul.f32 $1.131370830e+01, v12  }
0x1be: {  	v2 =	vld [tilespmem:s31+$0x30];
	[tilespmem:s16+$0x19040] =	vst v1;
	v6 =	vadd.f32 v11, v6  }
0x1bf: {  	v1 =	vld [tilespmem:s31+$0x40];
	[tilespmem:s16+$0x19050] =	vst v0;
	v7 =	vadd.f32 v10, v7  }
0x1c0: {  	v0 =	vld [tilespmem:s31+$0x50];
	[tilespmem:s16+$0x19060] =	vst v6  }
0x1c1: {  	v6 =	vld [tilespmem:s31+$0x19000];
	[tilespmem:s16+$0x19070] =	vst v7;
	s16 =	smov.u32 s31  }
0x1c2: {  	v11 =	vld [tilespmem:s16+$0x19010]  }
.Ltmp7:
0x1c3: {  	v10 =	vld [tilespmem:s16+$0x19020];
	(pc) =	sbr.rel @p0 .LBB2_17-.Ltmp7, $4  }
0x1c4: {  	v9 =	vld [tilespmem:s16+$0x19030]  }
0x1c5: {  	v8 =	vld [tilespmem:s16+$0x19040]  }
0x1c6: {  	v12 =	vmul.f32 $1.131370830e+01, v6;
	v7 =	vld [tilespmem:s16+$0x19050]  }
0x1c7: {  	s20 =	sadd.s32 $0x200, s20;
	v11 =	vmul.f32 $1.131370830e+01, v11;
	v6 =	vld [tilespmem:s16+$0x19060]  }
0x1c8: {  	v5 =	vadd.f32 v5, v12;
	v56 =	vld [tilespmem:s16+$0x19070];
	v10 =	vmul.f32 $1.131370830e+01, v10  }
0x1c9: {  	v13 =	vld [tilespmem:s16+$0x60];
	v4 =	vadd.f32 v4, v11;
	v9 =	vmul.f32 $1.131370830e+01, v9  }
0x1ca: {  	v58 =	vld [tilespmem:s16+$0x70];
	[tilespmem:s16+$0x19000] =	vst v5;
	v3 =	vadd.f32 v3, v10;
	v57 =	vmul.f32 $1.131370830e+01, v8  }
0x1cb: {  	[tilespmem:s16+$0x19010] =	vst v4;
	v2 =	vadd.f32 v2, v9;
	v59 =	vmul.f32 $1.131370830e+01, v7  }
0x1cc: {  	[tilespmem:s16+$0x19020] =	vst v3;
	v1 =	vadd.f32 v1, v57;
	v60 =	vmul.f32 $1.131370830e+01, v6  }
0x1cd: {  	[tilespmem:s16+$0x19030] =	vst v2;
	v0 =	vadd.f32 v0, v59;
	v61 =	vmul.f32 $1.131370830e+01, v56  }
0x1ce: {  	s20 =	rddreg [dreg:$0x7];
	[tilespmem:s16+$0x19040] =	vst v1;
	v62 =	vadd.f32 v13, v60  }
0x1cf: {  	s20 =	sadd.s32 s11, s20;
	[tilespmem:s16+$0x19050] =	vst v0;
	v63 =	vadd.f32 v58, v61  }
0x1d0: {  	s20 =	sshll.u32 s20, $0x4;
	[tilespmem:s16+$0x19060] =	vst v62  }
0x1d1: {  	s31 =	sadd.s32 s4, s20;
	s20 =	rddreg [dreg:$0x10];
	[tilespmem:s16+$0x19070] =	vst v63  }
0x1d2: {  	[hbm4b:s31+s5] =	stream.linear.scatter [tilespmem:s28], [sflag:$0x8], $0x6400, $0x38;
	[tilespmem:$0x1F800] =	vst v63  }
0x1d3: {  	s31 =	sadd.s32 s11, s20  }
0x1d4: {  	s11 =	sshrl.u32 s31, $0x3  }
0x1d5: {  	s11 =	sadd.s32 s7, s11  }
0x1d6: {  	[tilespmem:s14], [sflag:$0xC] =	stream.linear.gather [hbm4b:s11+s5], $0xC8, $0x38;
	[tilespmem:$0x1F800] =	vst v63  }
0x1d7: {  	_ =	swait.ge [sflag:s0], $0x6400  }
0x1d8: {  	p0 =	sne.s32 s10, $0x1E;
	[sflag:s0] =	ssyncset.done $0x0  }
.Ltmp8:
0x1d9: {  	[sflag:s0] =	ssyncadd.s32 $0xFFFF9C00;
	(pc) =	sbr.rel @p0 .LBB2_10-.Ltmp8, $4  }
0x1da: {  	_ =	swait.ge [sflag:s19], $0xC8  }
0x1db: {  	[sflag:s19] =	ssyncset.done $0x0  }
0x1dc: {  	[sflag:s19] =	ssyncadd.s32 $0xFFFFFF38  }
0x1dd: {  	[tilespmem:s21], [sflag:$0x2] =	stream.indirect.gather [hbm4b:s1+s17], $0x80, s12, s17, $0xb8;
	[tilespmem:$0x1F800] =	vst v63  }
0x1de: {  	_ =	swait.ge [sflag:s22], $0x6400  }
0x1df: {  	[sflag:s22] =	ssyncset.done $0x0  }
0x1e0: {  	s10 =	simm.s32 $0x0;
	[sflag:s22] =	ssyncadd.s32 $0xFFFF9C00  }
0x1e1: {  	v5 =	vld [tilespmem:s10+$0x0]  }
0x1e2: {  	v4 =	vld [tilespmem:s10+$0x10]  }
0x1e3: {  	v3 =	vld [tilespmem:s10+$0x20]  }
0x1e4: {  	v2 =	vld [tilespmem:s10+$0x30]  }
0x1e5: {  	v1 =	vld [tilespmem:s10+$0x40]  }
0x1e6: {  	v0 =	vld [tilespmem:s10+$0x50]  }
0x1e7: {  	v6 =	vld [tilespmem:s10+$0x6400]  }
0x1e8: {  	v11 =	vld [tilespmem:s10+$0x6410]  }
0x1e9: {  	v10 =	vld [tilespmem:s10+$0x6420]  }
0x1ea: {  	v9 =	vld [tilespmem:s10+$0x6430]  }
0x1eb: {  	v8 =	vld [tilespmem:s10+$0x6440]  }
0x1ec: {  	v7 =	vld [tilespmem:s10+$0x6450];
	v12 =	vmul.f32 $1.131370830e+01, v6  }
0x1ed: {  	s11 =	simm.s32 $0x200;
	v11 =	vmul.f32 $1.131370830e+01, v11;
	v6 =	vld [tilespmem:s10+$0x6460]  }
.LBB2_20:
0x1ee: {  	p0 =	sne.s32 s11, $0x18E00;
	v5 =	vadd.f32 v5, v12;
	v10 =	vmul.f32 $1.131370830e+01, v10;
	v12 =	vld [tilespmem:s10+$0x6470]  }
0x1ef: {  	v4 =	vadd.f32 v4, v11;
	v9 =	vmul.f32 $1.131370830e+01, v9;
	v11 =	vld [tilespmem:s10+$0x60]  }
0x1f0: {  	s16 =	sshra.s32 s11, $0x2;
	[tilespmem:s10+$0x6400] =	vst v5;
	v3 =	vadd.f32 v3, v10;
	v8 =	vmul.f32 $1.131370830e+01, v8;
	v10 =	vld [tilespmem:s10+$0x70]  }
0x1f1: {  	v5 =	vld [tilespmem:s16+$0x0];
	[tilespmem:s10+$0x6410] =	vst v4;
	v2 =	vadd.f32 v2, v9;
	v7 =	vmul.f32 $1.131370830e+01, v7  }
0x1f2: {  	v4 =	vld [tilespmem:s16+$0x10];
	[tilespmem:s10+$0x6420] =	vst v3;
	v1 =	vadd.f32 v1, v8;
	v6 =	vmul.f32 $1.131370830e+01, v6  }
0x1f3: {  	v3 =	vld [tilespmem:s16+$0x20];
	[tilespmem:s10+$0x6430] =	vst v2;
	v0 =	vadd.f32 v0, v7;
	v7 =	vmul.f32 $1.131370830e+01, v12  }
0x1f4: {  	v2 =	vld [tilespmem:s16+$0x30];
	[tilespmem:s10+$0x6440] =	vst v1;
	v6 =	vadd.f32 v11, v6  }
0x1f5: {  	v1 =	vld [tilespmem:s16+$0x40];
	[tilespmem:s10+$0x6450] =	vst v0;
	v7 =	vadd.f32 v10, v7  }
0x1f6: {  	v0 =	vld [tilespmem:s16+$0x50];
	[tilespmem:s10+$0x6460] =	vst v6  }
0x1f7: {  	v6 =	vld [tilespmem:s16+$0x6400];
	[tilespmem:s10+$0x6470] =	vst v7;
	s10 =	smov.u32 s16  }
0x1f8: {  	v11 =	vld [tilespmem:s10+$0x6410]  }
.Ltmp9:
0x1f9: {  	v10 =	vld [tilespmem:s10+$0x6420];
	(pc) =	sbr.rel @p0 .LBB2_20-.Ltmp9, $4  }
0x1fa: {  	v9 =	vld [tilespmem:s10+$0x6430]  }
0x1fb: {  	v8 =	vld [tilespmem:s10+$0x6440]  }
0x1fc: {  	v12 =	vmul.f32 $1.131370830e+01, v6;
	v7 =	vld [tilespmem:s10+$0x6450]  }
0x1fd: {  	s11 =	sadd.s32 $0x200, s11;
	v11 =	vmul.f32 $1.131370830e+01, v11;
	v6 =	vld [tilespmem:s10+$0x6460]  }
0x1fe: {  	v5 =	vadd.f32 v5, v12;
	v12 =	vld [tilespmem:s10+$0x6470];
	v10 =	vmul.f32 $1.131370830e+01, v10  }
0x1ff: {  	v13 =	vld [tilespmem:s10+$0x60];
	v4 =	vadd.f32 v4, v11;
	v9 =	vmul.f32 $1.131370830e+01, v9  }
0x200: {  	[tilespmem:s10+$0x6400] =	vst v5;
	v3 =	vadd.f32 v3, v10;
	v5 =	vmul.f32 $1.131370830e+01, v8;
	v8 =	vld [tilespmem:s10+$0x70]  }
0x201: {  	[tilespmem:s10+$0x6410] =	vst v4;
	v2 =	vadd.f32 v2, v9;
	v4 =	vmul.f32 $1.131370830e+01, v7  }
0x202: {  	[tilespmem:s10+$0x6420] =	vst v3;
	v1 =	vadd.f32 v1, v5;
	v3 =	vmul.f32 $1.131370830e+01, v6  }
0x203: {  	[tilespmem:s10+$0x6430] =	vst v2;
	v0 =	vadd.f32 v0, v4;
	v2 =	vmul.f32 $1.131370830e+01, v12  }
0x204: {  	[tilespmem:s10+$0x6440] =	vst v1;
	v1 =	vadd.f32 v13, v3  }
0x205: {  	[tilespmem:s10+$0x6450] =	vst v0;
	v0 =	vadd.f32 v8, v2  }
0x206: {  	[tilespmem:s10+$0x6460] =	vst v1  }
0x207: {  	s31 =	simm.s32 $0x0;
	s11 =	rddreg [dreg:$0x13];
	[tilespmem:s10+$0x6470] =	vst v0  }
0x208: {  	[hbm4b:s11+s31] =	stream.linear.scatter [tilespmem:s18], [sflag:$0x5], $0x6400, $0x38;
	[tilespmem:$0x1F800] =	vst v63  }
0x209: {  	_ =	swait.ge [sflag:s9], $0x6400  }
0x20a: {  	[sflag:s9] =	ssyncset.done $0x0  }
0x20b: {  	[sflag:s9] =	ssyncadd.s32 $0xFFFF9C00  }
0x20c: {  	_ =	swait.ge [sflag:s23], $0xC8  }
0x20d: {  	[sflag:s23] =	ssyncset.done $0x0  }
0x20e: {  	[sflag:s23] =	ssyncadd.s32 $0xFFFFFF38  }
0x20f: {  	[tilespmem:s24], [sflag:$0x3] =	stream.indirect.gather [hbm4b:s1+s17], $0x80, s13, s17, $0xb8;
	[tilespmem:$0x1F800] =	vst v63  }
0x210: {  	_ =	swait.ge [sflag:s25], $0x6400  }
0x211: {  	[sflag:s25] =	ssyncset.done $0x0  }
0x212: {  	s10 =	simm.s32 $0x0;
	[sflag:s25] =	ssyncadd.s32 $0xFFFF9C00  }
0x213: {  	v5 =	vld [tilespmem:s10+$0x0]  }
0x214: {  	v4 =	vld [tilespmem:s10+$0x10]  }
0x215: {  	v3 =	vld [tilespmem:s10+$0x20]  }
0x216: {  	v2 =	vld [tilespmem:s10+$0x30]  }
0x217: {  	v1 =	vld [tilespmem:s10+$0x40]  }
0x218: {  	v0 =	vld [tilespmem:s10+$0x50]  }
0x219: {  	v6 =	vld [tilespmem:s10+$0xC800]  }
0x21a: {  	v11 =	vld [tilespmem:s10+$0xC810]  }
0x21b: {  	v10 =	vld [tilespmem:s10+$0xC820]  }
0x21c: {  	v9 =	vld [tilespmem:s10+$0xC830]  }
0x21d: {  	v8 =	vld [tilespmem:s10+$0xC840]  }
0x21e: {  	v7 =	vld [tilespmem:s10+$0xC850];
	v12 =	vmul.f32 $1.131370830e+01, v6  }
0x21f: {  	s11 =	simm.s32 $0x200;
	v11 =	vmul.f32 $1.131370830e+01, v11;
	v6 =	vld [tilespmem:s10+$0xC860]  }
.LBB2_22:
0x220: {  	p0 =	sne.s32 s11, $0x18E00;
	v5 =	vadd.f32 v5, v12;
	v10 =	vmul.f32 $1.131370830e+01, v10;
	v12 =	vld [tilespmem:s10+$0xC870]  }
0x221: {  	v4 =	vadd.f32 v4, v11;
	v9 =	vmul.f32 $1.131370830e+01, v9;
	v11 =	vld [tilespmem:s10+$0x60]  }
0x222: {  	s16 =	sshra.s32 s11, $0x2;
	[tilespmem:s10+$0xC800] =	vst v5;
	v3 =	vadd.f32 v3, v10;
	v8 =	vmul.f32 $1.131370830e+01, v8;
	v10 =	vld [tilespmem:s10+$0x70]  }
0x223: {  	v5 =	vld [tilespmem:s16+$0x0];
	[tilespmem:s10+$0xC810] =	vst v4;
	v2 =	vadd.f32 v2, v9;
	v7 =	vmul.f32 $1.131370830e+01, v7  }
0x224: {  	v4 =	vld [tilespmem:s16+$0x10];
	[tilespmem:s10+$0xC820] =	vst v3;
	v1 =	vadd.f32 v1, v8;
	v6 =	vmul.f32 $1.131370830e+01, v6  }
0x225: {  	v3 =	vld [tilespmem:s16+$0x20];
	[tilespmem:s10+$0xC830] =	vst v2;
	v0 =	vadd.f32 v0, v7;
	v7 =	vmul.f32 $1.131370830e+01, v12  }
0x226: {  	v2 =	vld [tilespmem:s16+$0x30];
	[tilespmem:s10+$0xC840] =	vst v1;
	v6 =	vadd.f32 v11, v6  }
0x227: {  	v1 =	vld [tilespmem:s16+$0x40];
	[tilespmem:s10+$0xC850] =	vst v0;
	v7 =	vadd.f32 v10, v7  }
0x228: {  	v0 =	vld [tilespmem:s16+$0x50];
	[tilespmem:s10+$0xC860] =	vst v6  }
0x229: {  	v6 =	vld [tilespmem:s16+$0xC800];
	[tilespmem:s10+$0xC870] =	vst v7;
	s10 =	smov.u32 s16  }
0x22a: {  	v11 =	vld [tilespmem:s10+$0xC810]  }
.Ltmp10:
0x22b: {  	v10 =	vld [tilespmem:s10+$0xC820];
	(pc) =	sbr.rel @p0 .LBB2_22-.Ltmp10, $4  }
0x22c: {  	v9 =	vld [tilespmem:s10+$0xC830]  }
0x22d: {  	v8 =	vld [tilespmem:s10+$0xC840]  }
0x22e: {  	v12 =	vmul.f32 $1.131370830e+01, v6;
	v7 =	vld [tilespmem:s10+$0xC850]  }
0x22f: {  	s11 =	sadd.s32 $0x200, s11;
	v11 =	vmul.f32 $1.131370830e+01, v11;
	v6 =	vld [tilespmem:s10+$0xC860]  }
0x230: {  	v5 =	vadd.f32 v5, v12;
	v12 =	vld [tilespmem:s10+$0xC870];
	v10 =	vmul.f32 $1.131370830e+01, v10  }
0x231: {  	v13 =	vld [tilespmem:s10+$0x60];
	v4 =	vadd.f32 v4, v11;
	v9 =	vmul.f32 $1.131370830e+01, v9  }
0x232: {  	[tilespmem:s10+$0xC800] =	vst v5;
	v3 =	vadd.f32 v3, v10;
	v5 =	vmul.f32 $1.131370830e+01, v8;
	v8 =	vld [tilespmem:s10+$0x70]  }
0x233: {  	[tilespmem:s10+$0xC810] =	vst v4;
	v2 =	vadd.f32 v2, v9;
	v4 =	vmul.f32 $1.131370830e+01, v7  }
0x234: {  	[tilespmem:s10+$0xC820] =	vst v3;
	v1 =	vadd.f32 v1, v5;
	v3 =	vmul.f32 $1.131370830e+01, v6  }
0x235: {  	[tilespmem:s10+$0xC830] =	vst v2;
	v0 =	vadd.f32 v0, v4;
	v2 =	vmul.f32 $1.131370830e+01, v12  }
0x236: {  	[tilespmem:s10+$0xC840] =	vst v1;
	v1 =	vadd.f32 v13, v3  }
0x237: {  	[tilespmem:s10+$0xC850] =	vst v0;
	v0 =	vadd.f32 v8, v2  }
0x238: {  	[tilespmem:s10+$0xC860] =	vst v1  }
0x239: {  	s31 =	simm.s32 $0x0;
	s11 =	rddreg [dreg:$0x14];
	[tilespmem:s10+$0xC870] =	vst v0  }
0x23a: {  	[hbm4b:s11+s31] =	stream.linear.scatter [tilespmem:s21], [sflag:$0x6], $0x6400, $0x38;
	[tilespmem:$0x1F800] =	vst v63  }
0x23b: {  	_ =	swait.ge [sflag:s6], $0x6400  }
0x23c: {  	[sflag:s6] =	ssyncset.done $0x0  }
0x23d: {  	[sflag:s6] =	ssyncadd.s32 $0xFFFF9C00  }
0x23e: {  	_ =	swait.ge [sflag:s26], $0xC8  }
0x23f: {  	[sflag:s26] =	ssyncset.done $0x0  }
0x240: {  	[sflag:s26] =	ssyncadd.s32 $0xFFFFFF38  }
0x241: {  	[tilespmem:s28], [sflag:$0x4] =	stream.indirect.gather [hbm4b:s1+s17], $0x80, s14, s17, $0xb8;
	[tilespmem:$0x1F800] =	vst v63  }
0x242: {  	_ =	swait.ge [sflag:s29], $0x6400  }
0x243: {  	[sflag:s29] =	ssyncset.done $0x0  }
0x244: {  	s10 =	simm.s32 $0x0;
	[sflag:s29] =	ssyncadd.s32 $0xFFFF9C00  }
0x245: {  	v5 =	vld [tilespmem:s10+$0x0]  }
0x246: {  	v4 =	vld [tilespmem:s10+$0x10]  }
0x247: {  	v3 =	vld [tilespmem:s10+$0x20]  }
0x248: {  	v2 =	vld [tilespmem:s10+$0x30]  }
0x249: {  	v1 =	vld [tilespmem:s10+$0x40]  }
0x24a: {  	v0 =	vld [tilespmem:s10+$0x50]  }
0x24b: {  	v6 =	vld [tilespmem:s10+$0x12C00]  }
0x24c: {  	v11 =	vld [tilespmem:s10+$0x12C10]  }
0x24d: {  	v10 =	vld [tilespmem:s10+$0x12C20]  }
0x24e: {  	v9 =	vld [tilespmem:s10+$0x12C30]  }
0x24f: {  	v8 =	vld [tilespmem:s10+$0x12C40]  }
0x250: {  	v7 =	vld [tilespmem:s10+$0x12C50];
	v12 =	vmul.f32 $1.131370830e+01, v6  }
0x251: {  	s11 =	simm.s32 $0x200;
	v11 =	vmul.f32 $1.131370830e+01, v11;
	v6 =	vld [tilespmem:s10+$0x12C60]  }
.LBB2_24:
0x252: {  	p0 =	sne.s32 s11, $0x18E00;
	v5 =	vadd.f32 v5, v12;
	v10 =	vmul.f32 $1.131370830e+01, v10;
	v12 =	vld [tilespmem:s10+$0x12C70]  }
0x253: {  	v4 =	vadd.f32 v4, v11;
	v9 =	vmul.f32 $1.131370830e+01, v9;
	v11 =	vld [tilespmem:s10+$0x60]  }
0x254: {  	s16 =	sshra.s32 s11, $0x2;
	[tilespmem:s10+$0x12C00] =	vst v5;
	v3 =	vadd.f32 v3, v10;
	v8 =	vmul.f32 $1.131370830e+01, v8;
	v10 =	vld [tilespmem:s10+$0x70]  }
0x255: {  	v5 =	vld [tilespmem:s16+$0x0];
	[tilespmem:s10+$0x12C10] =	vst v4;
	v2 =	vadd.f32 v2, v9;
	v7 =	vmul.f32 $1.131370830e+01, v7  }
0x256: {  	v4 =	vld [tilespmem:s16+$0x10];
	[tilespmem:s10+$0x12C20] =	vst v3;
	v1 =	vadd.f32 v1, v8;
	v6 =	vmul.f32 $1.131370830e+01, v6  }
0x257: {  	v3 =	vld [tilespmem:s16+$0x20];
	[tilespmem:s10+$0x12C30] =	vst v2;
	v0 =	vadd.f32 v0, v7;
	v7 =	vmul.f32 $1.131370830e+01, v12  }
0x258: {  	v2 =	vld [tilespmem:s16+$0x30];
	[tilespmem:s10+$0x12C40] =	vst v1;
	v6 =	vadd.f32 v11, v6  }
0x259: {  	v1 =	vld [tilespmem:s16+$0x40];
	[tilespmem:s10+$0x12C50] =	vst v0;
	v7 =	vadd.f32 v10, v7  }
0x25a: {  	v0 =	vld [tilespmem:s16+$0x50];
	[tilespmem:s10+$0x12C60] =	vst v6  }
0x25b: {  	v6 =	vld [tilespmem:s16+$0x12C00];
	[tilespmem:s10+$0x12C70] =	vst v7;
	s10 =	smov.u32 s16  }
0x25c: {  	v11 =	vld [tilespmem:s10+$0x12C10]  }
.Ltmp11:
0x25d: {  	v10 =	vld [tilespmem:s10+$0x12C20];
	(pc) =	sbr.rel @p0 .LBB2_24-.Ltmp11, $4  }
0x25e: {  	v9 =	vld [tilespmem:s10+$0x12C30]  }
0x25f: {  	v8 =	vld [tilespmem:s10+$0x12C40]  }
0x260: {  	v12 =	vmul.f32 $1.131370830e+01, v6;
	v7 =	vld [tilespmem:s10+$0x12C50]  }
0x261: {  	s11 =	sadd.s32 $0x200, s11;
	v11 =	vmul.f32 $1.131370830e+01, v11;
	v6 =	vld [tilespmem:s10+$0x12C60]  }
0x262: {  	v5 =	vadd.f32 v5, v12;
	v12 =	vld [tilespmem:s10+$0x12C70];
	v10 =	vmul.f32 $1.131370830e+01, v10  }
0x263: {  	v13 =	vld [tilespmem:s10+$0x60];
	v4 =	vadd.f32 v4, v11;
	v9 =	vmul.f32 $1.131370830e+01, v9  }
0x264: {  	[tilespmem:s10+$0x12C00] =	vst v5;
	v3 =	vadd.f32 v3, v10;
	v5 =	vmul.f32 $1.131370830e+01, v8;
	v8 =	vld [tilespmem:s10+$0x70]  }
0x265: {  	[tilespmem:s10+$0x12C10] =	vst v4;
	v2 =	vadd.f32 v2, v9;
	v4 =	vmul.f32 $1.131370830e+01, v7  }
0x266: {  	[tilespmem:s10+$0x12C20] =	vst v3;
	v1 =	vadd.f32 v1, v5;
	v3 =	vmul.f32 $1.131370830e+01, v6  }
0x267: {  	[tilespmem:s10+$0x12C30] =	vst v2;
	v0 =	vadd.f32 v0, v4;
	v2 =	vmul.f32 $1.131370830e+01, v12  }
0x268: {  	[tilespmem:s10+$0x12C40] =	vst v1;
	v1 =	vadd.f32 v13, v3  }
0x269: {  	[tilespmem:s10+$0x12C50] =	vst v0;
	v0 =	vadd.f32 v8, v2  }
0x26a: {  	[tilespmem:s10+$0x12C60] =	vst v1  }
0x26b: {  	s31 =	simm.s32 $0x0;
	s11 =	rddreg [dreg:$0x15];
	[tilespmem:s10+$0x12C70] =	vst v0  }
0x26c: {  	[hbm4b:s11+s31] =	stream.linear.scatter [tilespmem:s24], [sflag:$0x7], $0x6400, $0x38;
	[tilespmem:$0x1F800] =	vst v63  }
0x26d: {  	_ =	swait.ge [sflag:s8], $0x6400  }
0x26e: {  	[sflag:s8] =	ssyncset.done $0x0  }
0x26f: {  	s10 =	simm.s32 $0x0;
	[sflag:s8] =	ssyncadd.s32 $0xFFFF9C00  }
0x270: {  	v5 =	vld [tilespmem:s10+$0x0]  }
0x271: {  	v4 =	vld [tilespmem:s10+$0x10]  }
0x272: {  	v3 =	vld [tilespmem:s10+$0x20]  }
0x273: {  	v2 =	vld [tilespmem:s10+$0x30]  }
0x274: {  	v1 =	vld [tilespmem:s10+$0x40]  }
0x275: {  	v0 =	vld [tilespmem:s10+$0x50]  }
0x276: {  	v6 =	vld [tilespmem:s10+$0x19000]  }
0x277: {  	v11 =	vld [tilespmem:s10+$0x19010]  }
0x278: {  	v10 =	vld [tilespmem:s10+$0x19020]  }
0x279: {  	v9 =	vld [tilespmem:s10+$0x19030]  }
0x27a: {  	v8 =	vld [tilespmem:s10+$0x19040]  }
0x27b: {  	v7 =	vld [tilespmem:s10+$0x19050];
	v12 =	vmul.f32 $1.131370830e+01, v6  }
0x27c: {  	s11 =	simm.s32 $0x200;
	v11 =	vmul.f32 $1.131370830e+01, v11;
	v6 =	vld [tilespmem:s10+$0x19060]  }
.LBB2_26:
0x27d: {  	p0 =	sne.s32 s11, $0x18E00;
	v5 =	vadd.f32 v5, v12;
	v10 =	vmul.f32 $1.131370830e+01, v10;
	v12 =	vld [tilespmem:s10+$0x19070]  }
0x27e: {  	v4 =	vadd.f32 v4, v11;
	v9 =	vmul.f32 $1.131370830e+01, v9;
	v11 =	vld [tilespmem:s10+$0x60]  }
0x27f: {  	s16 =	sshra.s32 s11, $0x2;
	[tilespmem:s10+$0x19000] =	vst v5;
	v3 =	vadd.f32 v3, v10;
	v8 =	vmul.f32 $1.131370830e+01, v8;
	v10 =	vld [tilespmem:s10+$0x70]  }
0x280: {  	v5 =	vld [tilespmem:s16+$0x0];
	[tilespmem:s10+$0x19010] =	vst v4;
	v2 =	vadd.f32 v2, v9;
	v7 =	vmul.f32 $1.131370830e+01, v7  }
0x281: {  	v4 =	vld [tilespmem:s16+$0x10];
	[tilespmem:s10+$0x19020] =	vst v3;
	v1 =	vadd.f32 v1, v8;
	v6 =	vmul.f32 $1.131370830e+01, v6  }
0x282: {  	v3 =	vld [tilespmem:s16+$0x20];
	[tilespmem:s10+$0x19030] =	vst v2;
	v0 =	vadd.f32 v0, v7;
	v7 =	vmul.f32 $1.131370830e+01, v12  }
0x283: {  	v2 =	vld [tilespmem:s16+$0x30];
	[tilespmem:s10+$0x19040] =	vst v1;
	v6 =	vadd.f32 v11, v6  }
0x284: {  	v1 =	vld [tilespmem:s16+$0x40];
	[tilespmem:s10+$0x19050] =	vst v0;
	v7 =	vadd.f32 v10, v7  }
0x285: {  	v0 =	vld [tilespmem:s16+$0x50];
	[tilespmem:s10+$0x19060] =	vst v6  }
0x286: {  	v6 =	vld [tilespmem:s16+$0x19000];
	[tilespmem:s10+$0x19070] =	vst v7;
	s10 =	smov.u32 s16  }
0x287: {  	v11 =	vld [tilespmem:s10+$0x19010]  }
.Ltmp12:
0x288: {  	v10 =	vld [tilespmem:s10+$0x19020];
	(pc) =	sbr.rel @p0 .LBB2_26-.Ltmp12, $4  }
0x289: {  	v9 =	vld [tilespmem:s10+$0x19030]  }
0x28a: {  	v8 =	vld [tilespmem:s10+$0x19040]  }
0x28b: {  	v12 =	vmul.f32 $1.131370830e+01, v6;
	v7 =	vld [tilespmem:s10+$0x19050]  }
0x28c: {  	s11 =	sadd.s32 $0x200, s11;
	v11 =	vmul.f32 $1.131370830e+01, v11;
	v6 =	vld [tilespmem:s10+$0x19060]  }
0x28d: {  	v5 =	vadd.f32 v5, v12;
	v56 =	vld [tilespmem:s10+$0x19070];
	v10 =	vmul.f32 $1.131370830e+01, v10  }
0x28e: {  	v13 =	vld [tilespmem:s10+$0x60];
	v4 =	vadd.f32 v4, v11;
	v9 =	vmul.f32 $1.131370830e+01, v9  }
0x28f: {  	v58 =	vld [tilespmem:s10+$0x70];
	[tilespmem:s10+$0x19000] =	vst v5;
	v3 =	vadd.f32 v3, v10;
	v57 =	vmul.f32 $1.131370830e+01, v8  }
0x290: {  	[tilespmem:s10+$0x19010] =	vst v4;
	v2 =	vadd.f32 v2, v9;
	v59 =	vmul.f32 $1.131370830e+01, v7  }
0x291: {  	[tilespmem:s10+$0x19020] =	vst v3;
	v1 =	vadd.f32 v1, v57;
	v60 =	vmul.f32 $1.131370830e+01, v6  }
0x292: {  	[tilespmem:s10+$0x19030] =	vst v2;
	v0 =	vadd.f32 v0, v59;
	v61 =	vmul.f32 $1.131370830e+01, v56  }
0x293: {  	[tilespmem:s10+$0x19040] =	vst v1;
	v62 =	vadd.f32 v13, v60  }
0x294: {  	[tilespmem:s10+$0x19050] =	vst v0;
	v63 =	vadd.f32 v58, v61  }
0x295: {  	[tilespmem:s10+$0x19060] =	vst v62  }
0x296: {  	s20 =	rddreg [dreg:$0x16];
	[tilespmem:s10+$0x19070] =	vst v63  }
0x297: {  	[hbm4b:s20+s5] =	stream.linear.scatter [tilespmem:s28], [sflag:$0x8], $0x6400, $0x38;
	[tilespmem:$0x1F800] =	vst v63  }
0x298: {  	_ =	swait.ge [sflag:s30], $0x6400  }
0x299: {  	[sflag:s30] =	ssyncset.done $0x0  }
0x29a: {  	[sflag:s30] =	ssyncadd.s32 $0xFFFF9C00  }
0x29b: {  	_ =	swait.ge [sflag:s0], $0x6400  }
0x29c: {  	[sflag:s0] =	ssyncset.done $0x0  }
0x29d: {  	[sflag:s0] =	ssyncadd.s32 $0xFFFF9C00  }
0x29e: {  	_ =	swait.ge [sflag:s9], $0x6400  }
0x29f: {  	[sflag:s9] =	ssyncset.done $0x0  }
0x2a0: {  	[sflag:s9] =	ssyncadd.s32 $0xFFFF9C00  }
0x2a1: {  	_ =	swait.ge [sflag:s6], $0x6400  }
0x2a2: {  	s11 =	rddreg [dreg:$0x1c]  }
0x2a3: {  	s31 =	rddreg [dreg:$0x17];
	s11 =	sadd.s32 $0x1, s11  }
0x2a4: {  	p0 =	sne.s32 s11, s31  }
.Ltmp13:
0x2a5: {  	_ = 	snop;
	(pc) =	sbr.rel @p0 .LBB2_1-.Ltmp13, $3  }
0x2a6: {  	_ =	sdelay $0x1  }
0x2a7: {  	[sflag:s6] =	ssyncset.done $0x0  }
0x2a8: {  	[sflag:s6] =	ssyncadd.s32 $0xFFFF9C00  }
0x2a9: {  	_ =	sfence.sel $0x180000  }
0x2aa: {  	[bflag:$0x0] =	sbarrier.arrive $0xFFFF  }
0x2ab: {  	_ =	strace $0x90000047  }
0x2ac: {  	s0 =	stileid.u32;
	[bflag:$0x2] =	sbarrier.arrive $0xFFFF  }
0x2ad: {  	p0 =	sne.s32 s0, $0x0;
	s0 =	rddreg [dreg:$0x3]  }
0x2ae: {  	s0 =	sadd.s32 @!p0 $0x100000, s0  }
0x2af: {  	[sflag:s0] =	ssyncadd.tile.s32 @!p0 $0x1;
	_ =	shalt  }
.Lfunc_end2:
_tile_overlayer_lowered:
.L_overlay_start_2:
0x2b0: {  	(tag) =	ssettag $0x2  }
0x2b1: {  	s0 =	rddreg [dreg:$0x0];
	s2 =	stileid.u32  }
0x2b2: {  	s1 =	rddreg [dreg:$0x1];
	p0 =	sne.s32 s2, $0x0  }
0x2b3: {  	s3 =	rddreg [dreg:$0x2];
	[bflag:$0x3] =	sbarrier.arrive $0xFFFF;
	s2 =	simm.s32 @!p0 $0x1C0D  }
0x2b4: {  	[timem:s3], [sflag:s2] =	dma.local @!p0 [hbm:s0], s1  }
0x2b5: {  	s0 =	simm.s32 @!p0 $0xD  }
0x2b6: {  	_ =	swait.ge @!p0 [sflag:s0], s1  }
0x2b7: {  	s1 =	ssub.s32 @!p0 $0x0, s1;
	[sflag:s0] =	ssyncset.done @!p0 $0x0  }
0x2b8: {  	[sflag:s0] =	ssyncadd.s32 @!p0 s1  }
0x2b9: {  	[bflag:$0x3] =	sbarrier.arrive $0xFFFF  }
0x2ba: {  	_ =	shalt  }

</sc_bundles>
